<compile_context>
chip_gen: v7x
topology: tpu7x:2x2x1
jax: 0.10.2.dev20260603
libtpu: 0.0.44.dev20260713+nightly
codegen_flags: <defaults>
</compile_context>

<pallas_src>
import functools

import jax
import jax.numpy as jnp
from jax import lax
from jax.experimental import pallas as pl
from jax.experimental.pallas import tpu as pltpu
from jax.experimental.pallas import tpu_sc as plsc

NC = 2
NS = 16
NW = NC * NS

CHUNK = 128
NBUF = 5

VOCAB = 1000000
DP = 64
NVREG = DP // 16
SEG_LEN = 1000
BATCH = 1024
SEG_PER_W = BATCH // NW
IDX_PER_W = SEG_PER_W * SEG_LEN
CHUNKS_PER_W = IDX_PER_W // CHUNK

ROWS_BM = 5000


def _proj_body(xa_ref, xb_ref, w_ref, b_ref, o_ref):
  pa = lax.dot_general(
      xa_ref[...], w_ref[...], (((1,), (1,)), ((), ())),
      preferred_element_type=jnp.float32) + b_ref[...]
  pb = lax.dot_general(
      xb_ref[...], w_ref[...], (((1,), (1,)), ((), ())),
      preferred_element_type=jnp.float32) + b_ref[...]
  o_ref[...] = jnp.concatenate([pa, pb], axis=1)


def _sc_body(idx_hbm, p_hbm, out_hbm, idx_v, rows_bufs, stag, sems):
  wid = lax.axis_index("s") * NC + lax.axis_index("c")
  base = wid * IDX_PER_W

  pltpu.sync_copy(idx_hbm.at[pl.ds(base, IDX_PER_W)], idx_v)

  def start_gather(g, b):
    pltpu.async_copy(
        p_hbm.at[idx_v.at[pl.ds(g * CHUNK, CHUNK)]], rows_bufs[b], sems[b])

  def wait_gather(b):
    pltpu.make_async_copy(
        p_hbm.at[idx_v.at[pl.ds(0, CHUNK)]], rows_bufs[b], sems[b]).wait()

  for b in range(NBUF):
    start_gather(b, b)

  zeros = tuple(jnp.zeros((16,), jnp.float32) for _ in range(NVREG))
  inv = jnp.float32(1.0 / SEG_LEN)

  def accum_pairs(rows, plo, phi, acc):
    def pair_body(q, acc):
      r0 = 2 * q
      new = []
      for k in range(NVREG):
        v = rows[r0, pl.ds(16 * k, 16)] + rows[r0 + 1, pl.ds(16 * k, 16)]
        new.append(acc[k] + v)
      return tuple(new)

    return lax.fori_loop(plo, phi, pair_body, acc)

  def process_chunk(g, b, acc):
    rows = rows_bufs[b]
    seg = (g * CHUNK) // SEG_LEN
    bnd = (seg + 1) * SEG_LEN - g * CHUNK
    has_b = bnd <= CHUNK
    nb = jnp.minimum(bnd, CHUNK)

    acc = accum_pairs(rows, 0, nb // 2, acc)

    @pl.when(has_b)
    def _flush():
      for k in range(NVREG):
        stag[seg, pl.ds(16 * k, 16)] = acc[k] * inv

    keep = jnp.where(has_b, jnp.float32(0.0), jnp.float32(1.0))
    acc = tuple(a * keep for a in acc)
    acc = accum_pairs(rows, nb // 2, CHUNK // 2, acc)
    return acc

  def outer(o, acc):
    for b in range(NBUF):
      g = o * NBUF + b
      wait_gather(b)
      acc = process_chunk(g, b, acc)

      @pl.when(g + NBUF < CHUNKS_PER_W)
      def _next():
        start_gather(g + NBUF, b)

    return acc

  lax.fori_loop(0, CHUNKS_PER_W // NBUF, outer, zeros)

  pltpu.sync_copy(stag, out_hbm.at[pl.ds(wid * SEG_PER_W, SEG_PER_W)])


@jax.jit
def kernel(sents_batch, emb_table, W, b):
  batch, sent_count, sent_len = sents_batch.shape
  n_class = W.shape[0]
  flat_idx = sents_batch.reshape(batch * sent_count * sent_len)
  flat_idx = jnp.where(flat_idx < VOCAB // 2,
                       2 * flat_idx,
                       2 * flat_idx - (VOCAB - 1)).astype(jnp.int32)

  w_pad = jnp.zeros((DP, W.shape[1]), jnp.float32).at[:n_class].set(W)
  b_pad = jnp.zeros((1, DP), jnp.float32).at[0, :n_class].set(b)

  half_blocks = (VOCAB // 2) // ROWS_BM
  proj = pl.pallas_call(
      _proj_body,
      grid=(half_blocks,),
      in_specs=[
          pl.BlockSpec((ROWS_BM, emb_table.shape[1]), lambda i: (i, 0)),
          pl.BlockSpec((ROWS_BM, emb_table.shape[1]),
                       lambda i: (i + half_blocks, 0)),
          pl.BlockSpec((DP, emb_table.shape[1]), lambda i: (0, 0)),
          pl.BlockSpec((1, DP), lambda i: (0, 0)),
      ],
      out_specs=pl.BlockSpec((ROWS_BM, 2 * DP), lambda i: (i, 0)),
      out_shape=jax.ShapeDtypeStruct((VOCAB // 2, 2 * DP), jnp.float32),
  )(emb_table, emb_table, w_pad, b_pad)
  proj = proj.reshape(VOCAB, DP)

  mesh = plsc.VectorSubcoreMesh(
      core_axis_name="c", subcore_axis_name="s",
      num_cores=NC, num_subcores=NS)

  sc_fn = pl.kernel(
      _sc_body,
      out_type=jax.ShapeDtypeStruct((BATCH, DP), jnp.float32),
      mesh=mesh,
      compiler_params=pltpu.CompilerParams(use_tc_tiling_on_sc=False),
      scratch_types=[
          pltpu.VMEM((IDX_PER_W,), jnp.int32),
          [pltpu.VMEM((CHUNK, DP), jnp.float32) for _ in range(NBUF)],
          pltpu.VMEM((SEG_PER_W, DP), jnp.float32),
          [pltpu.SemaphoreType.DMA for _ in range(NBUF)],
      ],
  )
  pooled = sc_fn(flat_idx, proj)
  return pooled[:, :n_class]

# --- scband reference (transcript-rebuilt; emitter-appended) ---
"""Pipeline reference for scband-classifier-89232240542175 (READ-ONLY COPY).

The authoritative reference and input builder live on the scoring server;
editing this copy changes nothing except your own understanding.
"""

import jax, jax.numpy as jnp
import numpy as np

VOCAB = 1000000
EMB_DIM = 200
CLASS_COUNT = 50
BATCH = 1024
SENT_COUNT = 20
SENT_LEN = 50

def setup_inputs(seed: int = 0) -> dict:
    key = jax.random.key(seed)
    k1, k2, k3, k4 = jax.random.split(key, 4)
    sents_batch = jax.random.randint(k1, (BATCH, SENT_COUNT, SENT_LEN), 0, VOCAB, dtype=jnp.int64 if jax.config.jax_enable_x64 else jnp.int32).astype(jnp.int32)
    emb_table = jax.random.uniform(k2, (VOCAB, EMB_DIM), dtype=jnp.float32, minval=-0.5, maxval=0.5)
    W = jax.random.uniform(k3, (CLASS_COUNT, EMB_DIM), dtype=jnp.float32, minval=-0.5, maxval=0.5)
    b = jax.random.uniform(k4, (CLASS_COUNT,), dtype=jnp.float32, minval=-0.5, maxval=0.5)
    return {"sents_batch": sents_batch, "emb_table": emb_table, "W": W, "b": b}

def reference(sents_batch, emb_table, W, b):
    batch_size, sent_count, sent_len = sents_batch.shape
    flat_sents = sents_batch.reshape(batch_size * sent_count, sent_len)
    # EmbeddingBag default mode='mean': gather rows then mean over bag dim
    gathered = jnp.take(emb_table, flat_sents, axis=0)  # (B*S, L, D)
    flat_sent_embs = gathered.mean(axis=1)              # (B*S, D)
    sent_embs_batch = flat_sent_embs.reshape(batch_size, sent_count, -1)
    avg_sent_emb_batch = sent_embs_batch.mean(axis=1)   # (B, D)
    logits_batch = avg_sent_emb_batch @ W.T + b         # (B, class_count)
    return logits_batch

if __name__ == "__main__":
    import jax
    _d = setup_inputs()
    print(jax.jit(kernel)(*tuple(_d.values())))

</pallas_src>

<mosaic_0001>
#map = affine_map<(d0, d1) -> (0)>
#map1 = affine_map<(d0, d1) -> (0, 0)>
module attributes {stable_mosaic.version = 14 : i64} {
  func.func @_sc_body(%arg0: i32, %arg1: i32, %arg2: memref<1024000xi32, #tpu.memory_space<hbm>>, %arg3: memref<1000000x64xf32, #tpu.memory_space<hbm>>, %arg4: memref<1024x64xf32, #tpu.memory_space<hbm>>, %arg5: memref<32000xi32, #tpu.memory_space<vmem>>, %arg6: memref<128x64xf32, #tpu.memory_space<vmem>>, %arg7: memref<128x64xf32, #tpu.memory_space<vmem>>, %arg8: memref<128x64xf32, #tpu.memory_space<vmem>>, %arg9: memref<128x64xf32, #tpu.memory_space<vmem>>, %arg10: memref<128x64xf32, #tpu.memory_space<vmem>>, %arg11: memref<32x64xf32, #tpu.memory_space<vmem>>, %arg12: memref<!tpu.dma_semaphore, #tpu.memory_space<semaphore_mem>>, %arg13: memref<!tpu.dma_semaphore, #tpu.memory_space<semaphore_mem>>, %arg14: memref<!tpu.dma_semaphore, #tpu.memory_space<semaphore_mem>>, %arg15: memref<!tpu.dma_semaphore, #tpu.memory_space<semaphore_mem>>, %arg16: memref<!tpu.dma_semaphore, #tpu.memory_space<semaphore_mem>>) attributes {dimension_semantics = [#tpu.dimension_semantics<core_parallel>, #tpu.dimension_semantics<subcore_parallel>], iteration_bounds = array<i64: 2, 16>, scalar_prefetch = 0 : i64, scratch_operands = 12 : i64, tpu.core_type = #tpu.core_type<sc_vector_subcore>, window_params = [{transform_indices = #map}, {transform_indices = #map1}, {transform_indices = #map1}]} {
    %mul3A = arith.constant 2 : i32
    %mul3A_0 = arith.muli %arg1, %mul3A : i32
    %add3A = arith.addi %mul3A_0, %arg0 : i32
    %mul3A_1 = arith.constant 32000 : i32
    %mul3A_2 = arith.muli %add3A, %mul3A_1 : i32
    "tpu.region"() ({
      %run_scoped3A = tpu.sem_alloc : memref<!tpu.dma_semaphore, #tpu.memory_space<semaphore_mem>>
      %dma_start3A_42 = tpu.memref_slice %arg2[%mul3A_2] : memref<1024000xi32, #tpu.memory_space<hbm>> -> memref<32000xi32, #tpu.memory_space<hbm>>
      %dma_start3A_43 = tpu.memref_slice %arg2[%mul3A_2] : memref<1024000xi32, #tpu.memory_space<hbm>> -> memref<32000xi32, #tpu.memory_space<hbm>>
      tpu.enqueue_dma source(%dma_start3A_43 : memref<32000xi32, #tpu.memory_space<hbm>>) target(%arg5 : memref<32000xi32, #tpu.memory_space<vmem>>) target_semaphore(%run_scoped3A : memref<!tpu.dma_semaphore, #tpu.memory_space<semaphore_mem>>)
      %dma_wait3A = tpu.memref_slice %arg2[%mul3A_2] : memref<1024000xi32, #tpu.memory_space<hbm>> -> memref<32000xi32, #tpu.memory_space<hbm>>
      %dma_wait3A_44 = tpu.memref_slice %arg2[%mul3A_2] : memref<1024000xi32, #tpu.memory_space<hbm>> -> memref<32000xi32, #tpu.memory_space<hbm>>
      tpu.wait_dma2 semaphore(%run_scoped3A : memref<!tpu.dma_semaphore, #tpu.memory_space<semaphore_mem>>) src(%dma_wait3A_44 : memref<32000xi32, #tpu.memory_space<hbm>>) dst(%arg5 : memref<32000xi32, #tpu.memory_space<vmem>>)
      tpu.yield
    }) : () -> ()
    %dma_start3A = arith.constant 0 : i32
    %dma_start3A_3 = tpu.memref_slice %arg5[%dma_start3A] : memref<32000xi32, #tpu.memory_space<vmem>> -> memref<128xi32, #tpu.memory_space<vmem>>
    %dma_start3A_4 = arith.constant 0 : i32
    %dma_start3A_5 = arith.constant 0 : i32
    %dma_start3A_6 = tpu.memref_slice %arg3[%dma_start3A_4, %dma_start3A_5] : memref<1000000x64xf32, #tpu.memory_space<hbm>> -> memref<1000000x64xf32, #tpu.memory_space<hbm>>
    tpu.enqueue_indirect_dma source(%dma_start3A_6 : memref<1000000x64xf32, #tpu.memory_space<hbm>>) target(%arg6 : memref<128x64xf32, #tpu.memory_space<vmem>>) offsets(%dma_start3A_3 : memref<128xi32, #tpu.memory_space<vmem>>) semaphore(%arg12 : memref<!tpu.dma_semaphore, #tpu.memory_space<semaphore_mem>>)
    %dma_start3A_7 = arith.constant 128 : i32
    %dma_start3A_8 = tpu.memref_slice %arg5[%dma_start3A_7] : memref<32000xi32, #tpu.memory_space<vmem>> -> memref<128xi32, #tpu.memory_space<vmem>>
    %dma_start3A_9 = arith.constant 0 : i32
    %dma_start3A_10 = arith.constant 0 : i32
    %dma_start3A_11 = tpu.memref_slice %arg3[%dma_start3A_9, %dma_start3A_10] : memref<1000000x64xf32, #tpu.memory_space<hbm>> -> memref<1000000x64xf32, #tpu.memory_space<hbm>>
    tpu.enqueue_indirect_dma source(%dma_start3A_11 : memref<1000000x64xf32, #tpu.memory_space<hbm>>) target(%arg7 : memref<128x64xf32, #tpu.memory_space<vmem>>) offsets(%dma_start3A_8 : memref<128xi32, #tpu.memory_space<vmem>>) semaphore(%arg13 : memref<!tpu.dma_semaphore, #tpu.memory_space<semaphore_mem>>)
    %dma_start3A_12 = arith.constant 256 : i32
    %dma_start3A_13 = tpu.memref_slice %arg5[%dma_start3A_12] : memref<32000xi32, #tpu.memory_space<vmem>> -> memref<128xi32, #tpu.memory_space<vmem>>
    %dma_start3A_14 = arith.constant 0 : i32
    %dma_start3A_15 = arith.constant 0 : i32
    %dma_start3A_16 = tpu.memref_slice %arg3[%dma_start3A_14, %dma_start3A_15] : memref<1000000x64xf32, #tpu.memory_space<hbm>> -> memref<1000000x64xf32, #tpu.memory_space<hbm>>
    tpu.enqueue_indirect_dma source(%dma_start3A_16 : memref<1000000x64xf32, #tpu.memory_space<hbm>>) target(%arg8 : memref<128x64xf32, #tpu.memory_space<vmem>>) offsets(%dma_start3A_13 : memref<128xi32, #tpu.memory_space<vmem>>) semaphore(%arg14 : memref<!tpu.dma_semaphore, #tpu.memory_space<semaphore_mem>>)
    %dma_start3A_17 = arith.constant 384 : i32
    %dma_start3A_18 = tpu.memref_slice %arg5[%dma_start3A_17] : memref<32000xi32, #tpu.memory_space<vmem>> -> memref<128xi32, #tpu.memory_space<vmem>>
    %dma_start3A_19 = arith.constant 0 : i32
    %dma_start3A_20 = arith.constant 0 : i32
    %dma_start3A_21 = tpu.memref_slice %arg3[%dma_start3A_19, %dma_start3A_20] : memref<1000000x64xf32, #tpu.memory_space<hbm>> -> memref<1000000x64xf32, #tpu.memory_space<hbm>>
    tpu.enqueue_indirect_dma source(%dma_start3A_21 : memref<1000000x64xf32, #tpu.memory_space<hbm>>) target(%arg9 : memref<128x64xf32, #tpu.memory_space<vmem>>) offsets(%dma_start3A_18 : memref<128xi32, #tpu.memory_space<vmem>>) semaphore(%arg15 : memref<!tpu.dma_semaphore, #tpu.memory_space<semaphore_mem>>)
    %dma_start3A_22 = arith.constant 512 : i32
    %dma_start3A_23 = tpu.memref_slice %arg5[%dma_start3A_22] : memref<32000xi32, #tpu.memory_space<vmem>> -> memref<128xi32, #tpu.memory_space<vmem>>
    %dma_start3A_24 = arith.constant 0 : i32
    %dma_start3A_25 = arith.constant 0 : i32
    %dma_start3A_26 = tpu.memref_slice %arg3[%dma_start3A_24, %dma_start3A_25] : memref<1000000x64xf32, #tpu.memory_space<hbm>> -> memref<1000000x64xf32, #tpu.memory_space<hbm>>
    tpu.enqueue_indirect_dma source(%dma_start3A_26 : memref<1000000x64xf32, #tpu.memory_space<hbm>>) target(%arg10 : memref<128x64xf32, #tpu.memory_space<vmem>>) offsets(%dma_start3A_23 : memref<128xi32, #tpu.memory_space<vmem>>) semaphore(%arg16 : memref<!tpu.dma_semaphore, #tpu.memory_space<semaphore_mem>>)
    %broadcast_in_dim3A = arith.constant 0.000000e+00 : f32
    %broadcast_in_dim3A_27 = vector.broadcast %broadcast_in_dim3A : f32 to vector<16xf32>
    %broadcast_in_dim3A_28 = arith.constant 0.000000e+00 : f32
    %broadcast_in_dim3A_29 = vector.broadcast %broadcast_in_dim3A_28 : f32 to vector<16xf32>
    %broadcast_in_dim3A_30 = arith.constant 0.000000e+00 : f32
    %broadcast_in_dim3A_31 = vector.broadcast %broadcast_in_dim3A_30 : f32 to vector<16xf32>
    %broadcast_in_dim3A_32 = arith.constant 0.000000e+00 : f32
    %broadcast_in_dim3A_33 = vector.broadcast %broadcast_in_dim3A_32 : f32 to vector<16xf32>
    %scan3A = arith.constant 1.000000e-03 : f32
    %scan3A_34 = arith.constant 0 : i32
    %scan3A_35 = arith.constant 50 : i32
    %scan3A_36 = arith.addi %scan3A_34, %scan3A_35 : i32
    %scan3A_37 = arith.constant 1 : i32
    %scan3A_38:4 = scf.for %scan3A_42 = %scan3A_34 to %scan3A_36 step %scan3A_37 iter_args(%scan3A_43 = %broadcast_in_dim3A_27, %scan3A_44 = %broadcast_in_dim3A_29, %scan3A_45 = %broadcast_in_dim3A_31, %scan3A_46 = %broadcast_in_dim3A_33) -> (vector<16xf32>, vector<16xf32>, vector<16xf32>, vector<16xf32>)  : i32 {
      %mul3A_47 = arith.constant 5 : i32
      %mul3A_48 = arith.muli %scan3A_42, %mul3A_47 : i32
      %add3A_49 = arith.constant 0 : i32
      %add3A_50 = arith.addi %mul3A_48, %add3A_49 : i32
      %dma_wait3A = arith.constant 0 : i32
      %dma_wait3A_51 = tpu.memref_slice %arg5[%dma_wait3A] : memref<32000xi32, #tpu.memory_space<vmem>> -> memref<128xi32, #tpu.memory_space<vmem>>
      %dma_wait3A_52 = arith.constant 0 : i32
      %dma_wait3A_53 = arith.constant 0 : i32
      %dma_wait3A_54 = tpu.memref_slice %arg3[%dma_wait3A_52, %dma_wait3A_53] : memref<1000000x64xf32, #tpu.memory_space<hbm>> -> memref<1000000x64xf32, #tpu.memory_space<hbm>>
      tpu.wait_indirect_dma semaphore(%arg12 : memref<!tpu.dma_semaphore, #tpu.memory_space<semaphore_mem>>) src(%dma_wait3A_54 : memref<1000000x64xf32, #tpu.memory_space<hbm>>) dst(%arg6 : memref<128x64xf32, #tpu.memory_space<vmem>>)
      %mul3A_55 = arith.constant 128 : i32
      %mul3A_56 = arith.muli %add3A_50, %mul3A_55 : i32
      %jit3A = arith.constant 1000 : i32
      %div3A = arith.divsi %mul3A_56, %jit3A : i32
      %sign3A = arith.constant 0 : i32
      %sign3A_57 = arith.cmpi sgt, %mul3A_56, %sign3A : i32
      %sign3A_58 = arith.extui %sign3A_57 : i1 to i32
      %sign3A_59 = arith.constant 0 : i32
      %sign3A_60 = arith.cmpi slt, %mul3A_56, %sign3A_59 : i32
      %sign3A_61 = arith.extui %sign3A_60 : i1 to i32
      %sign3A_62 = arith.subi %sign3A_58, %sign3A_61 : i32
      %sign3A_63 = arith.constant 0 : i32
      %sign3A_64 = arith.cmpi sgt, %jit3A, %sign3A_63 : i32
      %sign3A_65 = arith.extui %sign3A_64 : i1 to i32
      %sign3A_66 = arith.constant 0 : i32
      %sign3A_67 = arith.cmpi slt, %jit3A, %sign3A_66 : i32
      %sign3A_68 = arith.extui %sign3A_67 : i1 to i32
      %sign3A_69 = arith.subi %sign3A_65, %sign3A_68 : i32
      %ne3A = arith.cmpi ne, %sign3A_62, %sign3A_69 : i32
      %rem3A = arith.remsi %mul3A_56, %jit3A : i32
      %ne3A_70 = arith.constant 0 : i32
      %ne3A_71 = arith.cmpi ne, %rem3A, %ne3A_70 : i32
      %and3A = arith.andi %ne3A, %ne3A_71 : i1
      %sub3A = arith.constant 1 : i32
      %sub3A_72 = arith.subi %div3A, %sub3A : i32
      %select_n3A = arith.select %and3A, %sub3A_72, %div3A : i32
      %add3A_73 = arith.constant 1 : i32
      %add3A_74 = arith.addi %select_n3A, %add3A_73 : i32
      %mul3A_75 = arith.constant 1000 : i32
      %mul3A_76 = arith.muli %add3A_74, %mul3A_75 : i32
      %mul3A_77 = arith.constant 128 : i32
      %mul3A_78 = arith.muli %add3A_50, %mul3A_77 : i32
      %sub3A_79 = arith.subi %mul3A_76, %mul3A_78 : i32
      %le3A = arith.constant 128 : i32
      %le3A_80 = arith.cmpi sle, %sub3A_79, %le3A : i32
      %min3A = arith.constant 128 : i32
      %min3A_81 = arith.minsi %sub3A_79, %min3A : i32
      %jit3A_82 = arith.constant 2 : i32
      %div3A_83 = arith.divsi %min3A_81, %jit3A_82 : i32
      %sign3A_84 = arith.constant 0 : i32
      %sign3A_85 = arith.cmpi sgt, %min3A_81, %sign3A_84 : i32
      %sign3A_86 = arith.extui %sign3A_85 : i1 to i32
      %sign3A_87 = arith.constant 0 : i32
      %sign3A_88 = arith.cmpi slt, %min3A_81, %sign3A_87 : i32
      %sign3A_89 = arith.extui %sign3A_88 : i1 to i32
      %sign3A_90 = arith.subi %sign3A_86, %sign3A_89 : i32
      %sign3A_91 = arith.constant 0 : i32
      %sign3A_92 = arith.cmpi sgt, %jit3A_82, %sign3A_91 : i32
      %sign3A_93 = arith.extui %sign3A_92 : i1 to i32
      %sign3A_94 = arith.constant 0 : i32
      %sign3A_95 = arith.cmpi slt, %jit3A_82, %sign3A_94 : i32
      %sign3A_96 = arith.extui %sign3A_95 : i1 to i32
      %sign3A_97 = arith.subi %sign3A_93, %sign3A_96 : i32
      %ne3A_98 = arith.cmpi ne, %sign3A_90, %sign3A_97 : i32
      %rem3A_99 = arith.remsi %min3A_81, %jit3A_82 : i32
      %ne3A_100 = arith.constant 0 : i32
      %ne3A_101 = arith.cmpi ne, %rem3A_99, %ne3A_100 : i32
      %and3A_102 = arith.andi %ne3A_98, %ne3A_101 : i1
      %sub3A_103 = arith.constant 1 : i32
      %sub3A_104 = arith.subi %div3A_83, %sub3A_103 : i32
      %select_n3A_105 = arith.select %and3A_102, %sub3A_104, %div3A_83 : i32
      %while3A = arith.constant 0 : i32
      %while3A_106 = arith.subi %select_n3A_105, %while3A : i32
      %while3A_107 = arith.addi %while3A, %while3A_106 : i32
      %while3A_108 = arith.constant 1 : i32
      %while3A_109 = arith.divsi %while3A_106, %while3A_108 : i32
      %while3A_110 = arith.muli %while3A_109, %while3A_108 : i32
      %while3A_111 = arith.addi %while3A, %while3A_110 : i32
      %while3A_112 = arith.constant 1 : i32
      %while3A_113:4 = scf.for %while3A_717 = %while3A to %while3A_111 step %while3A_112 iter_args(%while3A_718 = %scan3A_43, %while3A_719 = %scan3A_44, %while3A_720 = %scan3A_45, %while3A_721 = %scan3A_46) -> (vector<16xf32>, vector<16xf32>, vector<16xf32>, vector<16xf32>)  : i32 {
        %mul3A_722 = arith.constant 2 : i32
        %mul3A_723 = arith.muli %mul3A_722, %while3A_717 : i32
        %get3A = arith.index_cast %mul3A_723 : i32 to index
        %get3A_724 = arith.constant 0 : index
        %get3A_725 = tpu.vector_load %arg6[%get3A, %get3A_724] {strides = array<i32>} : memref<128x64xf32, #tpu.memory_space<vmem>>, vector<1x16xf32>,
        %get3A_726 = vector.shape_cast %get3A_725 : vector<1x16xf32> to vector<16xf32>
        %add3A_727 = arith.constant 1 : i32
        %add3A_728 = arith.addi %mul3A_723, %add3A_727 : i32
        %get3A_729 = arith.index_cast %add3A_728 : i32 to index
        %get3A_730 = arith.constant 0 : index
        %get3A_731 = tpu.vector_load %arg6[%get3A_729, %get3A_730] {strides = array<i32>} : memref<128x64xf32, #tpu.memory_space<vmem>>, vector<1x16xf32>,
        %get3A_732 = vector.shape_cast %get3A_731 : vector<1x16xf32> to vector<16xf32>
        %add3A_733 = arith.addf %get3A_726, %get3A_732 : vector<16xf32>
        %add3A_734 = arith.addf %while3A_718, %add3A_733 : vector<16xf32>
        %get3A_735 = arith.index_cast %mul3A_723 : i32 to index
        %get3A_736 = arith.constant 16 : index
        %get3A_737 = tpu.vector_load %arg6[%get3A_735, %get3A_736] {strides = array<i32>} : memref<128x64xf32, #tpu.memory_space<vmem>>, vector<1x16xf32>,
        %get3A_738 = vector.shape_cast %get3A_737 : vector<1x16xf32> to vector<16xf32>
        %add3A_739 = arith.constant 1 : i32
        %add3A_740 = arith.addi %mul3A_723, %add3A_739 : i32
        %get3A_741 = arith.index_cast %add3A_740 : i32 to index
        %get3A_742 = arith.constant 16 : index
        %get3A_743 = tpu.vector_load %arg6[%get3A_741, %get3A_742] {strides = array<i32>} : memref<128x64xf32, #tpu.memory_space<vmem>>, vector<1x16xf32>,
        %get3A_744 = vector.shape_cast %get3A_743 : vector<1x16xf32> to vector<16xf32>
        %add3A_745 = arith.addf %get3A_738, %get3A_744 : vector<16xf32>
        %add3A_746 = arith.addf %while3A_719, %add3A_745 : vector<16xf32>
        %get3A_747 = arith.index_cast %mul3A_723 : i32 to index
        %get3A_748 = arith.constant 32 : index
        %get3A_749 = tpu.vector_load %arg6[%get3A_747, %get3A_748] {strides = array<i32>} : memref<128x64xf32, #tpu.memory_space<vmem>>, vector<1x16xf32>,
        %get3A_750 = vector.shape_cast %get3A_749 : vector<1x16xf32> to vector<16xf32>
        %add3A_751 = arith.constant 1 : i32
        %add3A_752 = arith.addi %mul3A_723, %add3A_751 : i32
        %get3A_753 = arith.index_cast %add3A_752 : i32 to index
        %get3A_754 = arith.constant 32 : index
        %get3A_755 = tpu.vector_load %arg6[%get3A_753, %get3A_754] {strides = array<i32>} : memref<128x64xf32, #tpu.memory_space<vmem>>, vector<1x16xf32>,
        %get3A_756 = vector.shape_cast %get3A_755 : vector<1x16xf32> to vector<16xf32>
        %add3A_757 = arith.addf %get3A_750, %get3A_756 : vector<16xf32>
        %add3A_758 = arith.addf %while3A_720, %add3A_757 : vector<16xf32>
        %get3A_759 = arith.index_cast %mul3A_723 : i32 to index
        %get3A_760 = arith.constant 48 : index
        %get3A_761 = tpu.vector_load %arg6[%get3A_759, %get3A_760] {strides = array<i32>} : memref<128x64xf32, #tpu.memory_space<vmem>>, vector<1x16xf32>,
        %get3A_762 = vector.shape_cast %get3A_761 : vector<1x16xf32> to vector<16xf32>
        %add3A_763 = arith.constant 1 : i32
        %add3A_764 = arith.addi %mul3A_723, %add3A_763 : i32
        %get3A_765 = arith.index_cast %add3A_764 : i32 to index
        %get3A_766 = arith.constant 48 : index
        %get3A_767 = tpu.vector_load %arg6[%get3A_765, %get3A_766] {strides = array<i32>} : memref<128x64xf32, #tpu.memory_space<vmem>>, vector<1x16xf32>,
        %get3A_768 = vector.shape_cast %get3A_767 : vector<1x16xf32> to vector<16xf32>
        %add3A_769 = arith.addf %get3A_762, %get3A_768 : vector<16xf32>
        %add3A_770 = arith.addf %while3A_721, %add3A_769 : vector<16xf32>
        scf.yield %add3A_734, %add3A_746, %add3A_758, %add3A_770 : vector<16xf32>, vector<16xf32>, vector<16xf32>, vector<16xf32>
      }
      %while3A_114 = arith.constant 1 : i32
      %while3A_115:4 = scf.for %while3A_717 = %while3A_111 to %while3A_107 step %while3A_114 iter_args(%while3A_718 = %while3A_113#0, %while3A_719 = %while3A_113#1, %while3A_720 = %while3A_113#2, %while3A_721 = %while3A_113#3) -> (vector<16xf32>, vector<16xf32>, vector<16xf32>, vector<16xf32>)  : i32 {
        %mul3A_722 = arith.constant 2 : i32
        %mul3A_723 = arith.muli %mul3A_722, %while3A_717 : i32
        %get3A = arith.index_cast %mul3A_723 : i32 to index
        %get3A_724 = arith.constant 0 : index
        %get3A_725 = tpu.vector_load %arg6[%get3A, %get3A_724] {strides = array<i32>} : memref<128x64xf32, #tpu.memory_space<vmem>>, vector<1x16xf32>,
        %get3A_726 = vector.shape_cast %get3A_725 : vector<1x16xf32> to vector<16xf32>
        %add3A_727 = arith.constant 1 : i32
        %add3A_728 = arith.addi %mul3A_723, %add3A_727 : i32
        %get3A_729 = arith.index_cast %add3A_728 : i32 to index
        %get3A_730 = arith.constant 0 : index
        %get3A_731 = tpu.vector_load %arg6[%get3A_729, %get3A_730] {strides = array<i32>} : memref<128x64xf32, #tpu.memory_space<vmem>>, vector<1x16xf32>,
        %get3A_732 = vector.shape_cast %get3A_731 : vector<1x16xf32> to vector<16xf32>
        %add3A_733 = arith.addf %get3A_726, %get3A_732 : vector<16xf32>
        %add3A_734 = arith.addf %while3A_718, %add3A_733 : vector<16xf32>
        %get3A_735 = arith.index_cast %mul3A_723 : i32 to index
        %get3A_736 = arith.constant 16 : index
        %get3A_737 = tpu.vector_load %arg6[%get3A_735, %get3A_736] {strides = array<i32>} : memref<128x64xf32, #tpu.memory_space<vmem>>, vector<1x16xf32>,
        %get3A_738 = vector.shape_cast %get3A_737 : vector<1x16xf32> to vector<16xf32>
        %add3A_739 = arith.constant 1 : i32
        %add3A_740 = arith.addi %mul3A_723, %add3A_739 : i32
        %get3A_741 = arith.index_cast %add3A_740 : i32 to index
        %get3A_742 = arith.constant 16 : index
        %get3A_743 = tpu.vector_load %arg6[%get3A_741, %get3A_742] {strides = array<i32>} : memref<128x64xf32, #tpu.memory_space<vmem>>, vector<1x16xf32>,
        %get3A_744 = vector.shape_cast %get3A_743 : vector<1x16xf32> to vector<16xf32>
        %add3A_745 = arith.addf %get3A_738, %get3A_744 : vector<16xf32>
        %add3A_746 = arith.addf %while3A_719, %add3A_745 : vector<16xf32>
        %get3A_747 = arith.index_cast %mul3A_723 : i32 to index
        %get3A_748 = arith.constant 32 : index
        %get3A_749 = tpu.vector_load %arg6[%get3A_747, %get3A_748] {strides = array<i32>} : memref<128x64xf32, #tpu.memory_space<vmem>>, vector<1x16xf32>,
        %get3A_750 = vector.shape_cast %get3A_749 : vector<1x16xf32> to vector<16xf32>
        %add3A_751 = arith.constant 1 : i32
        %add3A_752 = arith.addi %mul3A_723, %add3A_751 : i32
        %get3A_753 = arith.index_cast %add3A_752 : i32 to index
        %get3A_754 = arith.constant 32 : index
        %get3A_755 = tpu.vector_load %arg6[%get3A_753, %get3A_754] {strides = array<i32>} : memref<128x64xf32, #tpu.memory_space<vmem>>, vector<1x16xf32>,
        %get3A_756 = vector.shape_cast %get3A_755 : vector<1x16xf32> to vector<16xf32>
        %add3A_757 = arith.addf %get3A_750, %get3A_756 : vector<16xf32>
        %add3A_758 = arith.addf %while3A_720, %add3A_757 : vector<16xf32>
        %get3A_759 = arith.index_cast %mul3A_723 : i32 to index
        %get3A_760 = arith.constant 48 : index
        %get3A_761 = tpu.vector_load %arg6[%get3A_759, %get3A_760] {strides = array<i32>} : memref<128x64xf32, #tpu.memory_space<vmem>>, vector<1x16xf32>,
        %get3A_762 = vector.shape_cast %get3A_761 : vector<1x16xf32> to vector<16xf32>
        %add3A_763 = arith.constant 1 : i32
        %add3A_764 = arith.addi %mul3A_723, %add3A_763 : i32
        %get3A_765 = arith.index_cast %add3A_764 : i32 to index
        %get3A_766 = arith.constant 48 : index
        %get3A_767 = tpu.vector_load %arg6[%get3A_765, %get3A_766] {strides = array<i32>} : memref<128x64xf32, #tpu.memory_space<vmem>>, vector<1x16xf32>,
        %get3A_768 = vector.shape_cast %get3A_767 : vector<1x16xf32> to vector<16xf32>
        %add3A_769 = arith.addf %get3A_762, %get3A_768 : vector<16xf32>
        %add3A_770 = arith.addf %while3A_721, %add3A_769 : vector<16xf32>
        scf.yield %add3A_734, %add3A_746, %add3A_758, %add3A_770 : vector<16xf32>, vector<16xf32>, vector<16xf32>, vector<16xf32>
      }
      %convert_element_type3A = arith.extui %le3A_80 : i1 to i32
      %cond3A = arith.constant 0 : i32
      %cond3A_116 = arith.cmpi ne, %convert_element_type3A, %cond3A : i32
      scf.if %cond3A_116 {
        %mul3A_717 = vector.broadcast %scan3A : f32 to vector<16xf32>
        %mul3A_718 = arith.mulf %while3A_115#0, %mul3A_717 : vector<16xf32>
        %swap3A = arith.index_cast %select_n3A : i32 to index
        %swap3A_719 = arith.constant 0 : index
        %swap3A_720 = tpu.vector_load %arg11[%swap3A, %swap3A_719] {strides = array<i32>} : memref<32x64xf32, #tpu.memory_space<vmem>>, vector<1x16xf32>,
        %swap3A_721 = vector.shape_cast %swap3A_720 : vector<1x16xf32> to vector<16xf32>
        %swap3A_722 = vector.shape_cast %mul3A_718 : vector<16xf32> to vector<1x16xf32>
        tpu.vector_store %arg11[%swap3A, %swap3A_719], %swap3A_722 {strides = array<i32>} : memref<32x64xf32, #tpu.memory_space<vmem>>, vector<1x16xf32>,
        %mul3A_723 = vector.broadcast %scan3A : f32 to vector<16xf32>
        %mul3A_724 = arith.mulf %while3A_115#1, %mul3A_723 : vector<16xf32>
        %swap3A_725 = arith.index_cast %select_n3A : i32 to index
        %swap3A_726 = arith.constant 16 : index
        %swap3A_727 = tpu.vector_load %arg11[%swap3A_725, %swap3A_726] {strides = array<i32>} : memref<32x64xf32, #tpu.memory_space<vmem>>, vector<1x16xf32>,
        %swap3A_728 = vector.shape_cast %swap3A_727 : vector<1x16xf32> to vector<16xf32>
        %swap3A_729 = vector.shape_cast %mul3A_724 : vector<16xf32> to vector<1x16xf32>
        tpu.vector_store %arg11[%swap3A_725, %swap3A_726], %swap3A_729 {strides = array<i32>} : memref<32x64xf32, #tpu.memory_space<vmem>>, vector<1x16xf32>,
        %mul3A_730 = vector.broadcast %scan3A : f32 to vector<16xf32>
        %mul3A_731 = arith.mulf %while3A_115#2, %mul3A_730 : vector<16xf32>
        %swap3A_732 = arith.index_cast %select_n3A : i32 to index
        %swap3A_733 = arith.constant 32 : index
        %swap3A_734 = tpu.vector_load %arg11[%swap3A_732, %swap3A_733] {strides = array<i32>} : memref<32x64xf32, #tpu.memory_space<vmem>>, vector<1x16xf32>,
        %swap3A_735 = vector.shape_cast %swap3A_734 : vector<1x16xf32> to vector<16xf32>
        %swap3A_736 = vector.shape_cast %mul3A_731 : vector<16xf32> to vector<1x16xf32>
        tpu.vector_store %arg11[%swap3A_732, %swap3A_733], %swap3A_736 {strides = array<i32>} : memref<32x64xf32, #tpu.memory_space<vmem>>, vector<1x16xf32>,
        %mul3A_737 = vector.broadcast %scan3A : f32 to vector<16xf32>
        %mul3A_738 = arith.mulf %while3A_115#3, %mul3A_737 : vector<16xf32>
        %swap3A_739 = arith.index_cast %select_n3A : i32 to index
        %swap3A_740 = arith.constant 48 : index
        %swap3A_741 = tpu.vector_load %arg11[%swap3A_739, %swap3A_740] {strides = array<i32>} : memref<32x64xf32, #tpu.memory_space<vmem>>, vector<1x16xf32>,
        %swap3A_742 = vector.shape_cast %swap3A_741 : vector<1x16xf32> to vector<16xf32>
        %swap3A_743 = vector.shape_cast %mul3A_738 : vector<16xf32> to vector<1x16xf32>
        tpu.vector_store %arg11[%swap3A_739, %swap3A_740], %swap3A_743 {strides = array<i32>} : memref<32x64xf32, #tpu.memory_space<vmem>>, vector<1x16xf32>,
      } else {
      }
      %jit3A_117 = arith.constant 0.000000e+00 : f32
      %jit3A_118 = arith.constant 1.000000e+00 : f32
      %select_n3A_119 = arith.select %le3A_80, %jit3A_117, %jit3A_118 : f32
      %mul3A_120 = vector.broadcast %select_n3A_119 : f32 to vector<16xf32>
      %mul3A_121 = arith.mulf %while3A_115#0, %mul3A_120 : vector<16xf32>
      %mul3A_122 = vector.broadcast %select_n3A_119 : f32 to vector<16xf32>
      %mul3A_123 = arith.mulf %while3A_115#1, %mul3A_122 : vector<16xf32>
      %mul3A_124 = vector.broadcast %select_n3A_119 : f32 to vector<16xf32>
      %mul3A_125 = arith.mulf %while3A_115#2, %mul3A_124 : vector<16xf32>
      %mul3A_126 = vector.broadcast %select_n3A_119 : f32 to vector<16xf32>
      %mul3A_127 = arith.mulf %while3A_115#3, %mul3A_126 : vector<16xf32>
      %jit3A_128 = arith.constant 2 : i32
      %div3A_129 = arith.divsi %min3A_81, %jit3A_128 : i32
      %sign3A_130 = arith.constant 0 : i32
      %sign3A_131 = arith.cmpi sgt, %min3A_81, %sign3A_130 : i32
      %sign3A_132 = arith.extui %sign3A_131 : i1 to i32
      %sign3A_133 = arith.constant 0 : i32
      %sign3A_134 = arith.cmpi slt, %min3A_81, %sign3A_133 : i32
      %sign3A_135 = arith.extui %sign3A_134 : i1 to i32
      %sign3A_136 = arith.subi %sign3A_132, %sign3A_135 : i32
      %sign3A_137 = arith.constant 0 : i32
      %sign3A_138 = arith.cmpi sgt, %jit3A_128, %sign3A_137 : i32
      %sign3A_139 = arith.extui %sign3A_138 : i1 to i32
      %sign3A_140 = arith.constant 0 : i32
      %sign3A_141 = arith.cmpi slt, %jit3A_128, %sign3A_140 : i32
      %sign3A_142 = arith.extui %sign3A_141 : i1 to i32
      %sign3A_143 = arith.subi %sign3A_139, %sign3A_142 : i32
      %ne3A_144 = arith.cmpi ne, %sign3A_136, %sign3A_143 : i32
      %rem3A_145 = arith.remsi %min3A_81, %jit3A_128 : i32
      %ne3A_146 = arith.constant 0 : i32
      %ne3A_147 = arith.cmpi ne, %rem3A_145, %ne3A_146 : i32
      %and3A_148 = arith.andi %ne3A_144, %ne3A_147 : i1
      %sub3A_149 = arith.constant 1 : i32
      %sub3A_150 = arith.subi %div3A_129, %sub3A_149 : i32
      %select_n3A_151 = arith.select %and3A_148, %sub3A_150, %div3A_129 : i32
      %while3A_152 = arith.constant 64 : i32
      %while3A_153 = arith.subi %while3A_152, %select_n3A_151 : i32
      %while3A_154 = arith.addi %select_n3A_151, %while3A_153 : i32
      %while3A_155 = arith.constant 1 : i32
      %while3A_156 = arith.divsi %while3A_153, %while3A_155 : i32
      %while3A_157 = arith.muli %while3A_156, %while3A_155 : i32
      %while3A_158 = arith.addi %select_n3A_151, %while3A_157 : i32
      %while3A_159 = arith.constant 1 : i32
      %while3A_160:4 = scf.for %while3A_717 = %select_n3A_151 to %while3A_158 step %while3A_159 iter_args(%while3A_718 = %mul3A_121, %while3A_719 = %mul3A_123, %while3A_720 = %mul3A_125, %while3A_721 = %mul3A_127) -> (vector<16xf32>, vector<16xf32>, vector<16xf32>, vector<16xf32>)  : i32 {
        %mul3A_722 = arith.constant 2 : i32
        %mul3A_723 = arith.muli %mul3A_722, %while3A_717 : i32
        %get3A = arith.index_cast %mul3A_723 : i32 to index
        %get3A_724 = arith.constant 0 : index
        %get3A_725 = tpu.vector_load %arg6[%get3A, %get3A_724] {strides = array<i32>} : memref<128x64xf32, #tpu.memory_space<vmem>>, vector<1x16xf32>,
        %get3A_726 = vector.shape_cast %get3A_725 : vector<1x16xf32> to vector<16xf32>
        %add3A_727 = arith.constant 1 : i32
        %add3A_728 = arith.addi %mul3A_723, %add3A_727 : i32
        %get3A_729 = arith.index_cast %add3A_728 : i32 to index
        %get3A_730 = arith.constant 0 : index
        %get3A_731 = tpu.vector_load %arg6[%get3A_729, %get3A_730] {strides = array<i32>} : memref<128x64xf32, #tpu.memory_space<vmem>>, vector<1x16xf32>,
        %get3A_732 = vector.shape_cast %get3A_731 : vector<1x16xf32> to vector<16xf32>
        %add3A_733 = arith.addf %get3A_726, %get3A_732 : vector<16xf32>
        %add3A_734 = arith.addf %while3A_718, %add3A_733 : vector<16xf32>
        %get3A_735 = arith.index_cast %mul3A_723 : i32 to index
        %get3A_736 = arith.constant 16 : index
        %get3A_737 = tpu.vector_load %arg6[%get3A_735, %get3A_736] {strides = array<i32>} : memref<128x64xf32, #tpu.memory_space<vmem>>, vector<1x16xf32>,
        %get3A_738 = vector.shape_cast %get3A_737 : vector<1x16xf32> to vector<16xf32>
        %add3A_739 = arith.constant 1 : i32
        %add3A_740 = arith.addi %mul3A_723, %add3A_739 : i32
        %get3A_741 = arith.index_cast %add3A_740 : i32 to index
        %get3A_742 = arith.constant 16 : index
        %get3A_743 = tpu.vector_load %arg6[%get3A_741, %get3A_742] {strides = array<i32>} : memref<128x64xf32, #tpu.memory_space<vmem>>, vector<1x16xf32>,
        %get3A_744 = vector.shape_cast %get3A_743 : vector<1x16xf32> to vector<16xf32>
        %add3A_745 = arith.addf %get3A_738, %get3A_744 : vector<16xf32>
        %add3A_746 = arith.addf %while3A_719, %add3A_745 : vector<16xf32>
        %get3A_747 = arith.index_cast %mul3A_723 : i32 to index
        %get3A_748 = arith.constant 32 : index
        %get3A_749 = tpu.vector_load %arg6[%get3A_747, %get3A_748] {strides = array<i32>} : memref<128x64xf32, #tpu.memory_space<vmem>>, vector<1x16xf32>,
        %get3A_750 = vector.shape_cast %get3A_749 : vector<1x16xf32> to vector<16xf32>
        %add3A_751 = arith.constant 1 : i32
        %add3A_752 = arith.addi %mul3A_723, %add3A_751 : i32
        %get3A_753 = arith.index_cast %add3A_752 : i32 to index
        %get3A_754 = arith.constant 32 : index
        %get3A_755 = tpu.vector_load %arg6[%get3A_753, %get3A_754] {strides = array<i32>} : memref<128x64xf32, #tpu.memory_space<vmem>>, vector<1x16xf32>,
        %get3A_756 = vector.shape_cast %get3A_755 : vector<1x16xf32> to vector<16xf32>
        %add3A_757 = arith.addf %get3A_750, %get3A_756 : vector<16xf32>
        %add3A_758 = arith.addf %while3A_720, %add3A_757 : vector<16xf32>
        %get3A_759 = arith.index_cast %mul3A_723 : i32 to index
        %get3A_760 = arith.constant 48 : index
        %get3A_761 = tpu.vector_load %arg6[%get3A_759, %get3A_760] {strides = array<i32>} : memref<128x64xf32, #tpu.memory_space<vmem>>, vector<1x16xf32>,
        %get3A_762 = vector.shape_cast %get3A_761 : vector<1x16xf32> to vector<16xf32>
        %add3A_763 = arith.constant 1 : i32
        %add3A_764 = arith.addi %mul3A_723, %add3A_763 : i32
        %get3A_765 = arith.index_cast %add3A_764 : i32 to index
        %get3A_766 = arith.constant 48 : index
        %get3A_767 = tpu.vector_load %arg6[%get3A_765, %get3A_766] {strides = array<i32>} : memref<128x64xf32, #tpu.memory_space<vmem>>, vector<1x16xf32>,
        %get3A_768 = vector.shape_cast %get3A_767 : vector<1x16xf32> to vector<16xf32>
        %add3A_769 = arith.addf %get3A_762, %get3A_768 : vector<16xf32>
        %add3A_770 = arith.addf %while3A_721, %add3A_769 : vector<16xf32>
        scf.yield %add3A_734, %add3A_746, %add3A_758, %add3A_770 : vector<16xf32>, vector<16xf32>, vector<16xf32>, vector<16xf32>
      }
      %while3A_161 = arith.constant 1 : i32
      %while3A_162:4 = scf.for %while3A_717 = %while3A_158 to %while3A_154 step %while3A_161 iter_args(%while3A_718 = %while3A_160#0, %while3A_719 = %while3A_160#1, %while3A_720 = %while3A_160#2, %while3A_721 = %while3A_160#3) -> (vector<16xf32>, vector<16xf32>, vector<16xf32>, vector<16xf32>)  : i32 {
        %mul3A_722 = arith.constant 2 : i32
        %mul3A_723 = arith.muli %mul3A_722, %while3A_717 : i32
        %get3A = arith.index_cast %mul3A_723 : i32 to index
        %get3A_724 = arith.constant 0 : index
        %get3A_725 = tpu.vector_load %arg6[%get3A, %get3A_724] {strides = array<i32>} : memref<128x64xf32, #tpu.memory_space<vmem>>, vector<1x16xf32>,
        %get3A_726 = vector.shape_cast %get3A_725 : vector<1x16xf32> to vector<16xf32>
        %add3A_727 = arith.constant 1 : i32
        %add3A_728 = arith.addi %mul3A_723, %add3A_727 : i32
        %get3A_729 = arith.index_cast %add3A_728 : i32 to index
        %get3A_730 = arith.constant 0 : index
        %get3A_731 = tpu.vector_load %arg6[%get3A_729, %get3A_730] {strides = array<i32>} : memref<128x64xf32, #tpu.memory_space<vmem>>, vector<1x16xf32>,
        %get3A_732 = vector.shape_cast %get3A_731 : vector<1x16xf32> to vector<16xf32>
        %add3A_733 = arith.addf %get3A_726, %get3A_732 : vector<16xf32>
        %add3A_734 = arith.addf %while3A_718, %add3A_733 : vector<16xf32>
        %get3A_735 = arith.index_cast %mul3A_723 : i32 to index
        %get3A_736 = arith.constant 16 : index
        %get3A_737 = tpu.vector_load %arg6[%get3A_735, %get3A_736] {strides = array<i32>} : memref<128x64xf32, #tpu.memory_space<vmem>>, vector<1x16xf32>,
        %get3A_738 = vector.shape_cast %get3A_737 : vector<1x16xf32> to vector<16xf32>
        %add3A_739 = arith.constant 1 : i32
        %add3A_740 = arith.addi %mul3A_723, %add3A_739 : i32
        %get3A_741 = arith.index_cast %add3A_740 : i32 to index
        %get3A_742 = arith.constant 16 : index
        %get3A_743 = tpu.vector_load %arg6[%get3A_741, %get3A_742] {strides = array<i32>} : memref<128x64xf32, #tpu.memory_space<vmem>>, vector<1x16xf32>,
        %get3A_744 = vector.shape_cast %get3A_743 : vector<1x16xf32> to vector<16xf32>
        %add3A_745 = arith.addf %get3A_738, %get3A_744 : vector<16xf32>
        %add3A_746 = arith.addf %while3A_719, %add3A_745 : vector<16xf32>
        %get3A_747 = arith.index_cast %mul3A_723 : i32 to index
        %get3A_748 = arith.constant 32 : index
        %get3A_749 = tpu.vector_load %arg6[%get3A_747, %get3A_748] {strides = array<i32>} : memref<128x64xf32, #tpu.memory_space<vmem>>, vector<1x16xf32>,
        %get3A_750 = vector.shape_cast %get3A_749 : vector<1x16xf32> to vector<16xf32>
        %add3A_751 = arith.constant 1 : i32
        %add3A_752 = arith.addi %mul3A_723, %add3A_751 : i32
        %get3A_753 = arith.index_cast %add3A_752 : i32 to index
        %get3A_754 = arith.constant 32 : index
        %get3A_755 = tpu.vector_load %arg6[%get3A_753, %get3A_754] {strides = array<i32>} : memref<128x64xf32, #tpu.memory_space<vmem>>, vector<1x16xf32>,
        %get3A_756 = vector.shape_cast %get3A_755 : vector<1x16xf32> to vector<16xf32>
        %add3A_757 = arith.addf %get3A_750, %get3A_756 : vector<16xf32>
        %add3A_758 = arith.addf %while3A_720, %add3A_757 : vector<16xf32>
        %get3A_759 = arith.index_cast %mul3A_723 : i32 to index
        %get3A_760 = arith.constant 48 : index
        %get3A_761 = tpu.vector_load %arg6[%get3A_759, %get3A_760] {strides = array<i32>} : memref<128x64xf32, #tpu.memory_space<vmem>>, vector<1x16xf32>,
        %get3A_762 = vector.shape_cast %get3A_761 : vector<1x16xf32> to vector<16xf32>
        %add3A_763 = arith.constant 1 : i32
        %add3A_764 = arith.addi %mul3A_723, %add3A_763 : i32
        %get3A_765 = arith.index_cast %add3A_764 : i32 to index
        %get3A_766 = arith.constant 48 : index
        %get3A_767 = tpu.vector_load %arg6[%get3A_765, %get3A_766] {strides = array<i32>} : memref<128x64xf32, #tpu.memory_space<vmem>>, vector<1x16xf32>,
        %get3A_768 = vector.shape_cast %get3A_767 : vector<1x16xf32> to vector<16xf32>
        %add3A_769 = arith.addf %get3A_762, %get3A_768 : vector<16xf32>
        %add3A_770 = arith.addf %while3A_721, %add3A_769 : vector<16xf32>
        scf.yield %add3A_734, %add3A_746, %add3A_758, %add3A_770 : vector<16xf32>, vector<16xf32>, vector<16xf32>, vector<16xf32>
      }
      %add3A_163 = arith.constant 5 : i32
      %add3A_164 = arith.addi %add3A_50, %add3A_163 : i32
      %lt3A = arith.constant 250 : i32
      %lt3A_165 = arith.cmpi slt, %add3A_164, %lt3A : i32
      %convert_element_type3A_166 = arith.extui %lt3A_165 : i1 to i32
      %cond3A_167 = arith.constant 0 : i32
      %cond3A_168 = arith.cmpi ne, %convert_element_type3A_166, %cond3A_167 : i32
      scf.if %cond3A_168 {
        %add3A_717 = arith.constant 5 : i32
        %add3A_718 = arith.addi %add3A_50, %add3A_717 : i32
        %mul3A_719 = arith.constant 128 : i32
        %mul3A_720 = arith.muli %add3A_718, %mul3A_719 : i32
        %dma_start3A_721 = tpu.memref_slice %arg5[%mul3A_720] : memref<32000xi32, #tpu.memory_space<vmem>> -> memref<128xi32, #tpu.memory_space<vmem>>
        %dma_start3A_722 = arith.constant 0 : i32
        %dma_start3A_723 = arith.constant 0 : i32
        %dma_start3A_724 = tpu.memref_slice %arg3[%dma_start3A_722, %dma_start3A_723] : memref<1000000x64xf32, #tpu.memory_space<hbm>> -> memref<1000000x64xf32, #tpu.memory_space<hbm>>
        tpu.enqueue_indirect_dma source(%dma_start3A_724 : memref<1000000x64xf32, #tpu.memory_space<hbm>>) target(%arg6 : memref<128x64xf32, #tpu.memory_space<vmem>>) offsets(%dma_start3A_721 : memref<128xi32, #tpu.memory_space<vmem>>) semaphore(%arg12 : memref<!tpu.dma_semaphore, #tpu.memory_space<semaphore_mem>>)
      } else {
      }
      %mul3A_169 = arith.constant 5 : i32
      %mul3A_170 = arith.muli %scan3A_42, %mul3A_169 : i32
      %add3A_171 = arith.constant 1 : i32
      %add3A_172 = arith.addi %mul3A_170, %add3A_171 : i32
      %dma_wait3A_173 = arith.constant 0 : i32
      %dma_wait3A_174 = tpu.memref_slice %arg5[%dma_wait3A_173] : memref<32000xi32, #tpu.memory_space<vmem>> -> memref<128xi32, #tpu.memory_space<vmem>>
      %dma_wait3A_175 = arith.constant 0 : i32
      %dma_wait3A_176 = arith.constant 0 : i32
      %dma_wait3A_177 = tpu.memref_slice %arg3[%dma_wait3A_175, %dma_wait3A_176] : memref<1000000x64xf32, #tpu.memory_space<hbm>> -> memref<1000000x64xf32, #tpu.memory_space<hbm>>
      tpu.wait_indirect_dma semaphore(%arg13 : memref<!tpu.dma_semaphore, #tpu.memory_space<semaphore_mem>>) src(%dma_wait3A_177 : memref<1000000x64xf32, #tpu.memory_space<hbm>>) dst(%arg7 : memref<128x64xf32, #tpu.memory_space<vmem>>)
      %mul3A_178 = arith.constant 128 : i32
      %mul3A_179 = arith.muli %add3A_172, %mul3A_178 : i32
      %jit3A_180 = arith.constant 1000 : i32
      %div3A_181 = arith.divsi %mul3A_179, %jit3A_180 : i32
      %sign3A_182 = arith.constant 0 : i32
      %sign3A_183 = arith.cmpi sgt, %mul3A_179, %sign3A_182 : i32
      %sign3A_184 = arith.extui %sign3A_183 : i1 to i32
      %sign3A_185 = arith.constant 0 : i32
      %sign3A_186 = arith.cmpi slt, %mul3A_179, %sign3A_185 : i32
      %sign3A_187 = arith.extui %sign3A_186 : i1 to i32
      %sign3A_188 = arith.subi %sign3A_184, %sign3A_187 : i32
      %sign3A_189 = arith.constant 0 : i32
      %sign3A_190 = arith.cmpi sgt, %jit3A_180, %sign3A_189 : i32
      %sign3A_191 = arith.extui %sign3A_190 : i1 to i32
      %sign3A_192 = arith.constant 0 : i32
      %sign3A_193 = arith.cmpi slt, %jit3A_180, %sign3A_192 : i32
      %sign3A_194 = arith.extui %sign3A_193 : i1 to i32
      %sign3A_195 = arith.subi %sign3A_191, %sign3A_194 : i32
      %ne3A_196 = arith.cmpi ne, %sign3A_188, %sign3A_195 : i32
      %rem3A_197 = arith.remsi %mul3A_179, %jit3A_180 : i32
      %ne3A_198 = arith.constant 0 : i32
      %ne3A_199 = arith.cmpi ne, %rem3A_197, %ne3A_198 : i32
      %and3A_200 = arith.andi %ne3A_196, %ne3A_199 : i1
      %sub3A_201 = arith.constant 1 : i32
      %sub3A_202 = arith.subi %div3A_181, %sub3A_201 : i32
      %select_n3A_203 = arith.select %and3A_200, %sub3A_202, %div3A_181 : i32
      %add3A_204 = arith.constant 1 : i32
      %add3A_205 = arith.addi %select_n3A_203, %add3A_204 : i32
      %mul3A_206 = arith.constant 1000 : i32
      %mul3A_207 = arith.muli %add3A_205, %mul3A_206 : i32
      %mul3A_208 = arith.constant 128 : i32
      %mul3A_209 = arith.muli %add3A_172, %mul3A_208 : i32
      %sub3A_210 = arith.subi %mul3A_207, %mul3A_209 : i32
      %le3A_211 = arith.constant 128 : i32
      %le3A_212 = arith.cmpi sle, %sub3A_210, %le3A_211 : i32
      %min3A_213 = arith.constant 128 : i32
      %min3A_214 = arith.minsi %sub3A_210, %min3A_213 : i32
      %jit3A_215 = arith.constant 2 : i32
      %div3A_216 = arith.divsi %min3A_214, %jit3A_215 : i32
      %sign3A_217 = arith.constant 0 : i32
      %sign3A_218 = arith.cmpi sgt, %min3A_214, %sign3A_217 : i32
      %sign3A_219 = arith.extui %sign3A_218 : i1 to i32
      %sign3A_220 = arith.constant 0 : i32
      %sign3A_221 = arith.cmpi slt, %min3A_214, %sign3A_220 : i32
      %sign3A_222 = arith.extui %sign3A_221 : i1 to i32
      %sign3A_223 = arith.subi %sign3A_219, %sign3A_222 : i32
      %sign3A_224 = arith.constant 0 : i32
      %sign3A_225 = arith.cmpi sgt, %jit3A_215, %sign3A_224 : i32
      %sign3A_226 = arith.extui %sign3A_225 : i1 to i32
      %sign3A_227 = arith.constant 0 : i32
      %sign3A_228 = arith.cmpi slt, %jit3A_215, %sign3A_227 : i32
      %sign3A_229 = arith.extui %sign3A_228 : i1 to i32
      %sign3A_230 = arith.subi %sign3A_226, %sign3A_229 : i32
      %ne3A_231 = arith.cmpi ne, %sign3A_223, %sign3A_230 : i32
      %rem3A_232 = arith.remsi %min3A_214, %jit3A_215 : i32
      %ne3A_233 = arith.constant 0 : i32
      %ne3A_234 = arith.cmpi ne, %rem3A_232, %ne3A_233 : i32
      %and3A_235 = arith.andi %ne3A_231, %ne3A_234 : i1
      %sub3A_236 = arith.constant 1 : i32
      %sub3A_237 = arith.subi %div3A_216, %sub3A_236 : i32
      %select_n3A_238 = arith.select %and3A_235, %sub3A_237, %div3A_216 : i32
      %while3A_239 = arith.constant 0 : i32
      %while3A_240 = arith.subi %select_n3A_238, %while3A_239 : i32
      %while3A_241 = arith.addi %while3A_239, %while3A_240 : i32
      %while3A_242 = arith.constant 1 : i32
      %while3A_243 = arith.divsi %while3A_240, %while3A_242 : i32
      %while3A_244 = arith.muli %while3A_243, %while3A_242 : i32
      %while3A_245 = arith.addi %while3A_239, %while3A_244 : i32
      %while3A_246 = arith.constant 1 : i32
      %while3A_247:4 = scf.for %while3A_717 = %while3A_239 to %while3A_245 step %while3A_246 iter_args(%while3A_718 = %while3A_162#0, %while3A_719 = %while3A_162#1, %while3A_720 = %while3A_162#2, %while3A_721 = %while3A_162#3) -> (vector<16xf32>, vector<16xf32>, vector<16xf32>, vector<16xf32>)  : i32 {
        %mul3A_722 = arith.constant 2 : i32
        %mul3A_723 = arith.muli %mul3A_722, %while3A_717 : i32
        %get3A = arith.index_cast %mul3A_723 : i32 to index
        %get3A_724 = arith.constant 0 : index
        %get3A_725 = tpu.vector_load %arg7[%get3A, %get3A_724] {strides = array<i32>} : memref<128x64xf32, #tpu.memory_space<vmem>>, vector<1x16xf32>,
        %get3A_726 = vector.shape_cast %get3A_725 : vector<1x16xf32> to vector<16xf32>
        %add3A_727 = arith.constant 1 : i32
        %add3A_728 = arith.addi %mul3A_723, %add3A_727 : i32
        %get3A_729 = arith.index_cast %add3A_728 : i32 to index
        %get3A_730 = arith.constant 0 : index
        %get3A_731 = tpu.vector_load %arg7[%get3A_729, %get3A_730] {strides = array<i32>} : memref<128x64xf32, #tpu.memory_space<vmem>>, vector<1x16xf32>,
        %get3A_732 = vector.shape_cast %get3A_731 : vector<1x16xf32> to vector<16xf32>
        %add3A_733 = arith.addf %get3A_726, %get3A_732 : vector<16xf32>
        %add3A_734 = arith.addf %while3A_718, %add3A_733 : vector<16xf32>
        %get3A_735 = arith.index_cast %mul3A_723 : i32 to index
        %get3A_736 = arith.constant 16 : index
        %get3A_737 = tpu.vector_load %arg7[%get3A_735, %get3A_736] {strides = array<i32>} : memref<128x64xf32, #tpu.memory_space<vmem>>, vector<1x16xf32>,
        %get3A_738 = vector.shape_cast %get3A_737 : vector<1x16xf32> to vector<16xf32>
        %add3A_739 = arith.constant 1 : i32
        %add3A_740 = arith.addi %mul3A_723, %add3A_739 : i32
        %get3A_741 = arith.index_cast %add3A_740 : i32 to index
        %get3A_742 = arith.constant 16 : index
        %get3A_743 = tpu.vector_load %arg7[%get3A_741, %get3A_742] {strides = array<i32>} : memref<128x64xf32, #tpu.memory_space<vmem>>, vector<1x16xf32>,
        %get3A_744 = vector.shape_cast %get3A_743 : vector<1x16xf32> to vector<16xf32>
        %add3A_745 = arith.addf %get3A_738, %get3A_744 : vector<16xf32>
        %add3A_746 = arith.addf %while3A_719, %add3A_745 : vector<16xf32>
        %get3A_747 = arith.index_cast %mul3A_723 : i32 to index
        %get3A_748 = arith.constant 32 : index
        %get3A_749 = tpu.vector_load %arg7[%get3A_747, %get3A_748] {strides = array<i32>} : memref<128x64xf32, #tpu.memory_space<vmem>>, vector<1x16xf32>,
        %get3A_750 = vector.shape_cast %get3A_749 : vector<1x16xf32> to vector<16xf32>
        %add3A_751 = arith.constant 1 : i32
        %add3A_752 = arith.addi %mul3A_723, %add3A_751 : i32
        %get3A_753 = arith.index_cast %add3A_752 : i32 to index
        %get3A_754 = arith.constant 32 : index
        %get3A_755 = tpu.vector_load %arg7[%get3A_753, %get3A_754] {strides = array<i32>} : memref<128x64xf32, #tpu.memory_space<vmem>>, vector<1x16xf32>,
        %get3A_756 = vector.shape_cast %get3A_755 : vector<1x16xf32> to vector<16xf32>
        %add3A_757 = arith.addf %get3A_750, %get3A_756 : vector<16xf32>
        %add3A_758 = arith.addf %while3A_720, %add3A_757 : vector<16xf32>
        %get3A_759 = arith.index_cast %mul3A_723 : i32 to index
        %get3A_760 = arith.constant 48 : index
        %get3A_761 = tpu.vector_load %arg7[%get3A_759, %get3A_760] {strides = array<i32>} : memref<128x64xf32, #tpu.memory_space<vmem>>, vector<1x16xf32>,
        %get3A_762 = vector.shape_cast %get3A_761 : vector<1x16xf32> to vector<16xf32>
        %add3A_763 = arith.constant 1 : i32
        %add3A_764 = arith.addi %mul3A_723, %add3A_763 : i32
        %get3A_765 = arith.index_cast %add3A_764 : i32 to index
        %get3A_766 = arith.constant 48 : index
        %get3A_767 = tpu.vector_load %arg7[%get3A_765, %get3A_766] {strides = array<i32>} : memref<128x64xf32, #tpu.memory_space<vmem>>, vector<1x16xf32>,
        %get3A_768 = vector.shape_cast %get3A_767 : vector<1x16xf32> to vector<16xf32>
        %add3A_769 = arith.addf %get3A_762, %get3A_768 : vector<16xf32>
        %add3A_770 = arith.addf %while3A_721, %add3A_769 : vector<16xf32>
        scf.yield %add3A_734, %add3A_746, %add3A_758, %add3A_770 : vector<16xf32>, vector<16xf32>, vector<16xf32>, vector<16xf32>
      }
      %while3A_248 = arith.constant 1 : i32
      %while3A_249:4 = scf.for %while3A_717 = %while3A_245 to %while3A_241 step %while3A_248 iter_args(%while3A_718 = %while3A_247#0, %while3A_719 = %while3A_247#1, %while3A_720 = %while3A_247#2, %while3A_721 = %while3A_247#3) -> (vector<16xf32>, vector<16xf32>, vector<16xf32>, vector<16xf32>)  : i32 {
        %mul3A_722 = arith.constant 2 : i32
        %mul3A_723 = arith.muli %mul3A_722, %while3A_717 : i32
        %get3A = arith.index_cast %mul3A_723 : i32 to index
        %get3A_724 = arith.constant 0 : index
        %get3A_725 = tpu.vector_load %arg7[%get3A, %get3A_724] {strides = array<i32>} : memref<128x64xf32, #tpu.memory_space<vmem>>, vector<1x16xf32>,
        %get3A_726 = vector.shape_cast %get3A_725 : vector<1x16xf32> to vector<16xf32>
        %add3A_727 = arith.constant 1 : i32
        %add3A_728 = arith.addi %mul3A_723, %add3A_727 : i32
        %get3A_729 = arith.index_cast %add3A_728 : i32 to index
        %get3A_730 = arith.constant 0 : index
        %get3A_731 = tpu.vector_load %arg7[%get3A_729, %get3A_730] {strides = array<i32>} : memref<128x64xf32, #tpu.memory_space<vmem>>, vector<1x16xf32>,
        %get3A_732 = vector.shape_cast %get3A_731 : vector<1x16xf32> to vector<16xf32>
        %add3A_733 = arith.addf %get3A_726, %get3A_732 : vector<16xf32>
        %add3A_734 = arith.addf %while3A_718, %add3A_733 : vector<16xf32>
        %get3A_735 = arith.index_cast %mul3A_723 : i32 to index
        %get3A_736 = arith.constant 16 : index
        %get3A_737 = tpu.vector_load %arg7[%get3A_735, %get3A_736] {strides = array<i32>} : memref<128x64xf32, #tpu.memory_space<vmem>>, vector<1x16xf32>,
        %get3A_738 = vector.shape_cast %get3A_737 : vector<1x16xf32> to vector<16xf32>
        %add3A_739 = arith.constant 1 : i32
        %add3A_740 = arith.addi %mul3A_723, %add3A_739 : i32
        %get3A_741 = arith.index_cast %add3A_740 : i32 to index
        %get3A_742 = arith.constant 16 : index
        %get3A_743 = tpu.vector_load %arg7[%get3A_741, %get3A_742] {strides = array<i32>} : memref<128x64xf32, #tpu.memory_space<vmem>>, vector<1x16xf32>,
        %get3A_744 = vector.shape_cast %get3A_743 : vector<1x16xf32> to vector<16xf32>
        %add3A_745 = arith.addf %get3A_738, %get3A_744 : vector<16xf32>
        %add3A_746 = arith.addf %while3A_719, %add3A_745 : vector<16xf32>
        %get3A_747 = arith.index_cast %mul3A_723 : i32 to index
        %get3A_748 = arith.constant 32 : index
        %get3A_749 = tpu.vector_load %arg7[%get3A_747, %get3A_748] {strides = array<i32>} : memref<128x64xf32, #tpu.memory_space<vmem>>, vector<1x16xf32>,
        %get3A_750 = vector.shape_cast %get3A_749 : vector<1x16xf32> to vector<16xf32>
        %add3A_751 = arith.constant 1 : i32
        %add3A_752 = arith.addi %mul3A_723, %add3A_751 : i32
        %get3A_753 = arith.index_cast %add3A_752 : i32 to index
        %get3A_754 = arith.constant 32 : index
        %get3A_755 = tpu.vector_load %arg7[%get3A_753, %get3A_754] {strides = array<i32>} : memref<128x64xf32, #tpu.memory_space<vmem>>, vector<1x16xf32>,
        %get3A_756 = vector.shape_cast %get3A_755 : vector<1x16xf32> to vector<16xf32>
        %add3A_757 = arith.addf %get3A_750, %get3A_756 : vector<16xf32>
        %add3A_758 = arith.addf %while3A_720, %add3A_757 : vector<16xf32>
        %get3A_759 = arith.index_cast %mul3A_723 : i32 to index
        %get3A_760 = arith.constant 48 : index
        %get3A_761 = tpu.vector_load %arg7[%get3A_759, %get3A_760] {strides = array<i32>} : memref<128x64xf32, #tpu.memory_space<vmem>>, vector<1x16xf32>,
        %get3A_762 = vector.shape_cast %get3A_761 : vector<1x16xf32> to vector<16xf32>
        %add3A_763 = arith.constant 1 : i32
        %add3A_764 = arith.addi %mul3A_723, %add3A_763 : i32
        %get3A_765 = arith.index_cast %add3A_764 : i32 to index
        %get3A_766 = arith.constant 48 : index
        %get3A_767 = tpu.vector_load %arg7[%get3A_765, %get3A_766] {strides = array<i32>} : memref<128x64xf32, #tpu.memory_space<vmem>>, vector<1x16xf32>,
        %get3A_768 = vector.shape_cast %get3A_767 : vector<1x16xf32> to vector<16xf32>
        %add3A_769 = arith.addf %get3A_762, %get3A_768 : vector<16xf32>
        %add3A_770 = arith.addf %while3A_721, %add3A_769 : vector<16xf32>
        scf.yield %add3A_734, %add3A_746, %add3A_758, %add3A_770 : vector<16xf32>, vector<16xf32>, vector<16xf32>, vector<16xf32>
      }
      %convert_element_type3A_250 = arith.extui %le3A_212 : i1 to i32
      %cond3A_251 = arith.constant 0 : i32
      %cond3A_252 = arith.cmpi ne, %convert_element_type3A_250, %cond3A_251 : i32
      scf.if %cond3A_252 {
        %mul3A_717 = vector.broadcast %scan3A : f32 to vector<16xf32>
        %mul3A_718 = arith.mulf %while3A_249#0, %mul3A_717 : vector<16xf32>
        %swap3A = arith.index_cast %select_n3A_203 : i32 to index
        %swap3A_719 = arith.constant 0 : index
        %swap3A_720 = tpu.vector_load %arg11[%swap3A, %swap3A_719] {strides = array<i32>} : memref<32x64xf32, #tpu.memory_space<vmem>>, vector<1x16xf32>,
        %swap3A_721 = vector.shape_cast %swap3A_720 : vector<1x16xf32> to vector<16xf32>
        %swap3A_722 = vector.shape_cast %mul3A_718 : vector<16xf32> to vector<1x16xf32>
        tpu.vector_store %arg11[%swap3A, %swap3A_719], %swap3A_722 {strides = array<i32>} : memref<32x64xf32, #tpu.memory_space<vmem>>, vector<1x16xf32>,
        %mul3A_723 = vector.broadcast %scan3A : f32 to vector<16xf32>
        %mul3A_724 = arith.mulf %while3A_249#1, %mul3A_723 : vector<16xf32>
        %swap3A_725 = arith.index_cast %select_n3A_203 : i32 to index
        %swap3A_726 = arith.constant 16 : index
        %swap3A_727 = tpu.vector_load %arg11[%swap3A_725, %swap3A_726] {strides = array<i32>} : memref<32x64xf32, #tpu.memory_space<vmem>>, vector<1x16xf32>,
        %swap3A_728 = vector.shape_cast %swap3A_727 : vector<1x16xf32> to vector<16xf32>
        %swap3A_729 = vector.shape_cast %mul3A_724 : vector<16xf32> to vector<1x16xf32>
        tpu.vector_store %arg11[%swap3A_725, %swap3A_726], %swap3A_729 {strides = array<i32>} : memref<32x64xf32, #tpu.memory_space<vmem>>, vector<1x16xf32>,
        %mul3A_730 = vector.broadcast %scan3A : f32 to vector<16xf32>
        %mul3A_731 = arith.mulf %while3A_249#2, %mul3A_730 : vector<16xf32>
        %swap3A_732 = arith.index_cast %select_n3A_203 : i32 to index
        %swap3A_733 = arith.constant 32 : index
        %swap3A_734 = tpu.vector_load %arg11[%swap3A_732, %swap3A_733] {strides = array<i32>} : memref<32x64xf32, #tpu.memory_space<vmem>>, vector<1x16xf32>,
        %swap3A_735 = vector.shape_cast %swap3A_734 : vector<1x16xf32> to vector<16xf32>
        %swap3A_736 = vector.shape_cast %mul3A_731 : vector<16xf32> to vector<1x16xf32>
        tpu.vector_store %arg11[%swap3A_732, %swap3A_733], %swap3A_736 {strides = array<i32>} : memref<32x64xf32, #tpu.memory_space<vmem>>, vector<1x16xf32>,
        %mul3A_737 = vector.broadcast %scan3A : f32 to vector<16xf32>
        %mul3A_738 = arith.mulf %while3A_249#3, %mul3A_737 : vector<16xf32>
        %swap3A_739 = arith.index_cast %select_n3A_203 : i32 to index
        %swap3A_740 = arith.constant 48 : index
        %swap3A_741 = tpu.vector_load %arg11[%swap3A_739, %swap3A_740] {strides = array<i32>} : memref<32x64xf32, #tpu.memory_space<vmem>>, vector<1x16xf32>,
        %swap3A_742 = vector.shape_cast %swap3A_741 : vector<1x16xf32> to vector<16xf32>
        %swap3A_743 = vector.shape_cast %mul3A_738 : vector<16xf32> to vector<1x16xf32>
        tpu.vector_store %arg11[%swap3A_739, %swap3A_740], %swap3A_743 {strides = array<i32>} : memref<32x64xf32, #tpu.memory_space<vmem>>, vector<1x16xf32>,
      } else {
      }
      %jit3A_253 = arith.constant 0.000000e+00 : f32
      %jit3A_254 = arith.constant 1.000000e+00 : f32
      %select_n3A_255 = arith.select %le3A_212, %jit3A_253, %jit3A_254 : f32
      %mul3A_256 = vector.broadcast %select_n3A_255 : f32 to vector<16xf32>
      %mul3A_257 = arith.mulf %while3A_249#0, %mul3A_256 : vector<16xf32>
      %mul3A_258 = vector.broadcast %select_n3A_255 : f32 to vector<16xf32>
      %mul3A_259 = arith.mulf %while3A_249#1, %mul3A_258 : vector<16xf32>
      %mul3A_260 = vector.broadcast %select_n3A_255 : f32 to vector<16xf32>
      %mul3A_261 = arith.mulf %while3A_249#2, %mul3A_260 : vector<16xf32>
      %mul3A_262 = vector.broadcast %select_n3A_255 : f32 to vector<16xf32>
      %mul3A_263 = arith.mulf %while3A_249#3, %mul3A_262 : vector<16xf32>
      %jit3A_264 = arith.constant 2 : i32
      %div3A_265 = arith.divsi %min3A_214, %jit3A_264 : i32
      %sign3A_266 = arith.constant 0 : i32
      %sign3A_267 = arith.cmpi sgt, %min3A_214, %sign3A_266 : i32
      %sign3A_268 = arith.extui %sign3A_267 : i1 to i32
      %sign3A_269 = arith.constant 0 : i32
      %sign3A_270 = arith.cmpi slt, %min3A_214, %sign3A_269 : i32
      %sign3A_271 = arith.extui %sign3A_270 : i1 to i32
      %sign3A_272 = arith.subi %sign3A_268, %sign3A_271 : i32
      %sign3A_273 = arith.constant 0 : i32
      %sign3A_274 = arith.cmpi sgt, %jit3A_264, %sign3A_273 : i32
      %sign3A_275 = arith.extui %sign3A_274 : i1 to i32
      %sign3A_276 = arith.constant 0 : i32
      %sign3A_277 = arith.cmpi slt, %jit3A_264, %sign3A_276 : i32
      %sign3A_278 = arith.extui %sign3A_277 : i1 to i32
      %sign3A_279 = arith.subi %sign3A_275, %sign3A_278 : i32
      %ne3A_280 = arith.cmpi ne, %sign3A_272, %sign3A_279 : i32
      %rem3A_281 = arith.remsi %min3A_214, %jit3A_264 : i32
      %ne3A_282 = arith.constant 0 : i32
      %ne3A_283 = arith.cmpi ne, %rem3A_281, %ne3A_282 : i32
      %and3A_284 = arith.andi %ne3A_280, %ne3A_283 : i1
      %sub3A_285 = arith.constant 1 : i32
      %sub3A_286 = arith.subi %div3A_265, %sub3A_285 : i32
      %select_n3A_287 = arith.select %and3A_284, %sub3A_286, %div3A_265 : i32
      %while3A_288 = arith.constant 64 : i32
      %while3A_289 = arith.subi %while3A_288, %select_n3A_287 : i32
      %while3A_290 = arith.addi %select_n3A_287, %while3A_289 : i32
      %while3A_291 = arith.constant 1 : i32
      %while3A_292 = arith.divsi %while3A_289, %while3A_291 : i32
      %while3A_293 = arith.muli %while3A_292, %while3A_291 : i32
      %while3A_294 = arith.addi %select_n3A_287, %while3A_293 : i32
      %while3A_295 = arith.constant 1 : i32
      %while3A_296:4 = scf.for %while3A_717 = %select_n3A_287 to %while3A_294 step %while3A_295 iter_args(%while3A_718 = %mul3A_257, %while3A_719 = %mul3A_259, %while3A_720 = %mul3A_261, %while3A_721 = %mul3A_263) -> (vector<16xf32>, vector<16xf32>, vector<16xf32>, vector<16xf32>)  : i32 {
        %mul3A_722 = arith.constant 2 : i32
        %mul3A_723 = arith.muli %mul3A_722, %while3A_717 : i32
        %get3A = arith.index_cast %mul3A_723 : i32 to index
        %get3A_724 = arith.constant 0 : index
        %get3A_725 = tpu.vector_load %arg7[%get3A, %get3A_724] {strides = array<i32>} : memref<128x64xf32, #tpu.memory_space<vmem>>, vector<1x16xf32>,
        %get3A_726 = vector.shape_cast %get3A_725 : vector<1x16xf32> to vector<16xf32>
        %add3A_727 = arith.constant 1 : i32
        %add3A_728 = arith.addi %mul3A_723, %add3A_727 : i32
        %get3A_729 = arith.index_cast %add3A_728 : i32 to index
        %get3A_730 = arith.constant 0 : index
        %get3A_731 = tpu.vector_load %arg7[%get3A_729, %get3A_730] {strides = array<i32>} : memref<128x64xf32, #tpu.memory_space<vmem>>, vector<1x16xf32>,
        %get3A_732 = vector.shape_cast %get3A_731 : vector<1x16xf32> to vector<16xf32>
        %add3A_733 = arith.addf %get3A_726, %get3A_732 : vector<16xf32>
        %add3A_734 = arith.addf %while3A_718, %add3A_733 : vector<16xf32>
        %get3A_735 = arith.index_cast %mul3A_723 : i32 to index
        %get3A_736 = arith.constant 16 : index
        %get3A_737 = tpu.vector_load %arg7[%get3A_735, %get3A_736] {strides = array<i32>} : memref<128x64xf32, #tpu.memory_space<vmem>>, vector<1x16xf32>,
        %get3A_738 = vector.shape_cast %get3A_737 : vector<1x16xf32> to vector<16xf32>
        %add3A_739 = arith.constant 1 : i32
        %add3A_740 = arith.addi %mul3A_723, %add3A_739 : i32
        %get3A_741 = arith.index_cast %add3A_740 : i32 to index
        %get3A_742 = arith.constant 16 : index
        %get3A_743 = tpu.vector_load %arg7[%get3A_741, %get3A_742] {strides = array<i32>} : memref<128x64xf32, #tpu.memory_space<vmem>>, vector<1x16xf32>,
        %get3A_744 = vector.shape_cast %get3A_743 : vector<1x16xf32> to vector<16xf32>
        %add3A_745 = arith.addf %get3A_738, %get3A_744 : vector<16xf32>
        %add3A_746 = arith.addf %while3A_719, %add3A_745 : vector<16xf32>
        %get3A_747 = arith.index_cast %mul3A_723 : i32 to index
        %get3A_748 = arith.constant 32 : index
        %get3A_749 = tpu.vector_load %arg7[%get3A_747, %get3A_748] {strides = array<i32>} : memref<128x64xf32, #tpu.memory_space<vmem>>, vector<1x16xf32>,
        %get3A_750 = vector.shape_cast %get3A_749 : vector<1x16xf32> to vector<16xf32>
        %add3A_751 = arith.constant 1 : i32
        %add3A_752 = arith.addi %mul3A_723, %add3A_751 : i32
        %get3A_753 = arith.index_cast %add3A_752 : i32 to index
        %get3A_754 = arith.constant 32 : index
        %get3A_755 = tpu.vector_load %arg7[%get3A_753, %get3A_754] {strides = array<i32>} : memref<128x64xf32, #tpu.memory_space<vmem>>, vector<1x16xf32>,
        %get3A_756 = vector.shape_cast %get3A_755 : vector<1x16xf32> to vector<16xf32>
        %add3A_757 = arith.addf %get3A_750, %get3A_756 : vector<16xf32>
        %add3A_758 = arith.addf %while3A_720, %add3A_757 : vector<16xf32>
        %get3A_759 = arith.index_cast %mul3A_723 : i32 to index
        %get3A_760 = arith.constant 48 : index
        %get3A_761 = tpu.vector_load %arg7[%get3A_759, %get3A_760] {strides = array<i32>} : memref<128x64xf32, #tpu.memory_space<vmem>>, vector<1x16xf32>,
        %get3A_762 = vector.shape_cast %get3A_761 : vector<1x16xf32> to vector<16xf32>
        %add3A_763 = arith.constant 1 : i32
        %add3A_764 = arith.addi %mul3A_723, %add3A_763 : i32
        %get3A_765 = arith.index_cast %add3A_764 : i32 to index
        %get3A_766 = arith.constant 48 : index
        %get3A_767 = tpu.vector_load %arg7[%get3A_765, %get3A_766] {strides = array<i32>} : memref<128x64xf32, #tpu.memory_space<vmem>>, vector<1x16xf32>,
        %get3A_768 = vector.shape_cast %get3A_767 : vector<1x16xf32> to vector<16xf32>
        %add3A_769 = arith.addf %get3A_762, %get3A_768 : vector<16xf32>
        %add3A_770 = arith.addf %while3A_721, %add3A_769 : vector<16xf32>
        scf.yield %add3A_734, %add3A_746, %add3A_758, %add3A_770 : vector<16xf32>, vector<16xf32>, vector<16xf32>, vector<16xf32>
      }
      %while3A_297 = arith.constant 1 : i32
      %while3A_298:4 = scf.for %while3A_717 = %while3A_294 to %while3A_290 step %while3A_297 iter_args(%while3A_718 = %while3A_296#0, %while3A_719 = %while3A_296#1, %while3A_720 = %while3A_296#2, %while3A_721 = %while3A_296#3) -> (vector<16xf32>, vector<16xf32>, vector<16xf32>, vector<16xf32>)  : i32 {
        %mul3A_722 = arith.constant 2 : i32
        %mul3A_723 = arith.muli %mul3A_722, %while3A_717 : i32
        %get3A = arith.index_cast %mul3A_723 : i32 to index
        %get3A_724 = arith.constant 0 : index
        %get3A_725 = tpu.vector_load %arg7[%get3A, %get3A_724] {strides = array<i32>} : memref<128x64xf32, #tpu.memory_space<vmem>>, vector<1x16xf32>,
        %get3A_726 = vector.shape_cast %get3A_725 : vector<1x16xf32> to vector<16xf32>
        %add3A_727 = arith.constant 1 : i32
        %add3A_728 = arith.addi %mul3A_723, %add3A_727 : i32
        %get3A_729 = arith.index_cast %add3A_728 : i32 to index
        %get3A_730 = arith.constant 0 : index
        %get3A_731 = tpu.vector_load %arg7[%get3A_729, %get3A_730] {strides = array<i32>} : memref<128x64xf32, #tpu.memory_space<vmem>>, vector<1x16xf32>,
        %get3A_732 = vector.shape_cast %get3A_731 : vector<1x16xf32> to vector<16xf32>
        %add3A_733 = arith.addf %get3A_726, %get3A_732 : vector<16xf32>
        %add3A_734 = arith.addf %while3A_718, %add3A_733 : vector<16xf32>
        %get3A_735 = arith.index_cast %mul3A_723 : i32 to index
        %get3A_736 = arith.constant 16 : index
        %get3A_737 = tpu.vector_load %arg7[%get3A_735, %get3A_736] {strides = array<i32>} : memref<128x64xf32, #tpu.memory_space<vmem>>, vector<1x16xf32>,
        %get3A_738 = vector.shape_cast %get3A_737 : vector<1x16xf32> to vector<16xf32>
        %add3A_739 = arith.constant 1 : i32
        %add3A_740 = arith.addi %mul3A_723, %add3A_739 : i32
        %get3A_741 = arith.index_cast %add3A_740 : i32 to index
        %get3A_742 = arith.constant 16 : index
        %get3A_743 = tpu.vector_load %arg7[%get3A_741, %get3A_742] {strides = array<i32>} : memref<128x64xf32, #tpu.memory_space<vmem>>, vector<1x16xf32>,
        %get3A_744 = vector.shape_cast %get3A_743 : vector<1x16xf32> to vector<16xf32>
        %add3A_745 = arith.addf %get3A_738, %get3A_744 : vector<16xf32>
        %add3A_746 = arith.addf %while3A_719, %add3A_745 : vector<16xf32>
        %get3A_747 = arith.index_cast %mul3A_723 : i32 to index
        %get3A_748 = arith.constant 32 : index
        %get3A_749 = tpu.vector_load %arg7[%get3A_747, %get3A_748] {strides = array<i32>} : memref<128x64xf32, #tpu.memory_space<vmem>>, vector<1x16xf32>,
        %get3A_750 = vector.shape_cast %get3A_749 : vector<1x16xf32> to vector<16xf32>
        %add3A_751 = arith.constant 1 : i32
        %add3A_752 = arith.addi %mul3A_723, %add3A_751 : i32
        %get3A_753 = arith.index_cast %add3A_752 : i32 to index
        %get3A_754 = arith.constant 32 : index
        %get3A_755 = tpu.vector_load %arg7[%get3A_753, %get3A_754] {strides = array<i32>} : memref<128x64xf32, #tpu.memory_space<vmem>>, vector<1x16xf32>,
        %get3A_756 = vector.shape_cast %get3A_755 : vector<1x16xf32> to vector<16xf32>
        %add3A_757 = arith.addf %get3A_750, %get3A_756 : vector<16xf32>
        %add3A_758 = arith.addf %while3A_720, %add3A_757 : vector<16xf32>
        %get3A_759 = arith.index_cast %mul3A_723 : i32 to index
        %get3A_760 = arith.constant 48 : index
        %get3A_761 = tpu.vector_load %arg7[%get3A_759, %get3A_760] {strides = array<i32>} : memref<128x64xf32, #tpu.memory_space<vmem>>, vector<1x16xf32>,
        %get3A_762 = vector.shape_cast %get3A_761 : vector<1x16xf32> to vector<16xf32>
        %add3A_763 = arith.constant 1 : i32
        %add3A_764 = arith.addi %mul3A_723, %add3A_763 : i32
        %get3A_765 = arith.index_cast %add3A_764 : i32 to index
        %get3A_766 = arith.constant 48 : index
        %get3A_767 = tpu.vector_load %arg7[%get3A_765, %get3A_766] {strides = array<i32>} : memref<128x64xf32, #tpu.memory_space<vmem>>, vector<1x16xf32>,
        %get3A_768 = vector.shape_cast %get3A_767 : vector<1x16xf32> to vector<16xf32>
        %add3A_769 = arith.addf %get3A_762, %get3A_768 : vector<16xf32>
        %add3A_770 = arith.addf %while3A_721, %add3A_769 : vector<16xf32>
        scf.yield %add3A_734, %add3A_746, %add3A_758, %add3A_770 : vector<16xf32>, vector<16xf32>, vector<16xf32>, vector<16xf32>
      }
      %add3A_299 = arith.constant 5 : i32
      %add3A_300 = arith.addi %add3A_172, %add3A_299 : i32
      %lt3A_301 = arith.constant 250 : i32
      %lt3A_302 = arith.cmpi slt, %add3A_300, %lt3A_301 : i32
      %convert_element_type3A_303 = arith.extui %lt3A_302 : i1 to i32
      %cond3A_304 = arith.constant 0 : i32
      %cond3A_305 = arith.cmpi ne, %convert_element_type3A_303, %cond3A_304 : i32
      scf.if %cond3A_305 {
        %add3A_717 = arith.constant 5 : i32
        %add3A_718 = arith.addi %add3A_172, %add3A_717 : i32
        %mul3A_719 = arith.constant 128 : i32
        %mul3A_720 = arith.muli %add3A_718, %mul3A_719 : i32
        %dma_start3A_721 = tpu.memref_slice %arg5[%mul3A_720] : memref<32000xi32, #tpu.memory_space<vmem>> -> memref<128xi32, #tpu.memory_space<vmem>>
        %dma_start3A_722 = arith.constant 0 : i32
        %dma_start3A_723 = arith.constant 0 : i32
        %dma_start3A_724 = tpu.memref_slice %arg3[%dma_start3A_722, %dma_start3A_723] : memref<1000000x64xf32, #tpu.memory_space<hbm>> -> memref<1000000x64xf32, #tpu.memory_space<hbm>>
        tpu.enqueue_indirect_dma source(%dma_start3A_724 : memref<1000000x64xf32, #tpu.memory_space<hbm>>) target(%arg7 : memref<128x64xf32, #tpu.memory_space<vmem>>) offsets(%dma_start3A_721 : memref<128xi32, #tpu.memory_space<vmem>>) semaphore(%arg13 : memref<!tpu.dma_semaphore, #tpu.memory_space<semaphore_mem>>)
      } else {
      }
      %mul3A_306 = arith.constant 5 : i32
      %mul3A_307 = arith.muli %scan3A_42, %mul3A_306 : i32
      %add3A_308 = arith.constant 2 : i32
      %add3A_309 = arith.addi %mul3A_307, %add3A_308 : i32
      %dma_wait3A_310 = arith.constant 0 : i32
      %dma_wait3A_311 = tpu.memref_slice %arg5[%dma_wait3A_310] : memref<32000xi32, #tpu.memory_space<vmem>> -> memref<128xi32, #tpu.memory_space<vmem>>
      %dma_wait3A_312 = arith.constant 0 : i32
      %dma_wait3A_313 = arith.constant 0 : i32
      %dma_wait3A_314 = tpu.memref_slice %arg3[%dma_wait3A_312, %dma_wait3A_313] : memref<1000000x64xf32, #tpu.memory_space<hbm>> -> memref<1000000x64xf32, #tpu.memory_space<hbm>>
      tpu.wait_indirect_dma semaphore(%arg14 : memref<!tpu.dma_semaphore, #tpu.memory_space<semaphore_mem>>) src(%dma_wait3A_314 : memref<1000000x64xf32, #tpu.memory_space<hbm>>) dst(%arg8 : memref<128x64xf32, #tpu.memory_space<vmem>>)
      %mul3A_315 = arith.constant 128 : i32
      %mul3A_316 = arith.muli %add3A_309, %mul3A_315 : i32
      %jit3A_317 = arith.constant 1000 : i32
      %div3A_318 = arith.divsi %mul3A_316, %jit3A_317 : i32
      %sign3A_319 = arith.constant 0 : i32
      %sign3A_320 = arith.cmpi sgt, %mul3A_316, %sign3A_319 : i32
      %sign3A_321 = arith.extui %sign3A_320 : i1 to i32
      %sign3A_322 = arith.constant 0 : i32
      %sign3A_323 = arith.cmpi slt, %mul3A_316, %sign3A_322 : i32
      %sign3A_324 = arith.extui %sign3A_323 : i1 to i32
      %sign3A_325 = arith.subi %sign3A_321, %sign3A_324 : i32
      %sign3A_326 = arith.constant 0 : i32
      %sign3A_327 = arith.cmpi sgt, %jit3A_317, %sign3A_326 : i32
      %sign3A_328 = arith.extui %sign3A_327 : i1 to i32
      %sign3A_329 = arith.constant 0 : i32
      %sign3A_330 = arith.cmpi slt, %jit3A_317, %sign3A_329 : i32
      %sign3A_331 = arith.extui %sign3A_330 : i1 to i32
      %sign3A_332 = arith.subi %sign3A_328, %sign3A_331 : i32
      %ne3A_333 = arith.cmpi ne, %sign3A_325, %sign3A_332 : i32
      %rem3A_334 = arith.remsi %mul3A_316, %jit3A_317 : i32
      %ne3A_335 = arith.constant 0 : i32
      %ne3A_336 = arith.cmpi ne, %rem3A_334, %ne3A_335 : i32
      %and3A_337 = arith.andi %ne3A_333, %ne3A_336 : i1
      %sub3A_338 = arith.constant 1 : i32
      %sub3A_339 = arith.subi %div3A_318, %sub3A_338 : i32
      %select_n3A_340 = arith.select %and3A_337, %sub3A_339, %div3A_318 : i32
      %add3A_341 = arith.constant 1 : i32
      %add3A_342 = arith.addi %select_n3A_340, %add3A_341 : i32
      %mul3A_343 = arith.constant 1000 : i32
      %mul3A_344 = arith.muli %add3A_342, %mul3A_343 : i32
      %mul3A_345 = arith.constant 128 : i32
      %mul3A_346 = arith.muli %add3A_309, %mul3A_345 : i32
      %sub3A_347 = arith.subi %mul3A_344, %mul3A_346 : i32
      %le3A_348 = arith.constant 128 : i32
      %le3A_349 = arith.cmpi sle, %sub3A_347, %le3A_348 : i32
      %min3A_350 = arith.constant 128 : i32
      %min3A_351 = arith.minsi %sub3A_347, %min3A_350 : i32
      %jit3A_352 = arith.constant 2 : i32
      %div3A_353 = arith.divsi %min3A_351, %jit3A_352 : i32
      %sign3A_354 = arith.constant 0 : i32
      %sign3A_355 = arith.cmpi sgt, %min3A_351, %sign3A_354 : i32
      %sign3A_356 = arith.extui %sign3A_355 : i1 to i32
      %sign3A_357 = arith.constant 0 : i32
      %sign3A_358 = arith.cmpi slt, %min3A_351, %sign3A_357 : i32
      %sign3A_359 = arith.extui %sign3A_358 : i1 to i32
      %sign3A_360 = arith.subi %sign3A_356, %sign3A_359 : i32
      %sign3A_361 = arith.constant 0 : i32
      %sign3A_362 = arith.cmpi sgt, %jit3A_352, %sign3A_361 : i32
      %sign3A_363 = arith.extui %sign3A_362 : i1 to i32
      %sign3A_364 = arith.constant 0 : i32
      %sign3A_365 = arith.cmpi slt, %jit3A_352, %sign3A_364 : i32
      %sign3A_366 = arith.extui %sign3A_365 : i1 to i32
      %sign3A_367 = arith.subi %sign3A_363, %sign3A_366 : i32
      %ne3A_368 = arith.cmpi ne, %sign3A_360, %sign3A_367 : i32
      %rem3A_369 = arith.remsi %min3A_351, %jit3A_352 : i32
      %ne3A_370 = arith.constant 0 : i32
      %ne3A_371 = arith.cmpi ne, %rem3A_369, %ne3A_370 : i32
      %and3A_372 = arith.andi %ne3A_368, %ne3A_371 : i1
      %sub3A_373 = arith.constant 1 : i32
      %sub3A_374 = arith.subi %div3A_353, %sub3A_373 : i32
      %select_n3A_375 = arith.select %and3A_372, %sub3A_374, %div3A_353 : i32
      %while3A_376 = arith.constant 0 : i32
      %while3A_377 = arith.subi %select_n3A_375, %while3A_376 : i32
      %while3A_378 = arith.addi %while3A_376, %while3A_377 : i32
      %while3A_379 = arith.constant 1 : i32
      %while3A_380 = arith.divsi %while3A_377, %while3A_379 : i32
      %while3A_381 = arith.muli %while3A_380, %while3A_379 : i32
      %while3A_382 = arith.addi %while3A_376, %while3A_381 : i32
      %while3A_383 = arith.constant 1 : i32
      %while3A_384:4 = scf.for %while3A_717 = %while3A_376 to %while3A_382 step %while3A_383 iter_args(%while3A_718 = %while3A_298#0, %while3A_719 = %while3A_298#1, %while3A_720 = %while3A_298#2, %while3A_721 = %while3A_298#3) -> (vector<16xf32>, vector<16xf32>, vector<16xf32>, vector<16xf32>)  : i32 {
        %mul3A_722 = arith.constant 2 : i32
        %mul3A_723 = arith.muli %mul3A_722, %while3A_717 : i32
        %get3A = arith.index_cast %mul3A_723 : i32 to index
        %get3A_724 = arith.constant 0 : index
        %get3A_725 = tpu.vector_load %arg8[%get3A, %get3A_724] {strides = array<i32>} : memref<128x64xf32, #tpu.memory_space<vmem>>, vector<1x16xf32>,
        %get3A_726 = vector.shape_cast %get3A_725 : vector<1x16xf32> to vector<16xf32>
        %add3A_727 = arith.constant 1 : i32
        %add3A_728 = arith.addi %mul3A_723, %add3A_727 : i32
        %get3A_729 = arith.index_cast %add3A_728 : i32 to index
        %get3A_730 = arith.constant 0 : index
        %get3A_731 = tpu.vector_load %arg8[%get3A_729, %get3A_730] {strides = array<i32>} : memref<128x64xf32, #tpu.memory_space<vmem>>, vector<1x16xf32>,
        %get3A_732 = vector.shape_cast %get3A_731 : vector<1x16xf32> to vector<16xf32>
        %add3A_733 = arith.addf %get3A_726, %get3A_732 : vector<16xf32>
        %add3A_734 = arith.addf %while3A_718, %add3A_733 : vector<16xf32>
        %get3A_735 = arith.index_cast %mul3A_723 : i32 to index
        %get3A_736 = arith.constant 16 : index
        %get3A_737 = tpu.vector_load %arg8[%get3A_735, %get3A_736] {strides = array<i32>} : memref<128x64xf32, #tpu.memory_space<vmem>>, vector<1x16xf32>,
        %get3A_738 = vector.shape_cast %get3A_737 : vector<1x16xf32> to vector<16xf32>
        %add3A_739 = arith.constant 1 : i32
        %add3A_740 = arith.addi %mul3A_723, %add3A_739 : i32
        %get3A_741 = arith.index_cast %add3A_740 : i32 to index
        %get3A_742 = arith.constant 16 : index
        %get3A_743 = tpu.vector_load %arg8[%get3A_741, %get3A_742] {strides = array<i32>} : memref<128x64xf32, #tpu.memory_space<vmem>>, vector<1x16xf32>,
        %get3A_744 = vector.shape_cast %get3A_743 : vector<1x16xf32> to vector<16xf32>
        %add3A_745 = arith.addf %get3A_738, %get3A_744 : vector<16xf32>
        %add3A_746 = arith.addf %while3A_719, %add3A_745 : vector<16xf32>
        %get3A_747 = arith.index_cast %mul3A_723 : i32 to index
        %get3A_748 = arith.constant 32 : index
        %get3A_749 = tpu.vector_load %arg8[%get3A_747, %get3A_748] {strides = array<i32>} : memref<128x64xf32, #tpu.memory_space<vmem>>, vector<1x16xf32>,
        %get3A_750 = vector.shape_cast %get3A_749 : vector<1x16xf32> to vector<16xf32>
        %add3A_751 = arith.constant 1 : i32
        %add3A_752 = arith.addi %mul3A_723, %add3A_751 : i32
        %get3A_753 = arith.index_cast %add3A_752 : i32 to index
        %get3A_754 = arith.constant 32 : index
        %get3A_755 = tpu.vector_load %arg8[%get3A_753, %get3A_754] {strides = array<i32>} : memref<128x64xf32, #tpu.memory_space<vmem>>, vector<1x16xf32>,
        %get3A_756 = vector.shape_cast %get3A_755 : vector<1x16xf32> to vector<16xf32>
        %add3A_757 = arith.addf %get3A_750, %get3A_756 : vector<16xf32>
        %add3A_758 = arith.addf %while3A_720, %add3A_757 : vector<16xf32>
        %get3A_759 = arith.index_cast %mul3A_723 : i32 to index
        %get3A_760 = arith.constant 48 : index
        %get3A_761 = tpu.vector_load %arg8[%get3A_759, %get3A_760] {strides = array<i32>} : memref<128x64xf32, #tpu.memory_space<vmem>>, vector<1x16xf32>,
        %get3A_762 = vector.shape_cast %get3A_761 : vector<1x16xf32> to vector<16xf32>
        %add3A_763 = arith.constant 1 : i32
        %add3A_764 = arith.addi %mul3A_723, %add3A_763 : i32
        %get3A_765 = arith.index_cast %add3A_764 : i32 to index
        %get3A_766 = arith.constant 48 : index
        %get3A_767 = tpu.vector_load %arg8[%get3A_765, %get3A_766] {strides = array<i32>} : memref<128x64xf32, #tpu.memory_space<vmem>>, vector<1x16xf32>,
        %get3A_768 = vector.shape_cast %get3A_767 : vector<1x16xf32> to vector<16xf32>
        %add3A_769 = arith.addf %get3A_762, %get3A_768 : vector<16xf32>
        %add3A_770 = arith.addf %while3A_721, %add3A_769 : vector<16xf32>
        scf.yield %add3A_734, %add3A_746, %add3A_758, %add3A_770 : vector<16xf32>, vector<16xf32>, vector<16xf32>, vector<16xf32>
      }
      %while3A_385 = arith.constant 1 : i32
      %while3A_386:4 = scf.for %while3A_717 = %while3A_382 to %while3A_378 step %while3A_385 iter_args(%while3A_718 = %while3A_384#0, %while3A_719 = %while3A_384#1, %while3A_720 = %while3A_384#2, %while3A_721 = %while3A_384#3) -> (vector<16xf32>, vector<16xf32>, vector<16xf32>, vector<16xf32>)  : i32 {
        %mul3A_722 = arith.constant 2 : i32
        %mul3A_723 = arith.muli %mul3A_722, %while3A_717 : i32
        %get3A = arith.index_cast %mul3A_723 : i32 to index
        %get3A_724 = arith.constant 0 : index
        %get3A_725 = tpu.vector_load %arg8[%get3A, %get3A_724] {strides = array<i32>} : memref<128x64xf32, #tpu.memory_space<vmem>>, vector<1x16xf32>,
        %get3A_726 = vector.shape_cast %get3A_725 : vector<1x16xf32> to vector<16xf32>
        %add3A_727 = arith.constant 1 : i32
        %add3A_728 = arith.addi %mul3A_723, %add3A_727 : i32
        %get3A_729 = arith.index_cast %add3A_728 : i32 to index
        %get3A_730 = arith.constant 0 : index
        %get3A_731 = tpu.vector_load %arg8[%get3A_729, %get3A_730] {strides = array<i32>} : memref<128x64xf32, #tpu.memory_space<vmem>>, vector<1x16xf32>,
        %get3A_732 = vector.shape_cast %get3A_731 : vector<1x16xf32> to vector<16xf32>
        %add3A_733 = arith.addf %get3A_726, %get3A_732 : vector<16xf32>
        %add3A_734 = arith.addf %while3A_718, %add3A_733 : vector<16xf32>
        %get3A_735 = arith.index_cast %mul3A_723 : i32 to index
        %get3A_736 = arith.constant 16 : index
        %get3A_737 = tpu.vector_load %arg8[%get3A_735, %get3A_736] {strides = array<i32>} : memref<128x64xf32, #tpu.memory_space<vmem>>, vector<1x16xf32>,
        %get3A_738 = vector.shape_cast %get3A_737 : vector<1x16xf32> to vector<16xf32>
        %add3A_739 = arith.constant 1 : i32
        %add3A_740 = arith.addi %mul3A_723, %add3A_739 : i32
        %get3A_741 = arith.index_cast %add3A_740 : i32 to index
        %get3A_742 = arith.constant 16 : index
        %get3A_743 = tpu.vector_load %arg8[%get3A_741, %get3A_742] {strides = array<i32>} : memref<128x64xf32, #tpu.memory_space<vmem>>, vector<1x16xf32>,
        %get3A_744 = vector.shape_cast %get3A_743 : vector<1x16xf32> to vector<16xf32>
        %add3A_745 = arith.addf %get3A_738, %get3A_744 : vector<16xf32>
        %add3A_746 = arith.addf %while3A_719, %add3A_745 : vector<16xf32>
        %get3A_747 = arith.index_cast %mul3A_723 : i32 to index
        %get3A_748 = arith.constant 32 : index
        %get3A_749 = tpu.vector_load %arg8[%get3A_747, %get3A_748] {strides = array<i32>} : memref<128x64xf32, #tpu.memory_space<vmem>>, vector<1x16xf32>,
        %get3A_750 = vector.shape_cast %get3A_749 : vector<1x16xf32> to vector<16xf32>
        %add3A_751 = arith.constant 1 : i32
        %add3A_752 = arith.addi %mul3A_723, %add3A_751 : i32
        %get3A_753 = arith.index_cast %add3A_752 : i32 to index
        %get3A_754 = arith.constant 32 : index
        %get3A_755 = tpu.vector_load %arg8[%get3A_753, %get3A_754] {strides = array<i32>} : memref<128x64xf32, #tpu.memory_space<vmem>>, vector<1x16xf32>,
        %get3A_756 = vector.shape_cast %get3A_755 : vector<1x16xf32> to vector<16xf32>
        %add3A_757 = arith.addf %get3A_750, %get3A_756 : vector<16xf32>
        %add3A_758 = arith.addf %while3A_720, %add3A_757 : vector<16xf32>
        %get3A_759 = arith.index_cast %mul3A_723 : i32 to index
        %get3A_760 = arith.constant 48 : index
        %get3A_761 = tpu.vector_load %arg8[%get3A_759, %get3A_760] {strides = array<i32>} : memref<128x64xf32, #tpu.memory_space<vmem>>, vector<1x16xf32>,
        %get3A_762 = vector.shape_cast %get3A_761 : vector<1x16xf32> to vector<16xf32>
        %add3A_763 = arith.constant 1 : i32
        %add3A_764 = arith.addi %mul3A_723, %add3A_763 : i32
        %get3A_765 = arith.index_cast %add3A_764 : i32 to index
        %get3A_766 = arith.constant 48 : index
        %get3A_767 = tpu.vector_load %arg8[%get3A_765, %get3A_766] {strides = array<i32>} : memref<128x64xf32, #tpu.memory_space<vmem>>, vector<1x16xf32>,
        %get3A_768 = vector.shape_cast %get3A_767 : vector<1x16xf32> to vector<16xf32>
        %add3A_769 = arith.addf %get3A_762, %get3A_768 : vector<16xf32>
        %add3A_770 = arith.addf %while3A_721, %add3A_769 : vector<16xf32>
        scf.yield %add3A_734, %add3A_746, %add3A_758, %add3A_770 : vector<16xf32>, vector<16xf32>, vector<16xf32>, vector<16xf32>
      }
      %convert_element_type3A_387 = arith.extui %le3A_349 : i1 to i32
      %cond3A_388 = arith.constant 0 : i32
      %cond3A_389 = arith.cmpi ne, %convert_element_type3A_387, %cond3A_388 : i32
      scf.if %cond3A_389 {
        %mul3A_717 = vector.broadcast %scan3A : f32 to vector<16xf32>
        %mul3A_718 = arith.mulf %while3A_386#0, %mul3A_717 : vector<16xf32>
        %swap3A = arith.index_cast %select_n3A_340 : i32 to index
        %swap3A_719 = arith.constant 0 : index
        %swap3A_720 = tpu.vector_load %arg11[%swap3A, %swap3A_719] {strides = array<i32>} : memref<32x64xf32, #tpu.memory_space<vmem>>, vector<1x16xf32>,
        %swap3A_721 = vector.shape_cast %swap3A_720 : vector<1x16xf32> to vector<16xf32>
        %swap3A_722 = vector.shape_cast %mul3A_718 : vector<16xf32> to vector<1x16xf32>
        tpu.vector_store %arg11[%swap3A, %swap3A_719], %swap3A_722 {strides = array<i32>} : memref<32x64xf32, #tpu.memory_space<vmem>>, vector<1x16xf32>,
        %mul3A_723 = vector.broadcast %scan3A : f32 to vector<16xf32>
        %mul3A_724 = arith.mulf %while3A_386#1, %mul3A_723 : vector<16xf32>
        %swap3A_725 = arith.index_cast %select_n3A_340 : i32 to index
        %swap3A_726 = arith.constant 16 : index
        %swap3A_727 = tpu.vector_load %arg11[%swap3A_725, %swap3A_726] {strides = array<i32>} : memref<32x64xf32, #tpu.memory_space<vmem>>, vector<1x16xf32>,
        %swap3A_728 = vector.shape_cast %swap3A_727 : vector<1x16xf32> to vector<16xf32>
        %swap3A_729 = vector.shape_cast %mul3A_724 : vector<16xf32> to vector<1x16xf32>
        tpu.vector_store %arg11[%swap3A_725, %swap3A_726], %swap3A_729 {strides = array<i32>} : memref<32x64xf32, #tpu.memory_space<vmem>>, vector<1x16xf32>,
        %mul3A_730 = vector.broadcast %scan3A : f32 to vector<16xf32>
        %mul3A_731 = arith.mulf %while3A_386#2, %mul3A_730 : vector<16xf32>
        %swap3A_732 = arith.index_cast %select_n3A_340 : i32 to index
        %swap3A_733 = arith.constant 32 : index
        %swap3A_734 = tpu.vector_load %arg11[%swap3A_732, %swap3A_733] {strides = array<i32>} : memref<32x64xf32, #tpu.memory_space<vmem>>, vector<1x16xf32>,
        %swap3A_735 = vector.shape_cast %swap3A_734 : vector<1x16xf32> to vector<16xf32>
        %swap3A_736 = vector.shape_cast %mul3A_731 : vector<16xf32> to vector<1x16xf32>
        tpu.vector_store %arg11[%swap3A_732, %swap3A_733], %swap3A_736 {strides = array<i32>} : memref<32x64xf32, #tpu.memory_space<vmem>>, vector<1x16xf32>,
        %mul3A_737 = vector.broadcast %scan3A : f32 to vector<16xf32>
        %mul3A_738 = arith.mulf %while3A_386#3, %mul3A_737 : vector<16xf32>
        %swap3A_739 = arith.index_cast %select_n3A_340 : i32 to index
        %swap3A_740 = arith.constant 48 : index
        %swap3A_741 = tpu.vector_load %arg11[%swap3A_739, %swap3A_740] {strides = array<i32>} : memref<32x64xf32, #tpu.memory_space<vmem>>, vector<1x16xf32>,
        %swap3A_742 = vector.shape_cast %swap3A_741 : vector<1x16xf32> to vector<16xf32>
        %swap3A_743 = vector.shape_cast %mul3A_738 : vector<16xf32> to vector<1x16xf32>
        tpu.vector_store %arg11[%swap3A_739, %swap3A_740], %swap3A_743 {strides = array<i32>} : memref<32x64xf32, #tpu.memory_space<vmem>>, vector<1x16xf32>,
      } else {
      }
      %jit3A_390 = arith.constant 0.000000e+00 : f32
      %jit3A_391 = arith.constant 1.000000e+00 : f32
      %select_n3A_392 = arith.select %le3A_349, %jit3A_390, %jit3A_391 : f32
      %mul3A_393 = vector.broadcast %select_n3A_392 : f32 to vector<16xf32>
      %mul3A_394 = arith.mulf %while3A_386#0, %mul3A_393 : vector<16xf32>
      %mul3A_395 = vector.broadcast %select_n3A_392 : f32 to vector<16xf32>
      %mul3A_396 = arith.mulf %while3A_386#1, %mul3A_395 : vector<16xf32>
      %mul3A_397 = vector.broadcast %select_n3A_392 : f32 to vector<16xf32>
      %mul3A_398 = arith.mulf %while3A_386#2, %mul3A_397 : vector<16xf32>
      %mul3A_399 = vector.broadcast %select_n3A_392 : f32 to vector<16xf32>
      %mul3A_400 = arith.mulf %while3A_386#3, %mul3A_399 : vector<16xf32>
      %jit3A_401 = arith.constant 2 : i32
      %div3A_402 = arith.divsi %min3A_351, %jit3A_401 : i32
      %sign3A_403 = arith.constant 0 : i32
      %sign3A_404 = arith.cmpi sgt, %min3A_351, %sign3A_403 : i32
      %sign3A_405 = arith.extui %sign3A_404 : i1 to i32
      %sign3A_406 = arith.constant 0 : i32
      %sign3A_407 = arith.cmpi slt, %min3A_351, %sign3A_406 : i32
      %sign3A_408 = arith.extui %sign3A_407 : i1 to i32
      %sign3A_409 = arith.subi %sign3A_405, %sign3A_408 : i32
      %sign3A_410 = arith.constant 0 : i32
      %sign3A_411 = arith.cmpi sgt, %jit3A_401, %sign3A_410 : i32
      %sign3A_412 = arith.extui %sign3A_411 : i1 to i32
      %sign3A_413 = arith.constant 0 : i32
      %sign3A_414 = arith.cmpi slt, %jit3A_401, %sign3A_413 : i32
      %sign3A_415 = arith.extui %sign3A_414 : i1 to i32
      %sign3A_416 = arith.subi %sign3A_412, %sign3A_415 : i32
      %ne3A_417 = arith.cmpi ne, %sign3A_409, %sign3A_416 : i32
      %rem3A_418 = arith.remsi %min3A_351, %jit3A_401 : i32
      %ne3A_419 = arith.constant 0 : i32
      %ne3A_420 = arith.cmpi ne, %rem3A_418, %ne3A_419 : i32
      %and3A_421 = arith.andi %ne3A_417, %ne3A_420 : i1
      %sub3A_422 = arith.constant 1 : i32
      %sub3A_423 = arith.subi %div3A_402, %sub3A_422 : i32
      %select_n3A_424 = arith.select %and3A_421, %sub3A_423, %div3A_402 : i32
      %while3A_425 = arith.constant 64 : i32
      %while3A_426 = arith.subi %while3A_425, %select_n3A_424 : i32
      %while3A_427 = arith.addi %select_n3A_424, %while3A_426 : i32
      %while3A_428 = arith.constant 1 : i32
      %while3A_429 = arith.divsi %while3A_426, %while3A_428 : i32
      %while3A_430 = arith.muli %while3A_429, %while3A_428 : i32
      %while3A_431 = arith.addi %select_n3A_424, %while3A_430 : i32
      %while3A_432 = arith.constant 1 : i32
      %while3A_433:4 = scf.for %while3A_717 = %select_n3A_424 to %while3A_431 step %while3A_432 iter_args(%while3A_718 = %mul3A_394, %while3A_719 = %mul3A_396, %while3A_720 = %mul3A_398, %while3A_721 = %mul3A_400) -> (vector<16xf32>, vector<16xf32>, vector<16xf32>, vector<16xf32>)  : i32 {
        %mul3A_722 = arith.constant 2 : i32
        %mul3A_723 = arith.muli %mul3A_722, %while3A_717 : i32
        %get3A = arith.index_cast %mul3A_723 : i32 to index
        %get3A_724 = arith.constant 0 : index
        %get3A_725 = tpu.vector_load %arg8[%get3A, %get3A_724] {strides = array<i32>} : memref<128x64xf32, #tpu.memory_space<vmem>>, vector<1x16xf32>,
        %get3A_726 = vector.shape_cast %get3A_725 : vector<1x16xf32> to vector<16xf32>
        %add3A_727 = arith.constant 1 : i32
        %add3A_728 = arith.addi %mul3A_723, %add3A_727 : i32
        %get3A_729 = arith.index_cast %add3A_728 : i32 to index
        %get3A_730 = arith.constant 0 : index
        %get3A_731 = tpu.vector_load %arg8[%get3A_729, %get3A_730] {strides = array<i32>} : memref<128x64xf32, #tpu.memory_space<vmem>>, vector<1x16xf32>,
        %get3A_732 = vector.shape_cast %get3A_731 : vector<1x16xf32> to vector<16xf32>
        %add3A_733 = arith.addf %get3A_726, %get3A_732 : vector<16xf32>
        %add3A_734 = arith.addf %while3A_718, %add3A_733 : vector<16xf32>
        %get3A_735 = arith.index_cast %mul3A_723 : i32 to index
        %get3A_736 = arith.constant 16 : index
        %get3A_737 = tpu.vector_load %arg8[%get3A_735, %get3A_736] {strides = array<i32>} : memref<128x64xf32, #tpu.memory_space<vmem>>, vector<1x16xf32>,
        %get3A_738 = vector.shape_cast %get3A_737 : vector<1x16xf32> to vector<16xf32>
        %add3A_739 = arith.constant 1 : i32
        %add3A_740 = arith.addi %mul3A_723, %add3A_739 : i32
        %get3A_741 = arith.index_cast %add3A_740 : i32 to index
        %get3A_742 = arith.constant 16 : index
        %get3A_743 = tpu.vector_load %arg8[%get3A_741, %get3A_742] {strides = array<i32>} : memref<128x64xf32, #tpu.memory_space<vmem>>, vector<1x16xf32>,
        %get3A_744 = vector.shape_cast %get3A_743 : vector<1x16xf32> to vector<16xf32>
        %add3A_745 = arith.addf %get3A_738, %get3A_744 : vector<16xf32>
        %add3A_746 = arith.addf %while3A_719, %add3A_745 : vector<16xf32>
        %get3A_747 = arith.index_cast %mul3A_723 : i32 to index
        %get3A_748 = arith.constant 32 : index
        %get3A_749 = tpu.vector_load %arg8[%get3A_747, %get3A_748] {strides = array<i32>} : memref<128x64xf32, #tpu.memory_space<vmem>>, vector<1x16xf32>,
        %get3A_750 = vector.shape_cast %get3A_749 : vector<1x16xf32> to vector<16xf32>
        %add3A_751 = arith.constant 1 : i32
        %add3A_752 = arith.addi %mul3A_723, %add3A_751 : i32
        %get3A_753 = arith.index_cast %add3A_752 : i32 to index
        %get3A_754 = arith.constant 32 : index
        %get3A_755 = tpu.vector_load %arg8[%get3A_753, %get3A_754] {strides = array<i32>} : memref<128x64xf32, #tpu.memory_space<vmem>>, vector<1x16xf32>,
        %get3A_756 = vector.shape_cast %get3A_755 : vector<1x16xf32> to vector<16xf32>
        %add3A_757 = arith.addf %get3A_750, %get3A_756 : vector<16xf32>
        %add3A_758 = arith.addf %while3A_720, %add3A_757 : vector<16xf32>
        %get3A_759 = arith.index_cast %mul3A_723 : i32 to index
        %get3A_760 = arith.constant 48 : index
        %get3A_761 = tpu.vector_load %arg8[%get3A_759, %get3A_760] {strides = array<i32>} : memref<128x64xf32, #tpu.memory_space<vmem>>, vector<1x16xf32>,
        %get3A_762 = vector.shape_cast %get3A_761 : vector<1x16xf32> to vector<16xf32>
        %add3A_763 = arith.constant 1 : i32
        %add3A_764 = arith.addi %mul3A_723, %add3A_763 : i32
        %get3A_765 = arith.index_cast %add3A_764 : i32 to index
        %get3A_766 = arith.constant 48 : index
        %get3A_767 = tpu.vector_load %arg8[%get3A_765, %get3A_766] {strides = array<i32>} : memref<128x64xf32, #tpu.memory_space<vmem>>, vector<1x16xf32>,
        %get3A_768 = vector.shape_cast %get3A_767 : vector<1x16xf32> to vector<16xf32>
        %add3A_769 = arith.addf %get3A_762, %get3A_768 : vector<16xf32>
        %add3A_770 = arith.addf %while3A_721, %add3A_769 : vector<16xf32>
        scf.yield %add3A_734, %add3A_746, %add3A_758, %add3A_770 : vector<16xf32>, vector<16xf32>, vector<16xf32>, vector<16xf32>
      }
      %while3A_434 = arith.constant 1 : i32
      %while3A_435:4 = scf.for %while3A_717 = %while3A_431 to %while3A_427 step %while3A_434 iter_args(%while3A_718 = %while3A_433#0, %while3A_719 = %while3A_433#1, %while3A_720 = %while3A_433#2, %while3A_721 = %while3A_433#3) -> (vector<16xf32>, vector<16xf32>, vector<16xf32>, vector<16xf32>)  : i32 {
        %mul3A_722 = arith.constant 2 : i32
        %mul3A_723 = arith.muli %mul3A_722, %while3A_717 : i32
        %get3A = arith.index_cast %mul3A_723 : i32 to index
        %get3A_724 = arith.constant 0 : index
        %get3A_725 = tpu.vector_load %arg8[%get3A, %get3A_724] {strides = array<i32>} : memref<128x64xf32, #tpu.memory_space<vmem>>, vector<1x16xf32>,
        %get3A_726 = vector.shape_cast %get3A_725 : vector<1x16xf32> to vector<16xf32>
        %add3A_727 = arith.constant 1 : i32
        %add3A_728 = arith.addi %mul3A_723, %add3A_727 : i32
        %get3A_729 = arith.index_cast %add3A_728 : i32 to index
        %get3A_730 = arith.constant 0 : index
        %get3A_731 = tpu.vector_load %arg8[%get3A_729, %get3A_730] {strides = array<i32>} : memref<128x64xf32, #tpu.memory_space<vmem>>, vector<1x16xf32>,
        %get3A_732 = vector.shape_cast %get3A_731 : vector<1x16xf32> to vector<16xf32>
        %add3A_733 = arith.addf %get3A_726, %get3A_732 : vector<16xf32>
        %add3A_734 = arith.addf %while3A_718, %add3A_733 : vector<16xf32>
        %get3A_735 = arith.index_cast %mul3A_723 : i32 to index
        %get3A_736 = arith.constant 16 : index
        %get3A_737 = tpu.vector_load %arg8[%get3A_735, %get3A_736] {strides = array<i32>} : memref<128x64xf32, #tpu.memory_space<vmem>>, vector<1x16xf32>,
        %get3A_738 = vector.shape_cast %get3A_737 : vector<1x16xf32> to vector<16xf32>
        %add3A_739 = arith.constant 1 : i32
        %add3A_740 = arith.addi %mul3A_723, %add3A_739 : i32
        %get3A_741 = arith.index_cast %add3A_740 : i32 to index
        %get3A_742 = arith.constant 16 : index
        %get3A_743 = tpu.vector_load %arg8[%get3A_741, %get3A_742] {strides = array<i32>} : memref<128x64xf32, #tpu.memory_space<vmem>>, vector<1x16xf32>,
        %get3A_744 = vector.shape_cast %get3A_743 : vector<1x16xf32> to vector<16xf32>
        %add3A_745 = arith.addf %get3A_738, %get3A_744 : vector<16xf32>
        %add3A_746 = arith.addf %while3A_719, %add3A_745 : vector<16xf32>
        %get3A_747 = arith.index_cast %mul3A_723 : i32 to index
        %get3A_748 = arith.constant 32 : index
        %get3A_749 = tpu.vector_load %arg8[%get3A_747, %get3A_748] {strides = array<i32>} : memref<128x64xf32, #tpu.memory_space<vmem>>, vector<1x16xf32>,
        %get3A_750 = vector.shape_cast %get3A_749 : vector<1x16xf32> to vector<16xf32>
        %add3A_751 = arith.constant 1 : i32
        %add3A_752 = arith.addi %mul3A_723, %add3A_751 : i32
        %get3A_753 = arith.index_cast %add3A_752 : i32 to index
        %get3A_754 = arith.constant 32 : index
        %get3A_755 = tpu.vector_load %arg8[%get3A_753, %get3A_754] {strides = array<i32>} : memref<128x64xf32, #tpu.memory_space<vmem>>, vector<1x16xf32>,
        %get3A_756 = vector.shape_cast %get3A_755 : vector<1x16xf32> to vector<16xf32>
        %add3A_757 = arith.addf %get3A_750, %get3A_756 : vector<16xf32>
        %add3A_758 = arith.addf %while3A_720, %add3A_757 : vector<16xf32>
        %get3A_759 = arith.index_cast %mul3A_723 : i32 to index
        %get3A_760 = arith.constant 48 : index
        %get3A_761 = tpu.vector_load %arg8[%get3A_759, %get3A_760] {strides = array<i32>} : memref<128x64xf32, #tpu.memory_space<vmem>>, vector<1x16xf32>,
        %get3A_762 = vector.shape_cast %get3A_761 : vector<1x16xf32> to vector<16xf32>
        %add3A_763 = arith.constant 1 : i32
        %add3A_764 = arith.addi %mul3A_723, %add3A_763 : i32
        %get3A_765 = arith.index_cast %add3A_764 : i32 to index
        %get3A_766 = arith.constant 48 : index
        %get3A_767 = tpu.vector_load %arg8[%get3A_765, %get3A_766] {strides = array<i32>} : memref<128x64xf32, #tpu.memory_space<vmem>>, vector<1x16xf32>,
        %get3A_768 = vector.shape_cast %get3A_767 : vector<1x16xf32> to vector<16xf32>
        %add3A_769 = arith.addf %get3A_762, %get3A_768 : vector<16xf32>
        %add3A_770 = arith.addf %while3A_721, %add3A_769 : vector<16xf32>
        scf.yield %add3A_734, %add3A_746, %add3A_758, %add3A_770 : vector<16xf32>, vector<16xf32>, vector<16xf32>, vector<16xf32>
      }
      %add3A_436 = arith.constant 5 : i32
      %add3A_437 = arith.addi %add3A_309, %add3A_436 : i32
      %lt3A_438 = arith.constant 250 : i32
      %lt3A_439 = arith.cmpi slt, %add3A_437, %lt3A_438 : i32
      %convert_element_type3A_440 = arith.extui %lt3A_439 : i1 to i32
      %cond3A_441 = arith.constant 0 : i32
      %cond3A_442 = arith.cmpi ne, %convert_element_type3A_440, %cond3A_441 : i32
      scf.if %cond3A_442 {
        %add3A_717 = arith.constant 5 : i32
        %add3A_718 = arith.addi %add3A_309, %add3A_717 : i32
        %mul3A_719 = arith.constant 128 : i32
        %mul3A_720 = arith.muli %add3A_718, %mul3A_719 : i32
        %dma_start3A_721 = tpu.memref_slice %arg5[%mul3A_720] : memref<32000xi32, #tpu.memory_space<vmem>> -> memref<128xi32, #tpu.memory_space<vmem>>
        %dma_start3A_722 = arith.constant 0 : i32
        %dma_start3A_723 = arith.constant 0 : i32
        %dma_start3A_724 = tpu.memref_slice %arg3[%dma_start3A_722, %dma_start3A_723] : memref<1000000x64xf32, #tpu.memory_space<hbm>> -> memref<1000000x64xf32, #tpu.memory_space<hbm>>
        tpu.enqueue_indirect_dma source(%dma_start3A_724 : memref<1000000x64xf32, #tpu.memory_space<hbm>>) target(%arg8 : memref<128x64xf32, #tpu.memory_space<vmem>>) offsets(%dma_start3A_721 : memref<128xi32, #tpu.memory_space<vmem>>) semaphore(%arg14 : memref<!tpu.dma_semaphore, #tpu.memory_space<semaphore_mem>>)
      } else {
      }
      %mul3A_443 = arith.constant 5 : i32
      %mul3A_444 = arith.muli %scan3A_42, %mul3A_443 : i32
      %add3A_445 = arith.constant 3 : i32
      %add3A_446 = arith.addi %mul3A_444, %add3A_445 : i32
      %dma_wait3A_447 = arith.constant 0 : i32
      %dma_wait3A_448 = tpu.memref_slice %arg5[%dma_wait3A_447] : memref<32000xi32, #tpu.memory_space<vmem>> -> memref<128xi32, #tpu.memory_space<vmem>>
      %dma_wait3A_449 = arith.constant 0 : i32
      %dma_wait3A_450 = arith.constant 0 : i32
      %dma_wait3A_451 = tpu.memref_slice %arg3[%dma_wait3A_449, %dma_wait3A_450] : memref<1000000x64xf32, #tpu.memory_space<hbm>> -> memref<1000000x64xf32, #tpu.memory_space<hbm>>
      tpu.wait_indirect_dma semaphore(%arg15 : memref<!tpu.dma_semaphore, #tpu.memory_space<semaphore_mem>>) src(%dma_wait3A_451 : memref<1000000x64xf32, #tpu.memory_space<hbm>>) dst(%arg9 : memref<128x64xf32, #tpu.memory_space<vmem>>)
      %mul3A_452 = arith.constant 128 : i32
      %mul3A_453 = arith.muli %add3A_446, %mul3A_452 : i32
      %jit3A_454 = arith.constant 1000 : i32
      %div3A_455 = arith.divsi %mul3A_453, %jit3A_454 : i32
      %sign3A_456 = arith.constant 0 : i32
      %sign3A_457 = arith.cmpi sgt, %mul3A_453, %sign3A_456 : i32
      %sign3A_458 = arith.extui %sign3A_457 : i1 to i32
      %sign3A_459 = arith.constant 0 : i32
      %sign3A_460 = arith.cmpi slt, %mul3A_453, %sign3A_459 : i32
      %sign3A_461 = arith.extui %sign3A_460 : i1 to i32
      %sign3A_462 = arith.subi %sign3A_458, %sign3A_461 : i32
      %sign3A_463 = arith.constant 0 : i32
      %sign3A_464 = arith.cmpi sgt, %jit3A_454, %sign3A_463 : i32
      %sign3A_465 = arith.extui %sign3A_464 : i1 to i32
      %sign3A_466 = arith.constant 0 : i32
      %sign3A_467 = arith.cmpi slt, %jit3A_454, %sign3A_466 : i32
      %sign3A_468 = arith.extui %sign3A_467 : i1 to i32
      %sign3A_469 = arith.subi %sign3A_465, %sign3A_468 : i32
      %ne3A_470 = arith.cmpi ne, %sign3A_462, %sign3A_469 : i32
      %rem3A_471 = arith.remsi %mul3A_453, %jit3A_454 : i32
      %ne3A_472 = arith.constant 0 : i32
      %ne3A_473 = arith.cmpi ne, %rem3A_471, %ne3A_472 : i32
      %and3A_474 = arith.andi %ne3A_470, %ne3A_473 : i1
      %sub3A_475 = arith.constant 1 : i32
      %sub3A_476 = arith.subi %div3A_455, %sub3A_475 : i32
      %select_n3A_477 = arith.select %and3A_474, %sub3A_476, %div3A_455 : i32
      %add3A_478 = arith.constant 1 : i32
      %add3A_479 = arith.addi %select_n3A_477, %add3A_478 : i32
      %mul3A_480 = arith.constant 1000 : i32
      %mul3A_481 = arith.muli %add3A_479, %mul3A_480 : i32
      %mul3A_482 = arith.constant 128 : i32
      %mul3A_483 = arith.muli %add3A_446, %mul3A_482 : i32
      %sub3A_484 = arith.subi %mul3A_481, %mul3A_483 : i32
      %le3A_485 = arith.constant 128 : i32
      %le3A_486 = arith.cmpi sle, %sub3A_484, %le3A_485 : i32
      %min3A_487 = arith.constant 128 : i32
      %min3A_488 = arith.minsi %sub3A_484, %min3A_487 : i32
      %jit3A_489 = arith.constant 2 : i32
      %div3A_490 = arith.divsi %min3A_488, %jit3A_489 : i32
      %sign3A_491 = arith.constant 0 : i32
      %sign3A_492 = arith.cmpi sgt, %min3A_488, %sign3A_491 : i32
      %sign3A_493 = arith.extui %sign3A_492 : i1 to i32
      %sign3A_494 = arith.constant 0 : i32
      %sign3A_495 = arith.cmpi slt, %min3A_488, %sign3A_494 : i32
      %sign3A_496 = arith.extui %sign3A_495 : i1 to i32
      %sign3A_497 = arith.subi %sign3A_493, %sign3A_496 : i32
      %sign3A_498 = arith.constant 0 : i32
      %sign3A_499 = arith.cmpi sgt, %jit3A_489, %sign3A_498 : i32
      %sign3A_500 = arith.extui %sign3A_499 : i1 to i32
      %sign3A_501 = arith.constant 0 : i32
      %sign3A_502 = arith.cmpi slt, %jit3A_489, %sign3A_501 : i32
      %sign3A_503 = arith.extui %sign3A_502 : i1 to i32
      %sign3A_504 = arith.subi %sign3A_500, %sign3A_503 : i32
      %ne3A_505 = arith.cmpi ne, %sign3A_497, %sign3A_504 : i32
      %rem3A_506 = arith.remsi %min3A_488, %jit3A_489 : i32
      %ne3A_507 = arith.constant 0 : i32
      %ne3A_508 = arith.cmpi ne, %rem3A_506, %ne3A_507 : i32
      %and3A_509 = arith.andi %ne3A_505, %ne3A_508 : i1
      %sub3A_510 = arith.constant 1 : i32
      %sub3A_511 = arith.subi %div3A_490, %sub3A_510 : i32
      %select_n3A_512 = arith.select %and3A_509, %sub3A_511, %div3A_490 : i32
      %while3A_513 = arith.constant 0 : i32
      %while3A_514 = arith.subi %select_n3A_512, %while3A_513 : i32
      %while3A_515 = arith.addi %while3A_513, %while3A_514 : i32
      %while3A_516 = arith.constant 1 : i32
      %while3A_517 = arith.divsi %while3A_514, %while3A_516 : i32
      %while3A_518 = arith.muli %while3A_517, %while3A_516 : i32
      %while3A_519 = arith.addi %while3A_513, %while3A_518 : i32
      %while3A_520 = arith.constant 1 : i32
      %while3A_521:4 = scf.for %while3A_717 = %while3A_513 to %while3A_519 step %while3A_520 iter_args(%while3A_718 = %while3A_435#0, %while3A_719 = %while3A_435#1, %while3A_720 = %while3A_435#2, %while3A_721 = %while3A_435#3) -> (vector<16xf32>, vector<16xf32>, vector<16xf32>, vector<16xf32>)  : i32 {
        %mul3A_722 = arith.constant 2 : i32
        %mul3A_723 = arith.muli %mul3A_722, %while3A_717 : i32
        %get3A = arith.index_cast %mul3A_723 : i32 to index
        %get3A_724 = arith.constant 0 : index
        %get3A_725 = tpu.vector_load %arg9[%get3A, %get3A_724] {strides = array<i32>} : memref<128x64xf32, #tpu.memory_space<vmem>>, vector<1x16xf32>,
        %get3A_726 = vector.shape_cast %get3A_725 : vector<1x16xf32> to vector<16xf32>
        %add3A_727 = arith.constant 1 : i32
        %add3A_728 = arith.addi %mul3A_723, %add3A_727 : i32
        %get3A_729 = arith.index_cast %add3A_728 : i32 to index
        %get3A_730 = arith.constant 0 : index
        %get3A_731 = tpu.vector_load %arg9[%get3A_729, %get3A_730] {strides = array<i32>} : memref<128x64xf32, #tpu.memory_space<vmem>>, vector<1x16xf32>,
        %get3A_732 = vector.shape_cast %get3A_731 : vector<1x16xf32> to vector<16xf32>
        %add3A_733 = arith.addf %get3A_726, %get3A_732 : vector<16xf32>
        %add3A_734 = arith.addf %while3A_718, %add3A_733 : vector<16xf32>
        %get3A_735 = arith.index_cast %mul3A_723 : i32 to index
        %get3A_736 = arith.constant 16 : index
        %get3A_737 = tpu.vector_load %arg9[%get3A_735, %get3A_736] {strides = array<i32>} : memref<128x64xf32, #tpu.memory_space<vmem>>, vector<1x16xf32>,
        %get3A_738 = vector.shape_cast %get3A_737 : vector<1x16xf32> to vector<16xf32>
        %add3A_739 = arith.constant 1 : i32
        %add3A_740 = arith.addi %mul3A_723, %add3A_739 : i32
        %get3A_741 = arith.index_cast %add3A_740 : i32 to index
        %get3A_742 = arith.constant 16 : index
        %get3A_743 = tpu.vector_load %arg9[%get3A_741, %get3A_742] {strides = array<i32>} : memref<128x64xf32, #tpu.memory_space<vmem>>, vector<1x16xf32>,
        %get3A_744 = vector.shape_cast %get3A_743 : vector<1x16xf32> to vector<16xf32>
        %add3A_745 = arith.addf %get3A_738, %get3A_744 : vector<16xf32>
        %add3A_746 = arith.addf %while3A_719, %add3A_745 : vector<16xf32>
        %get3A_747 = arith.index_cast %mul3A_723 : i32 to index
        %get3A_748 = arith.constant 32 : index
        %get3A_749 = tpu.vector_load %arg9[%get3A_747, %get3A_748] {strides = array<i32>} : memref<128x64xf32, #tpu.memory_space<vmem>>, vector<1x16xf32>,
        %get3A_750 = vector.shape_cast %get3A_749 : vector<1x16xf32> to vector<16xf32>
        %add3A_751 = arith.constant 1 : i32
        %add3A_752 = arith.addi %mul3A_723, %add3A_751 : i32
        %get3A_753 = arith.index_cast %add3A_752 : i32 to index
        %get3A_754 = arith.constant 32 : index
        %get3A_755 = tpu.vector_load %arg9[%get3A_753, %get3A_754] {strides = array<i32>} : memref<128x64xf32, #tpu.memory_space<vmem>>, vector<1x16xf32>,
        %get3A_756 = vector.shape_cast %get3A_755 : vector<1x16xf32> to vector<16xf32>
        %add3A_757 = arith.addf %get3A_750, %get3A_756 : vector<16xf32>
        %add3A_758 = arith.addf %while3A_720, %add3A_757 : vector<16xf32>
        %get3A_759 = arith.index_cast %mul3A_723 : i32 to index
        %get3A_760 = arith.constant 48 : index
        %get3A_761 = tpu.vector_load %arg9[%get3A_759, %get3A_760] {strides = array<i32>} : memref<128x64xf32, #tpu.memory_space<vmem>>, vector<1x16xf32>,
        %get3A_762 = vector.shape_cast %get3A_761 : vector<1x16xf32> to vector<16xf32>
        %add3A_763 = arith.constant 1 : i32
        %add3A_764 = arith.addi %mul3A_723, %add3A_763 : i32
        %get3A_765 = arith.index_cast %add3A_764 : i32 to index
        %get3A_766 = arith.constant 48 : index
        %get3A_767 = tpu.vector_load %arg9[%get3A_765, %get3A_766] {strides = array<i32>} : memref<128x64xf32, #tpu.memory_space<vmem>>, vector<1x16xf32>,
        %get3A_768 = vector.shape_cast %get3A_767 : vector<1x16xf32> to vector<16xf32>
        %add3A_769 = arith.addf %get3A_762, %get3A_768 : vector<16xf32>
        %add3A_770 = arith.addf %while3A_721, %add3A_769 : vector<16xf32>
        scf.yield %add3A_734, %add3A_746, %add3A_758, %add3A_770 : vector<16xf32>, vector<16xf32>, vector<16xf32>, vector<16xf32>
      }
      %while3A_522 = arith.constant 1 : i32
      %while3A_523:4 = scf.for %while3A_717 = %while3A_519 to %while3A_515 step %while3A_522 iter_args(%while3A_718 = %while3A_521#0, %while3A_719 = %while3A_521#1, %while3A_720 = %while3A_521#2, %while3A_721 = %while3A_521#3) -> (vector<16xf32>, vector<16xf32>, vector<16xf32>, vector<16xf32>)  : i32 {
        %mul3A_722 = arith.constant 2 : i32
        %mul3A_723 = arith.muli %mul3A_722, %while3A_717 : i32
        %get3A = arith.index_cast %mul3A_723 : i32 to index
        %get3A_724 = arith.constant 0 : index
        %get3A_725 = tpu.vector_load %arg9[%get3A, %get3A_724] {strides = array<i32>} : memref<128x64xf32, #tpu.memory_space<vmem>>, vector<1x16xf32>,
        %get3A_726 = vector.shape_cast %get3A_725 : vector<1x16xf32> to vector<16xf32>
        %add3A_727 = arith.constant 1 : i32
        %add3A_728 = arith.addi %mul3A_723, %add3A_727 : i32
        %get3A_729 = arith.index_cast %add3A_728 : i32 to index
        %get3A_730 = arith.constant 0 : index
        %get3A_731 = tpu.vector_load %arg9[%get3A_729, %get3A_730] {strides = array<i32>} : memref<128x64xf32, #tpu.memory_space<vmem>>, vector<1x16xf32>,
        %get3A_732 = vector.shape_cast %get3A_731 : vector<1x16xf32> to vector<16xf32>
        %add3A_733 = arith.addf %get3A_726, %get3A_732 : vector<16xf32>
        %add3A_734 = arith.addf %while3A_718, %add3A_733 : vector<16xf32>
        %get3A_735 = arith.index_cast %mul3A_723 : i32 to index
        %get3A_736 = arith.constant 16 : index
        %get3A_737 = tpu.vector_load %arg9[%get3A_735, %get3A_736] {strides = array<i32>} : memref<128x64xf32, #tpu.memory_space<vmem>>, vector<1x16xf32>,
        %get3A_738 = vector.shape_cast %get3A_737 : vector<1x16xf32> to vector<16xf32>
        %add3A_739 = arith.constant 1 : i32
        %add3A_740 = arith.addi %mul3A_723, %add3A_739 : i32
        %get3A_741 = arith.index_cast %add3A_740 : i32 to index
        %get3A_742 = arith.constant 16 : index
        %get3A_743 = tpu.vector_load %arg9[%get3A_741, %get3A_742] {strides = array<i32>} : memref<128x64xf32, #tpu.memory_space<vmem>>, vector<1x16xf32>,
        %get3A_744 = vector.shape_cast %get3A_743 : vector<1x16xf32> to vector<16xf32>
        %add3A_745 = arith.addf %get3A_738, %get3A_744 : vector<16xf32>
        %add3A_746 = arith.addf %while3A_719, %add3A_745 : vector<16xf32>
        %get3A_747 = arith.index_cast %mul3A_723 : i32 to index
        %get3A_748 = arith.constant 32 : index
        %get3A_749 = tpu.vector_load %arg9[%get3A_747, %get3A_748] {strides = array<i32>} : memref<128x64xf32, #tpu.memory_space<vmem>>, vector<1x16xf32>,
        %get3A_750 = vector.shape_cast %get3A_749 : vector<1x16xf32> to vector<16xf32>
        %add3A_751 = arith.constant 1 : i32
        %add3A_752 = arith.addi %mul3A_723, %add3A_751 : i32
        %get3A_753 = arith.index_cast %add3A_752 : i32 to index
        %get3A_754 = arith.constant 32 : index
        %get3A_755 = tpu.vector_load %arg9[%get3A_753, %get3A_754] {strides = array<i32>} : memref<128x64xf32, #tpu.memory_space<vmem>>, vector<1x16xf32>,
        %get3A_756 = vector.shape_cast %get3A_755 : vector<1x16xf32> to vector<16xf32>
        %add3A_757 = arith.addf %get3A_750, %get3A_756 : vector<16xf32>
        %add3A_758 = arith.addf %while3A_720, %add3A_757 : vector<16xf32>
        %get3A_759 = arith.index_cast %mul3A_723 : i32 to index
        %get3A_760 = arith.constant 48 : index
        %get3A_761 = tpu.vector_load %arg9[%get3A_759, %get3A_760] {strides = array<i32>} : memref<128x64xf32, #tpu.memory_space<vmem>>, vector<1x16xf32>,
        %get3A_762 = vector.shape_cast %get3A_761 : vector<1x16xf32> to vector<16xf32>
        %add3A_763 = arith.constant 1 : i32
        %add3A_764 = arith.addi %mul3A_723, %add3A_763 : i32
        %get3A_765 = arith.index_cast %add3A_764 : i32 to index
        %get3A_766 = arith.constant 48 : index
        %get3A_767 = tpu.vector_load %arg9[%get3A_765, %get3A_766] {strides = array<i32>} : memref<128x64xf32, #tpu.memory_space<vmem>>, vector<1x16xf32>,
        %get3A_768 = vector.shape_cast %get3A_767 : vector<1x16xf32> to vector<16xf32>
        %add3A_769 = arith.addf %get3A_762, %get3A_768 : vector<16xf32>
        %add3A_770 = arith.addf %while3A_721, %add3A_769 : vector<16xf32>
        scf.yield %add3A_734, %add3A_746, %add3A_758, %add3A_770 : vector<16xf32>, vector<16xf32>, vector<16xf32>, vector<16xf32>
      }
      %convert_element_type3A_524 = arith.extui %le3A_486 : i1 to i32
      %cond3A_525 = arith.constant 0 : i32
      %cond3A_526 = arith.cmpi ne, %convert_element_type3A_524, %cond3A_525 : i32
      scf.if %cond3A_526 {
        %mul3A_717 = vector.broadcast %scan3A : f32 to vector<16xf32>
        %mul3A_718 = arith.mulf %while3A_523#0, %mul3A_717 : vector<16xf32>
        %swap3A = arith.index_cast %select_n3A_477 : i32 to index
        %swap3A_719 = arith.constant 0 : index
        %swap3A_720 = tpu.vector_load %arg11[%swap3A, %swap3A_719] {strides = array<i32>} : memref<32x64xf32, #tpu.memory_space<vmem>>, vector<1x16xf32>,
        %swap3A_721 = vector.shape_cast %swap3A_720 : vector<1x16xf32> to vector<16xf32>
        %swap3A_722 = vector.shape_cast %mul3A_718 : vector<16xf32> to vector<1x16xf32>
        tpu.vector_store %arg11[%swap3A, %swap3A_719], %swap3A_722 {strides = array<i32>} : memref<32x64xf32, #tpu.memory_space<vmem>>, vector<1x16xf32>,
        %mul3A_723 = vector.broadcast %scan3A : f32 to vector<16xf32>
        %mul3A_724 = arith.mulf %while3A_523#1, %mul3A_723 : vector<16xf32>
        %swap3A_725 = arith.index_cast %select_n3A_477 : i32 to index
        %swap3A_726 = arith.constant 16 : index
        %swap3A_727 = tpu.vector_load %arg11[%swap3A_725, %swap3A_726] {strides = array<i32>} : memref<32x64xf32, #tpu.memory_space<vmem>>, vector<1x16xf32>,
        %swap3A_728 = vector.shape_cast %swap3A_727 : vector<1x16xf32> to vector<16xf32>
        %swap3A_729 = vector.shape_cast %mul3A_724 : vector<16xf32> to vector<1x16xf32>
        tpu.vector_store %arg11[%swap3A_725, %swap3A_726], %swap3A_729 {strides = array<i32>} : memref<32x64xf32, #tpu.memory_space<vmem>>, vector<1x16xf32>,
        %mul3A_730 = vector.broadcast %scan3A : f32 to vector<16xf32>
        %mul3A_731 = arith.mulf %while3A_523#2, %mul3A_730 : vector<16xf32>
        %swap3A_732 = arith.index_cast %select_n3A_477 : i32 to index
        %swap3A_733 = arith.constant 32 : index
        %swap3A_734 = tpu.vector_load %arg11[%swap3A_732, %swap3A_733] {strides = array<i32>} : memref<32x64xf32, #tpu.memory_space<vmem>>, vector<1x16xf32>,
        %swap3A_735 = vector.shape_cast %swap3A_734 : vector<1x16xf32> to vector<16xf32>
        %swap3A_736 = vector.shape_cast %mul3A_731 : vector<16xf32> to vector<1x16xf32>
        tpu.vector_store %arg11[%swap3A_732, %swap3A_733], %swap3A_736 {strides = array<i32>} : memref<32x64xf32, #tpu.memory_space<vmem>>, vector<1x16xf32>,
        %mul3A_737 = vector.broadcast %scan3A : f32 to vector<16xf32>
        %mul3A_738 = arith.mulf %while3A_523#3, %mul3A_737 : vector<16xf32>
        %swap3A_739 = arith.index_cast %select_n3A_477 : i32 to index
        %swap3A_740 = arith.constant 48 : index
        %swap3A_741 = tpu.vector_load %arg11[%swap3A_739, %swap3A_740] {strides = array<i32>} : memref<32x64xf32, #tpu.memory_space<vmem>>, vector<1x16xf32>,
        %swap3A_742 = vector.shape_cast %swap3A_741 : vector<1x16xf32> to vector<16xf32>
        %swap3A_743 = vector.shape_cast %mul3A_738 : vector<16xf32> to vector<1x16xf32>
        tpu.vector_store %arg11[%swap3A_739, %swap3A_740], %swap3A_743 {strides = array<i32>} : memref<32x64xf32, #tpu.memory_space<vmem>>, vector<1x16xf32>,
      } else {
      }
      %jit3A_527 = arith.constant 0.000000e+00 : f32
      %jit3A_528 = arith.constant 1.000000e+00 : f32
      %select_n3A_529 = arith.select %le3A_486, %jit3A_527, %jit3A_528 : f32
      %mul3A_530 = vector.broadcast %select_n3A_529 : f32 to vector<16xf32>
      %mul3A_531 = arith.mulf %while3A_523#0, %mul3A_530 : vector<16xf32>
      %mul3A_532 = vector.broadcast %select_n3A_529 : f32 to vector<16xf32>
      %mul3A_533 = arith.mulf %while3A_523#1, %mul3A_532 : vector<16xf32>
      %mul3A_534 = vector.broadcast %select_n3A_529 : f32 to vector<16xf32>
      %mul3A_535 = arith.mulf %while3A_523#2, %mul3A_534 : vector<16xf32>
      %mul3A_536 = vector.broadcast %select_n3A_529 : f32 to vector<16xf32>
      %mul3A_537 = arith.mulf %while3A_523#3, %mul3A_536 : vector<16xf32>
      %jit3A_538 = arith.constant 2 : i32
      %div3A_539 = arith.divsi %min3A_488, %jit3A_538 : i32
      %sign3A_540 = arith.constant 0 : i32
      %sign3A_541 = arith.cmpi sgt, %min3A_488, %sign3A_540 : i32
      %sign3A_542 = arith.extui %sign3A_541 : i1 to i32
      %sign3A_543 = arith.constant 0 : i32
      %sign3A_544 = arith.cmpi slt, %min3A_488, %sign3A_543 : i32
      %sign3A_545 = arith.extui %sign3A_544 : i1 to i32
      %sign3A_546 = arith.subi %sign3A_542, %sign3A_545 : i32
      %sign3A_547 = arith.constant 0 : i32
      %sign3A_548 = arith.cmpi sgt, %jit3A_538, %sign3A_547 : i32
      %sign3A_549 = arith.extui %sign3A_548 : i1 to i32
      %sign3A_550 = arith.constant 0 : i32
      %sign3A_551 = arith.cmpi slt, %jit3A_538, %sign3A_550 : i32
      %sign3A_552 = arith.extui %sign3A_551 : i1 to i32
      %sign3A_553 = arith.subi %sign3A_549, %sign3A_552 : i32
      %ne3A_554 = arith.cmpi ne, %sign3A_546, %sign3A_553 : i32
      %rem3A_555 = arith.remsi %min3A_488, %jit3A_538 : i32
      %ne3A_556 = arith.constant 0 : i32
      %ne3A_557 = arith.cmpi ne, %rem3A_555, %ne3A_556 : i32
      %and3A_558 = arith.andi %ne3A_554, %ne3A_557 : i1
      %sub3A_559 = arith.constant 1 : i32
      %sub3A_560 = arith.subi %div3A_539, %sub3A_559 : i32
      %select_n3A_561 = arith.select %and3A_558, %sub3A_560, %div3A_539 : i32
      %while3A_562 = arith.constant 64 : i32
      %while3A_563 = arith.subi %while3A_562, %select_n3A_561 : i32
      %while3A_564 = arith.addi %select_n3A_561, %while3A_563 : i32
      %while3A_565 = arith.constant 1 : i32
      %while3A_566 = arith.divsi %while3A_563, %while3A_565 : i32
      %while3A_567 = arith.muli %while3A_566, %while3A_565 : i32
      %while3A_568 = arith.addi %select_n3A_561, %while3A_567 : i32
      %while3A_569 = arith.constant 1 : i32
      %while3A_570:4 = scf.for %while3A_717 = %select_n3A_561 to %while3A_568 step %while3A_569 iter_args(%while3A_718 = %mul3A_531, %while3A_719 = %mul3A_533, %while3A_720 = %mul3A_535, %while3A_721 = %mul3A_537) -> (vector<16xf32>, vector<16xf32>, vector<16xf32>, vector<16xf32>)  : i32 {
        %mul3A_722 = arith.constant 2 : i32
        %mul3A_723 = arith.muli %mul3A_722, %while3A_717 : i32
        %get3A = arith.index_cast %mul3A_723 : i32 to index
        %get3A_724 = arith.constant 0 : index
        %get3A_725 = tpu.vector_load %arg9[%get3A, %get3A_724] {strides = array<i32>} : memref<128x64xf32, #tpu.memory_space<vmem>>, vector<1x16xf32>,
        %get3A_726 = vector.shape_cast %get3A_725 : vector<1x16xf32> to vector<16xf32>
        %add3A_727 = arith.constant 1 : i32
        %add3A_728 = arith.addi %mul3A_723, %add3A_727 : i32
        %get3A_729 = arith.index_cast %add3A_728 : i32 to index
        %get3A_730 = arith.constant 0 : index
        %get3A_731 = tpu.vector_load %arg9[%get3A_729, %get3A_730] {strides = array<i32>} : memref<128x64xf32, #tpu.memory_space<vmem>>, vector<1x16xf32>,
        %get3A_732 = vector.shape_cast %get3A_731 : vector<1x16xf32> to vector<16xf32>
        %add3A_733 = arith.addf %get3A_726, %get3A_732 : vector<16xf32>
        %add3A_734 = arith.addf %while3A_718, %add3A_733 : vector<16xf32>
        %get3A_735 = arith.index_cast %mul3A_723 : i32 to index
        %get3A_736 = arith.constant 16 : index
        %get3A_737 = tpu.vector_load %arg9[%get3A_735, %get3A_736] {strides = array<i32>} : memref<128x64xf32, #tpu.memory_space<vmem>>, vector<1x16xf32>,
        %get3A_738 = vector.shape_cast %get3A_737 : vector<1x16xf32> to vector<16xf32>
        %add3A_739 = arith.constant 1 : i32
        %add3A_740 = arith.addi %mul3A_723, %add3A_739 : i32
        %get3A_741 = arith.index_cast %add3A_740 : i32 to index
        %get3A_742 = arith.constant 16 : index
        %get3A_743 = tpu.vector_load %arg9[%get3A_741, %get3A_742] {strides = array<i32>} : memref<128x64xf32, #tpu.memory_space<vmem>>, vector<1x16xf32>,
        %get3A_744 = vector.shape_cast %get3A_743 : vector<1x16xf32> to vector<16xf32>
        %add3A_745 = arith.addf %get3A_738, %get3A_744 : vector<16xf32>
        %add3A_746 = arith.addf %while3A_719, %add3A_745 : vector<16xf32>
        %get3A_747 = arith.index_cast %mul3A_723 : i32 to index
        %get3A_748 = arith.constant 32 : index
        %get3A_749 = tpu.vector_load %arg9[%get3A_747, %get3A_748] {strides = array<i32>} : memref<128x64xf32, #tpu.memory_space<vmem>>, vector<1x16xf32>,
        %get3A_750 = vector.shape_cast %get3A_749 : vector<1x16xf32> to vector<16xf32>
        %add3A_751 = arith.constant 1 : i32
        %add3A_752 = arith.addi %mul3A_723, %add3A_751 : i32
        %get3A_753 = arith.index_cast %add3A_752 : i32 to index
        %get3A_754 = arith.constant 32 : index
        %get3A_755 = tpu.vector_load %arg9[%get3A_753, %get3A_754] {strides = array<i32>} : memref<128x64xf32, #tpu.memory_space<vmem>>, vector<1x16xf32>,
        %get3A_756 = vector.shape_cast %get3A_755 : vector<1x16xf32> to vector<16xf32>
        %add3A_757 = arith.addf %get3A_750, %get3A_756 : vector<16xf32>
        %add3A_758 = arith.addf %while3A_720, %add3A_757 : vector<16xf32>
        %get3A_759 = arith.index_cast %mul3A_723 : i32 to index
        %get3A_760 = arith.constant 48 : index
        %get3A_761 = tpu.vector_load %arg9[%get3A_759, %get3A_760] {strides = array<i32>} : memref<128x64xf32, #tpu.memory_space<vmem>>, vector<1x16xf32>,
        %get3A_762 = vector.shape_cast %get3A_761 : vector<1x16xf32> to vector<16xf32>
        %add3A_763 = arith.constant 1 : i32
        %add3A_764 = arith.addi %mul3A_723, %add3A_763 : i32
        %get3A_765 = arith.index_cast %add3A_764 : i32 to index
        %get3A_766 = arith.constant 48 : index
        %get3A_767 = tpu.vector_load %arg9[%get3A_765, %get3A_766] {strides = array<i32>} : memref<128x64xf32, #tpu.memory_space<vmem>>, vector<1x16xf32>,
        %get3A_768 = vector.shape_cast %get3A_767 : vector<1x16xf32> to vector<16xf32>
        %add3A_769 = arith.addf %get3A_762, %get3A_768 : vector<16xf32>
        %add3A_770 = arith.addf %while3A_721, %add3A_769 : vector<16xf32>
        scf.yield %add3A_734, %add3A_746, %add3A_758, %add3A_770 : vector<16xf32>, vector<16xf32>, vector<16xf32>, vector<16xf32>
      }
      %while3A_571 = arith.constant 1 : i32
      %while3A_572:4 = scf.for %while3A_717 = %while3A_568 to %while3A_564 step %while3A_571 iter_args(%while3A_718 = %while3A_570#0, %while3A_719 = %while3A_570#1, %while3A_720 = %while3A_570#2, %while3A_721 = %while3A_570#3) -> (vector<16xf32>, vector<16xf32>, vector<16xf32>, vector<16xf32>)  : i32 {
        %mul3A_722 = arith.constant 2 : i32
        %mul3A_723 = arith.muli %mul3A_722, %while3A_717 : i32
        %get3A = arith.index_cast %mul3A_723 : i32 to index
        %get3A_724 = arith.constant 0 : index
        %get3A_725 = tpu.vector_load %arg9[%get3A, %get3A_724] {strides = array<i32>} : memref<128x64xf32, #tpu.memory_space<vmem>>, vector<1x16xf32>,
        %get3A_726 = vector.shape_cast %get3A_725 : vector<1x16xf32> to vector<16xf32>
        %add3A_727 = arith.constant 1 : i32
        %add3A_728 = arith.addi %mul3A_723, %add3A_727 : i32
        %get3A_729 = arith.index_cast %add3A_728 : i32 to index
        %get3A_730 = arith.constant 0 : index
        %get3A_731 = tpu.vector_load %arg9[%get3A_729, %get3A_730] {strides = array<i32>} : memref<128x64xf32, #tpu.memory_space<vmem>>, vector<1x16xf32>,
        %get3A_732 = vector.shape_cast %get3A_731 : vector<1x16xf32> to vector<16xf32>
        %add3A_733 = arith.addf %get3A_726, %get3A_732 : vector<16xf32>
        %add3A_734 = arith.addf %while3A_718, %add3A_733 : vector<16xf32>
        %get3A_735 = arith.index_cast %mul3A_723 : i32 to index
        %get3A_736 = arith.constant 16 : index
        %get3A_737 = tpu.vector_load %arg9[%get3A_735, %get3A_736] {strides = array<i32>} : memref<128x64xf32, #tpu.memory_space<vmem>>, vector<1x16xf32>,
        %get3A_738 = vector.shape_cast %get3A_737 : vector<1x16xf32> to vector<16xf32>
        %add3A_739 = arith.constant 1 : i32
        %add3A_740 = arith.addi %mul3A_723, %add3A_739 : i32
        %get3A_741 = arith.index_cast %add3A_740 : i32 to index
        %get3A_742 = arith.constant 16 : index
        %get3A_743 = tpu.vector_load %arg9[%get3A_741, %get3A_742] {strides = array<i32>} : memref<128x64xf32, #tpu.memory_space<vmem>>, vector<1x16xf32>,
        %get3A_744 = vector.shape_cast %get3A_743 : vector<1x16xf32> to vector<16xf32>
        %add3A_745 = arith.addf %get3A_738, %get3A_744 : vector<16xf32>
        %add3A_746 = arith.addf %while3A_719, %add3A_745 : vector<16xf32>
        %get3A_747 = arith.index_cast %mul3A_723 : i32 to index
        %get3A_748 = arith.constant 32 : index
        %get3A_749 = tpu.vector_load %arg9[%get3A_747, %get3A_748] {strides = array<i32>} : memref<128x64xf32, #tpu.memory_space<vmem>>, vector<1x16xf32>,
        %get3A_750 = vector.shape_cast %get3A_749 : vector<1x16xf32> to vector<16xf32>
        %add3A_751 = arith.constant 1 : i32
        %add3A_752 = arith.addi %mul3A_723, %add3A_751 : i32
        %get3A_753 = arith.index_cast %add3A_752 : i32 to index
        %get3A_754 = arith.constant 32 : index
        %get3A_755 = tpu.vector_load %arg9[%get3A_753, %get3A_754] {strides = array<i32>} : memref<128x64xf32, #tpu.memory_space<vmem>>, vector<1x16xf32>,
        %get3A_756 = vector.shape_cast %get3A_755 : vector<1x16xf32> to vector<16xf32>
        %add3A_757 = arith.addf %get3A_750, %get3A_756 : vector<16xf32>
        %add3A_758 = arith.addf %while3A_720, %add3A_757 : vector<16xf32>
        %get3A_759 = arith.index_cast %mul3A_723 : i32 to index
        %get3A_760 = arith.constant 48 : index
        %get3A_761 = tpu.vector_load %arg9[%get3A_759, %get3A_760] {strides = array<i32>} : memref<128x64xf32, #tpu.memory_space<vmem>>, vector<1x16xf32>,
        %get3A_762 = vector.shape_cast %get3A_761 : vector<1x16xf32> to vector<16xf32>
        %add3A_763 = arith.constant 1 : i32
        %add3A_764 = arith.addi %mul3A_723, %add3A_763 : i32
        %get3A_765 = arith.index_cast %add3A_764 : i32 to index
        %get3A_766 = arith.constant 48 : index
        %get3A_767 = tpu.vector_load %arg9[%get3A_765, %get3A_766] {strides = array<i32>} : memref<128x64xf32, #tpu.memory_space<vmem>>, vector<1x16xf32>,
        %get3A_768 = vector.shape_cast %get3A_767 : vector<1x16xf32> to vector<16xf32>
        %add3A_769 = arith.addf %get3A_762, %get3A_768 : vector<16xf32>
        %add3A_770 = arith.addf %while3A_721, %add3A_769 : vector<16xf32>
        scf.yield %add3A_734, %add3A_746, %add3A_758, %add3A_770 : vector<16xf32>, vector<16xf32>, vector<16xf32>, vector<16xf32>
      }
      %add3A_573 = arith.constant 5 : i32
      %add3A_574 = arith.addi %add3A_446, %add3A_573 : i32
      %lt3A_575 = arith.constant 250 : i32
      %lt3A_576 = arith.cmpi slt, %add3A_574, %lt3A_575 : i32
      %convert_element_type3A_577 = arith.extui %lt3A_576 : i1 to i32
      %cond3A_578 = arith.constant 0 : i32
      %cond3A_579 = arith.cmpi ne, %convert_element_type3A_577, %cond3A_578 : i32
      scf.if %cond3A_579 {
        %add3A_717 = arith.constant 5 : i32
        %add3A_718 = arith.addi %add3A_446, %add3A_717 : i32
        %mul3A_719 = arith.constant 128 : i32
        %mul3A_720 = arith.muli %add3A_718, %mul3A_719 : i32
        %dma_start3A_721 = tpu.memref_slice %arg5[%mul3A_720] : memref<32000xi32, #tpu.memory_space<vmem>> -> memref<128xi32, #tpu.memory_space<vmem>>
        %dma_start3A_722 = arith.constant 0 : i32
        %dma_start3A_723 = arith.constant 0 : i32
        %dma_start3A_724 = tpu.memref_slice %arg3[%dma_start3A_722, %dma_start3A_723] : memref<1000000x64xf32, #tpu.memory_space<hbm>> -> memref<1000000x64xf32, #tpu.memory_space<hbm>>
        tpu.enqueue_indirect_dma source(%dma_start3A_724 : memref<1000000x64xf32, #tpu.memory_space<hbm>>) target(%arg9 : memref<128x64xf32, #tpu.memory_space<vmem>>) offsets(%dma_start3A_721 : memref<128xi32, #tpu.memory_space<vmem>>) semaphore(%arg15 : memref<!tpu.dma_semaphore, #tpu.memory_space<semaphore_mem>>)
      } else {
      }
      %mul3A_580 = arith.constant 5 : i32
      %mul3A_581 = arith.muli %scan3A_42, %mul3A_580 : i32
      %add3A_582 = arith.constant 4 : i32
      %add3A_583 = arith.addi %mul3A_581, %add3A_582 : i32
      %dma_wait3A_584 = arith.constant 0 : i32
      %dma_wait3A_585 = tpu.memref_slice %arg5[%dma_wait3A_584] : memref<32000xi32, #tpu.memory_space<vmem>> -> memref<128xi32, #tpu.memory_space<vmem>>
      %dma_wait3A_586 = arith.constant 0 : i32
      %dma_wait3A_587 = arith.constant 0 : i32
      %dma_wait3A_588 = tpu.memref_slice %arg3[%dma_wait3A_586, %dma_wait3A_587] : memref<1000000x64xf32, #tpu.memory_space<hbm>> -> memref<1000000x64xf32, #tpu.memory_space<hbm>>
      tpu.wait_indirect_dma semaphore(%arg16 : memref<!tpu.dma_semaphore, #tpu.memory_space<semaphore_mem>>) src(%dma_wait3A_588 : memref<1000000x64xf32, #tpu.memory_space<hbm>>) dst(%arg10 : memref<128x64xf32, #tpu.memory_space<vmem>>)
      %mul3A_589 = arith.constant 128 : i32
      %mul3A_590 = arith.muli %add3A_583, %mul3A_589 : i32
      %jit3A_591 = arith.constant 1000 : i32
      %div3A_592 = arith.divsi %mul3A_590, %jit3A_591 : i32
      %sign3A_593 = arith.constant 0 : i32
      %sign3A_594 = arith.cmpi sgt, %mul3A_590, %sign3A_593 : i32
      %sign3A_595 = arith.extui %sign3A_594 : i1 to i32
      %sign3A_596 = arith.constant 0 : i32
      %sign3A_597 = arith.cmpi slt, %mul3A_590, %sign3A_596 : i32
      %sign3A_598 = arith.extui %sign3A_597 : i1 to i32
      %sign3A_599 = arith.subi %sign3A_595, %sign3A_598 : i32
      %sign3A_600 = arith.constant 0 : i32
      %sign3A_601 = arith.cmpi sgt, %jit3A_591, %sign3A_600 : i32
      %sign3A_602 = arith.extui %sign3A_601 : i1 to i32
      %sign3A_603 = arith.constant 0 : i32
      %sign3A_604 = arith.cmpi slt, %jit3A_591, %sign3A_603 : i32
      %sign3A_605 = arith.extui %sign3A_604 : i1 to i32
      %sign3A_606 = arith.subi %sign3A_602, %sign3A_605 : i32
      %ne3A_607 = arith.cmpi ne, %sign3A_599, %sign3A_606 : i32
      %rem3A_608 = arith.remsi %mul3A_590, %jit3A_591 : i32
      %ne3A_609 = arith.constant 0 : i32
      %ne3A_610 = arith.cmpi ne, %rem3A_608, %ne3A_609 : i32
      %and3A_611 = arith.andi %ne3A_607, %ne3A_610 : i1
      %sub3A_612 = arith.constant 1 : i32
      %sub3A_613 = arith.subi %div3A_592, %sub3A_612 : i32
      %select_n3A_614 = arith.select %and3A_611, %sub3A_613, %div3A_592 : i32
      %add3A_615 = arith.constant 1 : i32
      %add3A_616 = arith.addi %select_n3A_614, %add3A_615 : i32
      %mul3A_617 = arith.constant 1000 : i32
      %mul3A_618 = arith.muli %add3A_616, %mul3A_617 : i32
      %mul3A_619 = arith.constant 128 : i32
      %mul3A_620 = arith.muli %add3A_583, %mul3A_619 : i32
      %sub3A_621 = arith.subi %mul3A_618, %mul3A_620 : i32
      %le3A_622 = arith.constant 128 : i32
      %le3A_623 = arith.cmpi sle, %sub3A_621, %le3A_622 : i32
      %min3A_624 = arith.constant 128 : i32
      %min3A_625 = arith.minsi %sub3A_621, %min3A_624 : i32
      %jit3A_626 = arith.constant 2 : i32
      %div3A_627 = arith.divsi %min3A_625, %jit3A_626 : i32
      %sign3A_628 = arith.constant 0 : i32
      %sign3A_629 = arith.cmpi sgt, %min3A_625, %sign3A_628 : i32
      %sign3A_630 = arith.extui %sign3A_629 : i1 to i32
      %sign3A_631 = arith.constant 0 : i32
      %sign3A_632 = arith.cmpi slt, %min3A_625, %sign3A_631 : i32
      %sign3A_633 = arith.extui %sign3A_632 : i1 to i32
      %sign3A_634 = arith.subi %sign3A_630, %sign3A_633 : i32
      %sign3A_635 = arith.constant 0 : i32
      %sign3A_636 = arith.cmpi sgt, %jit3A_626, %sign3A_635 : i32
      %sign3A_637 = arith.extui %sign3A_636 : i1 to i32
      %sign3A_638 = arith.constant 0 : i32
      %sign3A_639 = arith.cmpi slt, %jit3A_626, %sign3A_638 : i32
      %sign3A_640 = arith.extui %sign3A_639 : i1 to i32
      %sign3A_641 = arith.subi %sign3A_637, %sign3A_640 : i32
      %ne3A_642 = arith.cmpi ne, %sign3A_634, %sign3A_641 : i32
      %rem3A_643 = arith.remsi %min3A_625, %jit3A_626 : i32
      %ne3A_644 = arith.constant 0 : i32
      %ne3A_645 = arith.cmpi ne, %rem3A_643, %ne3A_644 : i32
      %and3A_646 = arith.andi %ne3A_642, %ne3A_645 : i1
      %sub3A_647 = arith.constant 1 : i32
      %sub3A_648 = arith.subi %div3A_627, %sub3A_647 : i32
      %select_n3A_649 = arith.select %and3A_646, %sub3A_648, %div3A_627 : i32
      %while3A_650 = arith.constant 0 : i32
      %while3A_651 = arith.subi %select_n3A_649, %while3A_650 : i32
      %while3A_652 = arith.addi %while3A_650, %while3A_651 : i32
      %while3A_653 = arith.constant 1 : i32
      %while3A_654 = arith.divsi %while3A_651, %while3A_653 : i32
      %while3A_655 = arith.muli %while3A_654, %while3A_653 : i32
      %while3A_656 = arith.addi %while3A_650, %while3A_655 : i32
      %while3A_657 = arith.constant 1 : i32
      %while3A_658:4 = scf.for %while3A_717 = %while3A_650 to %while3A_656 step %while3A_657 iter_args(%while3A_718 = %while3A_572#0, %while3A_719 = %while3A_572#1, %while3A_720 = %while3A_572#2, %while3A_721 = %while3A_572#3) -> (vector<16xf32>, vector<16xf32>, vector<16xf32>, vector<16xf32>)  : i32 {
        %mul3A_722 = arith.constant 2 : i32
        %mul3A_723 = arith.muli %mul3A_722, %while3A_717 : i32
        %get3A = arith.index_cast %mul3A_723 : i32 to index
        %get3A_724 = arith.constant 0 : index
        %get3A_725 = tpu.vector_load %arg10[%get3A, %get3A_724] {strides = array<i32>} : memref<128x64xf32, #tpu.memory_space<vmem>>, vector<1x16xf32>,
        %get3A_726 = vector.shape_cast %get3A_725 : vector<1x16xf32> to vector<16xf32>
        %add3A_727 = arith.constant 1 : i32
        %add3A_728 = arith.addi %mul3A_723, %add3A_727 : i32
        %get3A_729 = arith.index_cast %add3A_728 : i32 to index
        %get3A_730 = arith.constant 0 : index
        %get3A_731 = tpu.vector_load %arg10[%get3A_729, %get3A_730] {strides = array<i32>} : memref<128x64xf32, #tpu.memory_space<vmem>>, vector<1x16xf32>,
        %get3A_732 = vector.shape_cast %get3A_731 : vector<1x16xf32> to vector<16xf32>
        %add3A_733 = arith.addf %get3A_726, %get3A_732 : vector<16xf32>
        %add3A_734 = arith.addf %while3A_718, %add3A_733 : vector<16xf32>
        %get3A_735 = arith.index_cast %mul3A_723 : i32 to index
        %get3A_736 = arith.constant 16 : index
        %get3A_737 = tpu.vector_load %arg10[%get3A_735, %get3A_736] {strides = array<i32>} : memref<128x64xf32, #tpu.memory_space<vmem>>, vector<1x16xf32>,
        %get3A_738 = vector.shape_cast %get3A_737 : vector<1x16xf32> to vector<16xf32>
        %add3A_739 = arith.constant 1 : i32
        %add3A_740 = arith.addi %mul3A_723, %add3A_739 : i32
        %get3A_741 = arith.index_cast %add3A_740 : i32 to index
        %get3A_742 = arith.constant 16 : index
        %get3A_743 = tpu.vector_load %arg10[%get3A_741, %get3A_742] {strides = array<i32>} : memref<128x64xf32, #tpu.memory_space<vmem>>, vector<1x16xf32>,
        %get3A_744 = vector.shape_cast %get3A_743 : vector<1x16xf32> to vector<16xf32>
        %add3A_745 = arith.addf %get3A_738, %get3A_744 : vector<16xf32>
        %add3A_746 = arith.addf %while3A_719, %add3A_745 : vector<16xf32>
        %get3A_747 = arith.index_cast %mul3A_723 : i32 to index
        %get3A_748 = arith.constant 32 : index
        %get3A_749 = tpu.vector_load %arg10[%get3A_747, %get3A_748] {strides = array<i32>} : memref<128x64xf32, #tpu.memory_space<vmem>>, vector<1x16xf32>,
        %get3A_750 = vector.shape_cast %get3A_749 : vector<1x16xf32> to vector<16xf32>
        %add3A_751 = arith.constant 1 : i32
        %add3A_752 = arith.addi %mul3A_723, %add3A_751 : i32
        %get3A_753 = arith.index_cast %add3A_752 : i32 to index
        %get3A_754 = arith.constant 32 : index
        %get3A_755 = tpu.vector_load %arg10[%get3A_753, %get3A_754] {strides = array<i32>} : memref<128x64xf32, #tpu.memory_space<vmem>>, vector<1x16xf32>,
        %get3A_756 = vector.shape_cast %get3A_755 : vector<1x16xf32> to vector<16xf32>
        %add3A_757 = arith.addf %get3A_750, %get3A_756 : vector<16xf32>
        %add3A_758 = arith.addf %while3A_720, %add3A_757 : vector<16xf32>
        %get3A_759 = arith.index_cast %mul3A_723 : i32 to index
        %get3A_760 = arith.constant 48 : index
        %get3A_761 = tpu.vector_load %arg10[%get3A_759, %get3A_760] {strides = array<i32>} : memref<128x64xf32, #tpu.memory_space<vmem>>, vector<1x16xf32>,
        %get3A_762 = vector.shape_cast %get3A_761 : vector<1x16xf32> to vector<16xf32>
        %add3A_763 = arith.constant 1 : i32
        %add3A_764 = arith.addi %mul3A_723, %add3A_763 : i32
        %get3A_765 = arith.index_cast %add3A_764 : i32 to index
        %get3A_766 = arith.constant 48 : index
        %get3A_767 = tpu.vector_load %arg10[%get3A_765, %get3A_766] {strides = array<i32>} : memref<128x64xf32, #tpu.memory_space<vmem>>, vector<1x16xf32>,
        %get3A_768 = vector.shape_cast %get3A_767 : vector<1x16xf32> to vector<16xf32>
        %add3A_769 = arith.addf %get3A_762, %get3A_768 : vector<16xf32>
        %add3A_770 = arith.addf %while3A_721, %add3A_769 : vector<16xf32>
        scf.yield %add3A_734, %add3A_746, %add3A_758, %add3A_770 : vector<16xf32>, vector<16xf32>, vector<16xf32>, vector<16xf32>
      }
      %while3A_659 = arith.constant 1 : i32
      %while3A_660:4 = scf.for %while3A_717 = %while3A_656 to %while3A_652 step %while3A_659 iter_args(%while3A_718 = %while3A_658#0, %while3A_719 = %while3A_658#1, %while3A_720 = %while3A_658#2, %while3A_721 = %while3A_658#3) -> (vector<16xf32>, vector<16xf32>, vector<16xf32>, vector<16xf32>)  : i32 {
        %mul3A_722 = arith.constant 2 : i32
        %mul3A_723 = arith.muli %mul3A_722, %while3A_717 : i32
        %get3A = arith.index_cast %mul3A_723 : i32 to index
        %get3A_724 = arith.constant 0 : index
        %get3A_725 = tpu.vector_load %arg10[%get3A, %get3A_724] {strides = array<i32>} : memref<128x64xf32, #tpu.memory_space<vmem>>, vector<1x16xf32>,
        %get3A_726 = vector.shape_cast %get3A_725 : vector<1x16xf32> to vector<16xf32>
        %add3A_727 = arith.constant 1 : i32
        %add3A_728 = arith.addi %mul3A_723, %add3A_727 : i32
        %get3A_729 = arith.index_cast %add3A_728 : i32 to index
        %get3A_730 = arith.constant 0 : index
        %get3A_731 = tpu.vector_load %arg10[%get3A_729, %get3A_730] {strides = array<i32>} : memref<128x64xf32, #tpu.memory_space<vmem>>, vector<1x16xf32>,
        %get3A_732 = vector.shape_cast %get3A_731 : vector<1x16xf32> to vector<16xf32>
        %add3A_733 = arith.addf %get3A_726, %get3A_732 : vector<16xf32>
        %add3A_734 = arith.addf %while3A_718, %add3A_733 : vector<16xf32>
        %get3A_735 = arith.index_cast %mul3A_723 : i32 to index
        %get3A_736 = arith.constant 16 : index
        %get3A_737 = tpu.vector_load %arg10[%get3A_735, %get3A_736] {strides = array<i32>} : memref<128x64xf32, #tpu.memory_space<vmem>>, vector<1x16xf32>,
        %get3A_738 = vector.shape_cast %get3A_737 : vector<1x16xf32> to vector<16xf32>
        %add3A_739 = arith.constant 1 : i32
        %add3A_740 = arith.addi %mul3A_723, %add3A_739 : i32
        %get3A_741 = arith.index_cast %add3A_740 : i32 to index
        %get3A_742 = arith.constant 16 : index
        %get3A_743 = tpu.vector_load %arg10[%get3A_741, %get3A_742] {strides = array<i32>} : memref<128x64xf32, #tpu.memory_space<vmem>>, vector<1x16xf32>,
        %get3A_744 = vector.shape_cast %get3A_743 : vector<1x16xf32> to vector<16xf32>
        %add3A_745 = arith.addf %get3A_738, %get3A_744 : vector<16xf32>
        %add3A_746 = arith.addf %while3A_719, %add3A_745 : vector<16xf32>
        %get3A_747 = arith.index_cast %mul3A_723 : i32 to index
        %get3A_748 = arith.constant 32 : index
        %get3A_749 = tpu.vector_load %arg10[%get3A_747, %get3A_748] {strides = array<i32>} : memref<128x64xf32, #tpu.memory_space<vmem>>, vector<1x16xf32>,
        %get3A_750 = vector.shape_cast %get3A_749 : vector<1x16xf32> to vector<16xf32>
        %add3A_751 = arith.constant 1 : i32
        %add3A_752 = arith.addi %mul3A_723, %add3A_751 : i32
        %get3A_753 = arith.index_cast %add3A_752 : i32 to index
        %get3A_754 = arith.constant 32 : index
        %get3A_755 = tpu.vector_load %arg10[%get3A_753, %get3A_754] {strides = array<i32>} : memref<128x64xf32, #tpu.memory_space<vmem>>, vector<1x16xf32>,
        %get3A_756 = vector.shape_cast %get3A_755 : vector<1x16xf32> to vector<16xf32>
        %add3A_757 = arith.addf %get3A_750, %get3A_756 : vector<16xf32>
        %add3A_758 = arith.addf %while3A_720, %add3A_757 : vector<16xf32>
        %get3A_759 = arith.index_cast %mul3A_723 : i32 to index
        %get3A_760 = arith.constant 48 : index
        %get3A_761 = tpu.vector_load %arg10[%get3A_759, %get3A_760] {strides = array<i32>} : memref<128x64xf32, #tpu.memory_space<vmem>>, vector<1x16xf32>,
        %get3A_762 = vector.shape_cast %get3A_761 : vector<1x16xf32> to vector<16xf32>
        %add3A_763 = arith.constant 1 : i32
        %add3A_764 = arith.addi %mul3A_723, %add3A_763 : i32
        %get3A_765 = arith.index_cast %add3A_764 : i32 to index
        %get3A_766 = arith.constant 48 : index
        %get3A_767 = tpu.vector_load %arg10[%get3A_765, %get3A_766] {strides = array<i32>} : memref<128x64xf32, #tpu.memory_space<vmem>>, vector<1x16xf32>,
        %get3A_768 = vector.shape_cast %get3A_767 : vector<1x16xf32> to vector<16xf32>
        %add3A_769 = arith.addf %get3A_762, %get3A_768 : vector<16xf32>
        %add3A_770 = arith.addf %while3A_721, %add3A_769 : vector<16xf32>
        scf.yield %add3A_734, %add3A_746, %add3A_758, %add3A_770 : vector<16xf32>, vector<16xf32>, vector<16xf32>, vector<16xf32>
      }
      %convert_element_type3A_661 = arith.extui %le3A_623 : i1 to i32
      %cond3A_662 = arith.constant 0 : i32
      %cond3A_663 = arith.cmpi ne, %convert_element_type3A_661, %cond3A_662 : i32
      scf.if %cond3A_663 {
        %mul3A_717 = vector.broadcast %scan3A : f32 to vector<16xf32>
        %mul3A_718 = arith.mulf %while3A_660#0, %mul3A_717 : vector<16xf32>
        %swap3A = arith.index_cast %select_n3A_614 : i32 to index
        %swap3A_719 = arith.constant 0 : index
        %swap3A_720 = tpu.vector_load %arg11[%swap3A, %swap3A_719] {strides = array<i32>} : memref<32x64xf32, #tpu.memory_space<vmem>>, vector<1x16xf32>,
        %swap3A_721 = vector.shape_cast %swap3A_720 : vector<1x16xf32> to vector<16xf32>
        %swap3A_722 = vector.shape_cast %mul3A_718 : vector<16xf32> to vector<1x16xf32>
        tpu.vector_store %arg11[%swap3A, %swap3A_719], %swap3A_722 {strides = array<i32>} : memref<32x64xf32, #tpu.memory_space<vmem>>, vector<1x16xf32>,
        %mul3A_723 = vector.broadcast %scan3A : f32 to vector<16xf32>
        %mul3A_724 = arith.mulf %while3A_660#1, %mul3A_723 : vector<16xf32>
        %swap3A_725 = arith.index_cast %select_n3A_614 : i32 to index
        %swap3A_726 = arith.constant 16 : index
        %swap3A_727 = tpu.vector_load %arg11[%swap3A_725, %swap3A_726] {strides = array<i32>} : memref<32x64xf32, #tpu.memory_space<vmem>>, vector<1x16xf32>,
        %swap3A_728 = vector.shape_cast %swap3A_727 : vector<1x16xf32> to vector<16xf32>
        %swap3A_729 = vector.shape_cast %mul3A_724 : vector<16xf32> to vector<1x16xf32>
        tpu.vector_store %arg11[%swap3A_725, %swap3A_726], %swap3A_729 {strides = array<i32>} : memref<32x64xf32, #tpu.memory_space<vmem>>, vector<1x16xf32>,
        %mul3A_730 = vector.broadcast %scan3A : f32 to vector<16xf32>
        %mul3A_731 = arith.mulf %while3A_660#2, %mul3A_730 : vector<16xf32>
        %swap3A_732 = arith.index_cast %select_n3A_614 : i32 to index
        %swap3A_733 = arith.constant 32 : index
        %swap3A_734 = tpu.vector_load %arg11[%swap3A_732, %swap3A_733] {strides = array<i32>} : memref<32x64xf32, #tpu.memory_space<vmem>>, vector<1x16xf32>,
        %swap3A_735 = vector.shape_cast %swap3A_734 : vector<1x16xf32> to vector<16xf32>
        %swap3A_736 = vector.shape_cast %mul3A_731 : vector<16xf32> to vector<1x16xf32>
        tpu.vector_store %arg11[%swap3A_732, %swap3A_733], %swap3A_736 {strides = array<i32>} : memref<32x64xf32, #tpu.memory_space<vmem>>, vector<1x16xf32>,
        %mul3A_737 = vector.broadcast %scan3A : f32 to vector<16xf32>
        %mul3A_738 = arith.mulf %while3A_660#3, %mul3A_737 : vector<16xf32>
        %swap3A_739 = arith.index_cast %select_n3A_614 : i32 to index
        %swap3A_740 = arith.constant 48 : index
        %swap3A_741 = tpu.vector_load %arg11[%swap3A_739, %swap3A_740] {strides = array<i32>} : memref<32x64xf32, #tpu.memory_space<vmem>>, vector<1x16xf32>,
        %swap3A_742 = vector.shape_cast %swap3A_741 : vector<1x16xf32> to vector<16xf32>
        %swap3A_743 = vector.shape_cast %mul3A_738 : vector<16xf32> to vector<1x16xf32>
        tpu.vector_store %arg11[%swap3A_739, %swap3A_740], %swap3A_743 {strides = array<i32>} : memref<32x64xf32, #tpu.memory_space<vmem>>, vector<1x16xf32>,
      } else {
      }
      %jit3A_664 = arith.constant 0.000000e+00 : f32
      %jit3A_665 = arith.constant 1.000000e+00 : f32
      %select_n3A_666 = arith.select %le3A_623, %jit3A_664, %jit3A_665 : f32
      %mul3A_667 = vector.broadcast %select_n3A_666 : f32 to vector<16xf32>
      %mul3A_668 = arith.mulf %while3A_660#0, %mul3A_667 : vector<16xf32>
      %mul3A_669 = vector.broadcast %select_n3A_666 : f32 to vector<16xf32>
      %mul3A_670 = arith.mulf %while3A_660#1, %mul3A_669 : vector<16xf32>
      %mul3A_671 = vector.broadcast %select_n3A_666 : f32 to vector<16xf32>
      %mul3A_672 = arith.mulf %while3A_660#2, %mul3A_671 : vector<16xf32>
      %mul3A_673 = vector.broadcast %select_n3A_666 : f32 to vector<16xf32>
      %mul3A_674 = arith.mulf %while3A_660#3, %mul3A_673 : vector<16xf32>
      %jit3A_675 = arith.constant 2 : i32
      %div3A_676 = arith.divsi %min3A_625, %jit3A_675 : i32
      %sign3A_677 = arith.constant 0 : i32
      %sign3A_678 = arith.cmpi sgt, %min3A_625, %sign3A_677 : i32
      %sign3A_679 = arith.extui %sign3A_678 : i1 to i32
      %sign3A_680 = arith.constant 0 : i32
      %sign3A_681 = arith.cmpi slt, %min3A_625, %sign3A_680 : i32
      %sign3A_682 = arith.extui %sign3A_681 : i1 to i32
      %sign3A_683 = arith.subi %sign3A_679, %sign3A_682 : i32
      %sign3A_684 = arith.constant 0 : i32
      %sign3A_685 = arith.cmpi sgt, %jit3A_675, %sign3A_684 : i32
      %sign3A_686 = arith.extui %sign3A_685 : i1 to i32
      %sign3A_687 = arith.constant 0 : i32
      %sign3A_688 = arith.cmpi slt, %jit3A_675, %sign3A_687 : i32
      %sign3A_689 = arith.extui %sign3A_688 : i1 to i32
      %sign3A_690 = arith.subi %sign3A_686, %sign3A_689 : i32
      %ne3A_691 = arith.cmpi ne, %sign3A_683, %sign3A_690 : i32
      %rem3A_692 = arith.remsi %min3A_625, %jit3A_675 : i32
      %ne3A_693 = arith.constant 0 : i32
      %ne3A_694 = arith.cmpi ne, %rem3A_692, %ne3A_693 : i32
      %and3A_695 = arith.andi %ne3A_691, %ne3A_694 : i1
      %sub3A_696 = arith.constant 1 : i32
      %sub3A_697 = arith.subi %div3A_676, %sub3A_696 : i32
      %select_n3A_698 = arith.select %and3A_695, %sub3A_697, %div3A_676 : i32
      %while3A_699 = arith.constant 64 : i32
      %while3A_700 = arith.subi %while3A_699, %select_n3A_698 : i32
      %while3A_701 = arith.addi %select_n3A_698, %while3A_700 : i32
      %while3A_702 = arith.constant 1 : i32
      %while3A_703 = arith.divsi %while3A_700, %while3A_702 : i32
      %while3A_704 = arith.muli %while3A_703, %while3A_702 : i32
      %while3A_705 = arith.addi %select_n3A_698, %while3A_704 : i32
      %while3A_706 = arith.constant 1 : i32
      %while3A_707:4 = scf.for %while3A_717 = %select_n3A_698 to %while3A_705 step %while3A_706 iter_args(%while3A_718 = %mul3A_668, %while3A_719 = %mul3A_670, %while3A_720 = %mul3A_672, %while3A_721 = %mul3A_674) -> (vector<16xf32>, vector<16xf32>, vector<16xf32>, vector<16xf32>)  : i32 {
        %mul3A_722 = arith.constant 2 : i32
        %mul3A_723 = arith.muli %mul3A_722, %while3A_717 : i32
        %get3A = arith.index_cast %mul3A_723 : i32 to index
        %get3A_724 = arith.constant 0 : index
        %get3A_725 = tpu.vector_load %arg10[%get3A, %get3A_724] {strides = array<i32>} : memref<128x64xf32, #tpu.memory_space<vmem>>, vector<1x16xf32>,
        %get3A_726 = vector.shape_cast %get3A_725 : vector<1x16xf32> to vector<16xf32>
        %add3A_727 = arith.constant 1 : i32
        %add3A_728 = arith.addi %mul3A_723, %add3A_727 : i32
        %get3A_729 = arith.index_cast %add3A_728 : i32 to index
        %get3A_730 = arith.constant 0 : index
        %get3A_731 = tpu.vector_load %arg10[%get3A_729, %get3A_730] {strides = array<i32>} : memref<128x64xf32, #tpu.memory_space<vmem>>, vector<1x16xf32>,
        %get3A_732 = vector.shape_cast %get3A_731 : vector<1x16xf32> to vector<16xf32>
        %add3A_733 = arith.addf %get3A_726, %get3A_732 : vector<16xf32>
        %add3A_734 = arith.addf %while3A_718, %add3A_733 : vector<16xf32>
        %get3A_735 = arith.index_cast %mul3A_723 : i32 to index
        %get3A_736 = arith.constant 16 : index
        %get3A_737 = tpu.vector_load %arg10[%get3A_735, %get3A_736] {strides = array<i32>} : memref<128x64xf32, #tpu.memory_space<vmem>>, vector<1x16xf32>,
        %get3A_738 = vector.shape_cast %get3A_737 : vector<1x16xf32> to vector<16xf32>
        %add3A_739 = arith.constant 1 : i32
        %add3A_740 = arith.addi %mul3A_723, %add3A_739 : i32
        %get3A_741 = arith.index_cast %add3A_740 : i32 to index
        %get3A_742 = arith.constant 16 : index
        %get3A_743 = tpu.vector_load %arg10[%get3A_741, %get3A_742] {strides = array<i32>} : memref<128x64xf32, #tpu.memory_space<vmem>>, vector<1x16xf32>,
        %get3A_744 = vector.shape_cast %get3A_743 : vector<1x16xf32> to vector<16xf32>
        %add3A_745 = arith.addf %get3A_738, %get3A_744 : vector<16xf32>
        %add3A_746 = arith.addf %while3A_719, %add3A_745 : vector<16xf32>
        %get3A_747 = arith.index_cast %mul3A_723 : i32 to index
        %get3A_748 = arith.constant 32 : index
        %get3A_749 = tpu.vector_load %arg10[%get3A_747, %get3A_748] {strides = array<i32>} : memref<128x64xf32, #tpu.memory_space<vmem>>, vector<1x16xf32>,
        %get3A_750 = vector.shape_cast %get3A_749 : vector<1x16xf32> to vector<16xf32>
        %add3A_751 = arith.constant 1 : i32
        %add3A_752 = arith.addi %mul3A_723, %add3A_751 : i32
        %get3A_753 = arith.index_cast %add3A_752 : i32 to index
        %get3A_754 = arith.constant 32 : index
        %get3A_755 = tpu.vector_load %arg10[%get3A_753, %get3A_754] {strides = array<i32>} : memref<128x64xf32, #tpu.memory_space<vmem>>, vector<1x16xf32>,
        %get3A_756 = vector.shape_cast %get3A_755 : vector<1x16xf32> to vector<16xf32>
        %add3A_757 = arith.addf %get3A_750, %get3A_756 : vector<16xf32>
        %add3A_758 = arith.addf %while3A_720, %add3A_757 : vector<16xf32>
        %get3A_759 = arith.index_cast %mul3A_723 : i32 to index
        %get3A_760 = arith.constant 48 : index
        %get3A_761 = tpu.vector_load %arg10[%get3A_759, %get3A_760] {strides = array<i32>} : memref<128x64xf32, #tpu.memory_space<vmem>>, vector<1x16xf32>,
        %get3A_762 = vector.shape_cast %get3A_761 : vector<1x16xf32> to vector<16xf32>
        %add3A_763 = arith.constant 1 : i32
        %add3A_764 = arith.addi %mul3A_723, %add3A_763 : i32
        %get3A_765 = arith.index_cast %add3A_764 : i32 to index
        %get3A_766 = arith.constant 48 : index
        %get3A_767 = tpu.vector_load %arg10[%get3A_765, %get3A_766] {strides = array<i32>} : memref<128x64xf32, #tpu.memory_space<vmem>>, vector<1x16xf32>,
        %get3A_768 = vector.shape_cast %get3A_767 : vector<1x16xf32> to vector<16xf32>
        %add3A_769 = arith.addf %get3A_762, %get3A_768 : vector<16xf32>
        %add3A_770 = arith.addf %while3A_721, %add3A_769 : vector<16xf32>
        scf.yield %add3A_734, %add3A_746, %add3A_758, %add3A_770 : vector<16xf32>, vector<16xf32>, vector<16xf32>, vector<16xf32>
      }
      %while3A_708 = arith.constant 1 : i32
      %while3A_709:4 = scf.for %while3A_717 = %while3A_705 to %while3A_701 step %while3A_708 iter_args(%while3A_718 = %while3A_707#0, %while3A_719 = %while3A_707#1, %while3A_720 = %while3A_707#2, %while3A_721 = %while3A_707#3) -> (vector<16xf32>, vector<16xf32>, vector<16xf32>, vector<16xf32>)  : i32 {
        %mul3A_722 = arith.constant 2 : i32
        %mul3A_723 = arith.muli %mul3A_722, %while3A_717 : i32
        %get3A = arith.index_cast %mul3A_723 : i32 to index
        %get3A_724 = arith.constant 0 : index
        %get3A_725 = tpu.vector_load %arg10[%get3A, %get3A_724] {strides = array<i32>} : memref<128x64xf32, #tpu.memory_space<vmem>>, vector<1x16xf32>,
        %get3A_726 = vector.shape_cast %get3A_725 : vector<1x16xf32> to vector<16xf32>
        %add3A_727 = arith.constant 1 : i32
        %add3A_728 = arith.addi %mul3A_723, %add3A_727 : i32
        %get3A_729 = arith.index_cast %add3A_728 : i32 to index
        %get3A_730 = arith.constant 0 : index
        %get3A_731 = tpu.vector_load %arg10[%get3A_729, %get3A_730] {strides = array<i32>} : memref<128x64xf32, #tpu.memory_space<vmem>>, vector<1x16xf32>,
        %get3A_732 = vector.shape_cast %get3A_731 : vector<1x16xf32> to vector<16xf32>
        %add3A_733 = arith.addf %get3A_726, %get3A_732 : vector<16xf32>
        %add3A_734 = arith.addf %while3A_718, %add3A_733 : vector<16xf32>
        %get3A_735 = arith.index_cast %mul3A_723 : i32 to index
        %get3A_736 = arith.constant 16 : index
        %get3A_737 = tpu.vector_load %arg10[%get3A_735, %get3A_736] {strides = array<i32>} : memref<128x64xf32, #tpu.memory_space<vmem>>, vector<1x16xf32>,
        %get3A_738 = vector.shape_cast %get3A_737 : vector<1x16xf32> to vector<16xf32>
        %add3A_739 = arith.constant 1 : i32
        %add3A_740 = arith.addi %mul3A_723, %add3A_739 : i32
        %get3A_741 = arith.index_cast %add3A_740 : i32 to index
        %get3A_742 = arith.constant 16 : index
        %get3A_743 = tpu.vector_load %arg10[%get3A_741, %get3A_742] {strides = array<i32>} : memref<128x64xf32, #tpu.memory_space<vmem>>, vector<1x16xf32>,
        %get3A_744 = vector.shape_cast %get3A_743 : vector<1x16xf32> to vector<16xf32>
        %add3A_745 = arith.addf %get3A_738, %get3A_744 : vector<16xf32>
        %add3A_746 = arith.addf %while3A_719, %add3A_745 : vector<16xf32>
        %get3A_747 = arith.index_cast %mul3A_723 : i32 to index
        %get3A_748 = arith.constant 32 : index
        %get3A_749 = tpu.vector_load %arg10[%get3A_747, %get3A_748] {strides = array<i32>} : memref<128x64xf32, #tpu.memory_space<vmem>>, vector<1x16xf32>,
        %get3A_750 = vector.shape_cast %get3A_749 : vector<1x16xf32> to vector<16xf32>
        %add3A_751 = arith.constant 1 : i32
        %add3A_752 = arith.addi %mul3A_723, %add3A_751 : i32
        %get3A_753 = arith.index_cast %add3A_752 : i32 to index
        %get3A_754 = arith.constant 32 : index
        %get3A_755 = tpu.vector_load %arg10[%get3A_753, %get3A_754] {strides = array<i32>} : memref<128x64xf32, #tpu.memory_space<vmem>>, vector<1x16xf32>,
        %get3A_756 = vector.shape_cast %get3A_755 : vector<1x16xf32> to vector<16xf32>
        %add3A_757 = arith.addf %get3A_750, %get3A_756 : vector<16xf32>
        %add3A_758 = arith.addf %while3A_720, %add3A_757 : vector<16xf32>
        %get3A_759 = arith.index_cast %mul3A_723 : i32 to index
        %get3A_760 = arith.constant 48 : index
        %get3A_761 = tpu.vector_load %arg10[%get3A_759, %get3A_760] {strides = array<i32>} : memref<128x64xf32, #tpu.memory_space<vmem>>, vector<1x16xf32>,
        %get3A_762 = vector.shape_cast %get3A_761 : vector<1x16xf32> to vector<16xf32>
        %add3A_763 = arith.constant 1 : i32
        %add3A_764 = arith.addi %mul3A_723, %add3A_763 : i32
        %get3A_765 = arith.index_cast %add3A_764 : i32 to index
        %get3A_766 = arith.constant 48 : index
        %get3A_767 = tpu.vector_load %arg10[%get3A_765, %get3A_766] {strides = array<i32>} : memref<128x64xf32, #tpu.memory_space<vmem>>, vector<1x16xf32>,
        %get3A_768 = vector.shape_cast %get3A_767 : vector<1x16xf32> to vector<16xf32>
        %add3A_769 = arith.addf %get3A_762, %get3A_768 : vector<16xf32>
        %add3A_770 = arith.addf %while3A_721, %add3A_769 : vector<16xf32>
        scf.yield %add3A_734, %add3A_746, %add3A_758, %add3A_770 : vector<16xf32>, vector<16xf32>, vector<16xf32>, vector<16xf32>
      }
      %add3A_710 = arith.constant 5 : i32
      %add3A_711 = arith.addi %add3A_583, %add3A_710 : i32
      %lt3A_712 = arith.constant 250 : i32
      %lt3A_713 = arith.cmpi slt, %add3A_711, %lt3A_712 : i32
      %convert_element_type3A_714 = arith.extui %lt3A_713 : i1 to i32
      %cond3A_715 = arith.constant 0 : i32
      %cond3A_716 = arith.cmpi ne, %convert_element_type3A_714, %cond3A_715 : i32
      scf.if %cond3A_716 {
        %add3A_717 = arith.constant 5 : i32
        %add3A_718 = arith.addi %add3A_583, %add3A_717 : i32
        %mul3A_719 = arith.constant 128 : i32
        %mul3A_720 = arith.muli %add3A_718, %mul3A_719 : i32
        %dma_start3A_721 = tpu.memref_slice %arg5[%mul3A_720] : memref<32000xi32, #tpu.memory_space<vmem>> -> memref<128xi32, #tpu.memory_space<vmem>>
        %dma_start3A_722 = arith.constant 0 : i32
        %dma_start3A_723 = arith.constant 0 : i32
        %dma_start3A_724 = tpu.memref_slice %arg3[%dma_start3A_722, %dma_start3A_723] : memref<1000000x64xf32, #tpu.memory_space<hbm>> -> memref<1000000x64xf32, #tpu.memory_space<hbm>>
        tpu.enqueue_indirect_dma source(%dma_start3A_724 : memref<1000000x64xf32, #tpu.memory_space<hbm>>) target(%arg10 : memref<128x64xf32, #tpu.memory_space<vmem>>) offsets(%dma_start3A_721 : memref<128xi32, #tpu.memory_space<vmem>>) semaphore(%arg16 : memref<!tpu.dma_semaphore, #tpu.memory_space<semaphore_mem>>)
      } else {
      }
      scf.yield %while3A_709#0, %while3A_709#1, %while3A_709#2, %while3A_709#3 : vector<16xf32>, vector<16xf32>, vector<16xf32>, vector<16xf32>
    }
    %scan3A_39 = arith.constant 50 : i32
    %mul3A_40 = arith.constant 32 : i32
    %mul3A_41 = arith.muli %add3A, %mul3A_40 : i32
    "tpu.region"() ({
      %run_scoped3A = tpu.sem_alloc : memref<!tpu.dma_semaphore, #tpu.memory_space<semaphore_mem>>
      %dma_start3A_42 = arith.constant 0 : i32
      %dma_start3A_43 = tpu.memref_slice %arg4[%mul3A_41, %dma_start3A_42] : memref<1024x64xf32, #tpu.memory_space<hbm>> -> memref<32x64xf32, #tpu.memory_space<hbm>>
      %dma_start3A_44 = arith.constant 0 : i32
      %dma_start3A_45 = tpu.memref_slice %arg4[%mul3A_41, %dma_start3A_44] : memref<1024x64xf32, #tpu.memory_space<hbm>> -> memref<32x64xf32, #tpu.memory_space<hbm>>
      tpu.enqueue_dma source(%arg11 : memref<32x64xf32, #tpu.memory_space<vmem>>) target(%dma_start3A_45 : memref<32x64xf32, #tpu.memory_space<hbm>>) target_semaphore(%run_scoped3A : memref<!tpu.dma_semaphore, #tpu.memory_space<semaphore_mem>>)
      %dma_wait3A = arith.constant 0 : i32
      %dma_wait3A_46 = tpu.memref_slice %arg4[%mul3A_41, %dma_wait3A] : memref<1024x64xf32, #tpu.memory_space<hbm>> -> memref<32x64xf32, #tpu.memory_space<hbm>>
      %dma_wait3A_47 = arith.constant 0 : i32
      %dma_wait3A_48 = tpu.memref_slice %arg4[%mul3A_41, %dma_wait3A_47] : memref<1024x64xf32, #tpu.memory_space<hbm>> -> memref<32x64xf32, #tpu.memory_space<hbm>>
      tpu.wait_dma2 semaphore(%run_scoped3A : memref<!tpu.dma_semaphore, #tpu.memory_space<semaphore_mem>>) src(%arg11 : memref<32x64xf32, #tpu.memory_space<vmem>>) dst(%dma_wait3A_48 : memref<32x64xf32, #tpu.memory_space<hbm>>)
      tpu.yield
    }) : () -> ()
    return
  }
}

module attributes {stable_mosaic.version = 14 : i64} {
  func.func @_proj_body(%arg0: i32, %arg1: memref<5000x200xf32, #tpu.memory_space<vmem>>, %arg2: memref<5000x200xf32, #tpu.memory_space<vmem>>, %arg3: memref<64x200xf32, #tpu.memory_space<vmem>>, %arg4: memref<1x64xf32, #tpu.memory_space<vmem>>, %arg5: memref<5000x128xf32, #tpu.memory_space<vmem>>) attributes {dimension_semantics = [#tpu.dimension_semantics<arbitrary>], iteration_bounds = array<i64: 100>, scalar_prefetch = 0 : i64, scratch_operands = 0 : i64, tpu.core_type = #tpu.core_type<tc>, window_params = [{transform_indices = @transform_0, window_bounds = array<i64: 5000, 200>}, {transform_indices = @transform_1, window_bounds = array<i64: 5000, 200>}, {pipeline_mode = #tpu.pipeline_mode<synchronous>, transform_indices = @transform_2, window_bounds = array<i64: 64, 200>}, {pipeline_mode = #tpu.pipeline_mode<synchronous>, transform_indices = @transform_3, window_bounds = array<i64: 1, 64>}, {transform_indices = @transform_4, window_bounds = array<i64: 5000, 128>}]} {
    %get3A = arith.constant 0 : index
    %get3A_0 = arith.constant 0 : index
    %get3A_1 = vector.load %arg1[%get3A, %get3A_0] : memref<5000x200xf32, #tpu.memory_space<vmem>>, vector<5000x200xf32>
    %get3A_2 = arith.constant 0 : index
    %get3A_3 = arith.constant 0 : index
    %get3A_4 = vector.load %arg3[%get3A_2, %get3A_3] : memref<64x200xf32, #tpu.memory_space<vmem>>, vector<64x200xf32>
    %dot_general3A = arith.constant dense<0.000000e+00> : vector<5000x64xf32>
    %dot_general3A_5 = tpu.matmul %get3A_1, %get3A_4, %dot_general3A {dimension_numbers = #tpu.dot_dimension_numbers<[1], [1], [0], [0], [0, 0, 1, 0], [], []>, transpose_lhs_hint = false} : vector<5000x200xf32>, vector<64x200xf32>, vector<5000x64xf32> -> vector<5000x64xf32>
    %get3A_6 = arith.constant 0 : index
    %get3A_7 = arith.constant 0 : index
    %get3A_8 = vector.load %arg4[%get3A_6, %get3A_7] : memref<1x64xf32, #tpu.memory_space<vmem>>, vector<1x64xf32>
    %add3A = vector.broadcast %get3A_8 : vector<1x64xf32> to vector<5000x64xf32>
    %add3A_9 = arith.addf %dot_general3A_5, %add3A : vector<5000x64xf32>
    %get3A_10 = arith.constant 0 : index
    %get3A_11 = arith.constant 0 : index
    %get3A_12 = vector.load %arg2[%get3A_10, %get3A_11] : memref<5000x200xf32, #tpu.memory_space<vmem>>, vector<5000x200xf32>
    %get3A_13 = arith.constant 0 : index
    %get3A_14 = arith.constant 0 : index
    %get3A_15 = vector.load %arg3[%get3A_13, %get3A_14] : memref<64x200xf32, #tpu.memory_space<vmem>>, vector<64x200xf32>
    %dot_general3A_16 = arith.constant dense<0.000000e+00> : vector<5000x64xf32>
    %dot_general3A_17 = tpu.matmul %get3A_12, %get3A_15, %dot_general3A_16 {dimension_numbers = #tpu.dot_dimension_numbers<[1], [1], [0], [0], [0, 0, 1, 0], [], []>, transpose_lhs_hint = false} : vector<5000x200xf32>, vector<64x200xf32>, vector<5000x64xf32> -> vector<5000x64xf32>
    %get3A_18 = arith.constant 0 : index
    %get3A_19 = arith.constant 0 : index
    %get3A_20 = vector.load %arg4[%get3A_18, %get3A_19] : memref<1x64xf32, #tpu.memory_space<vmem>>, vector<1x64xf32>
    %add3A_21 = vector.broadcast %get3A_20 : vector<1x64xf32> to vector<5000x64xf32>
    %add3A_22 = arith.addf %dot_general3A_17, %add3A_21 : vector<5000x64xf32>
    %concatenate3A = tpu.concatenate %add3A_9, %add3A_22 in 1 : vector<5000x64xf32>, vector<5000x64xf32> -> vector<5000x128xf32>
    %swap3A = arith.constant 0 : index
    %swap3A_23 = arith.constant 0 : index
    %swap3A_24 = vector.load %arg5[%swap3A, %swap3A_23] : memref<5000x128xf32, #tpu.memory_space<vmem>>, vector<5000x128xf32>
    tpu.vector_store %arg5[%swap3A, %swap3A_23], %concatenate3A {strides = array<i32>} : memref<5000x128xf32, #tpu.memory_space<vmem>>, vector<5000x128xf32>,
    return
  }
  func.func @transform_0(%arg0: i32) -> (i32, i32) {
    %c0_i32 = arith.constant 0 : i32
    %c0_i32_0 = arith.constant 0 : i32
    return %arg0, %c0_i32 : i32, i32
  }
  func.func @transform_1(%arg0: i32) -> (i32, i32) {
    %add3A = arith.constant 100 : i32
    %add3A_0 = arith.addi %arg0, %add3A : i32
    %c0_i32 = arith.constant 0 : i32
    %c0_i32_1 = arith.constant 0 : i32
    return %add3A_0, %c0_i32 : i32, i32
  }
  func.func @transform_2(%arg0: i32) -> (i32, i32) {
    %c0_i32 = arith.constant 0 : i32
    %c0_i32_0 = arith.constant 0 : i32
    %c0_i32_1 = arith.constant 0 : i32
    return %c0_i32, %c0_i32_0 : i32, i32
  }
  func.func @transform_3(%arg0: i32) -> (i32, i32) {
    %c0_i32 = arith.constant 0 : i32
    %c0_i32_0 = arith.constant 0 : i32
    %c0_i32_1 = arith.constant 0 : i32
    return %c0_i32, %c0_i32_0 : i32, i32
  }
  func.func @transform_4(%arg0: i32) -> (i32, i32) {
    %c0_i32 = arith.constant 0 : i32
    %c0_i32_0 = arith.constant 0 : i32
    return %arg0, %c0_i32 : i32, i32
  }
}

</mosaic_0001>

<sc_bundles>
// kernel: kernel.4.cloned.1.call-start
scs
__scs_entry_jumppad:
0x0: {  	(pc) =	sbr.rel $0x88, $3  }
0x1: {  	(tag) =	ssettag $0x0;
	lr =	simm.s32 $0x1  }
0x2: {  	[smem:$0x3F9D] =	sst lr;
	_ =	strace $0xD0000000  }
0x3: {  	_ = 	snop  }
0x4: {  	_ = 	snop  }
0x5: {  	_ = 	snop  }
0x6: {  	_ = 	snop  }
0x7: {  	_ = 	snop  }
__scs_overlays_trampoline_lowered:
0x8: {  	[smem:$0x3FAC] =	sst s0  }
0x9: {  	[smem:$0x3FAD] =	sst s1  }
0xa: {  	[smem:$0x3FAE] =	sst s2  }
0xb: {  	[smem:$0x3FAF] =	sst s3  }
0xc: {  	[smem:$0x3FB0] =	sst s4  }
0xd: {  	[smem:$0x3FB1] =	sst s5  }
0xe: {  	[smem:$0x3FB2] =	sst s6  }
0xf: {  	[smem:$0x3FB3] =	sst s7  }
0x10: {  	[smem:$0x3FB4] =	sst s8  }
0x11: {  	[smem:$0x3FB5] =	sst s9;
	s0 =	simm.s32 @!p0 $0x0  }
0x12: {  	s1 =	sld [smem:$0x3F9B];
	s0 =	simm.s32 @p0 $0x1  }
0x13: {  	[smem:$0x3FB6] =	sst s0;
	s0 =	simm.s32 @!p1 $0x0  }
0x14: {  	s2 =	sld [smem:$0x3F9A];
	s0 =	simm.s32 @p1 $0x1  }
0x15: {  	[smem:$0x3FB7] =	sst s0;
	s0 =	simm.s32 @!p2 $0x0  }
0x16: {  	s3 =	sld [smem:$0x3FDB];
	s0 =	simm.s32 @p2 $0x1  }
0x17: {  	s4 =	simm.s32 $0x1BF5;
	[smem:$0x3FB9] =	sst s0  }
0x18: {  	s0 =	sld [smem:$0x3F9C];
	_ =	swait.ge [sflag:s4], $0x0  }
0x19: {  	s7 =	sld [smem:$0x3F9D]  }
0x1a: {  	s8 =	sadd.s32 $0xFFFFE003, lr  }
0x1b: {  	s9 =	sadd.s32 $0xFFFFFEF7, lr;
	s5 =	simm.s32 $0xFFFFFFFF;
	p2 =	slt.u32 s8, $0xFFFFF086  }
0x1c: {  	p1 =	slt.u32 s9, $0xF7A;
	s5 =	simm.s32 @!p2 $0x0  }
0x1d: {  	s5 =	simm.s32 @p1 $0x1;
	p0 =	seq.s32 s7, s2  }
0x1e: {  	s7 =	smul.u32 @!p0 $0xF7A, s2;
	p2 =	seq.s32 @!p0 s5, $0x0  }
0x1f: {  	s9 =	smul.u32 $0xF7A, s1;
	s8 =	simm.s32 @!p0 $0x1BF5;
	p2 =	por !p2, p0  }
0x20: {  	[sflag:s8] =	ssyncset.s32 @!p0 $0xFFFFF086;
	s6 =	sadd.s32 @!p0 s3, s7;
	s7 =	simm.s32 @!p0 $0x108  }
0x21: {  	s3 =	sadd.s32 s3, s9;
	s6 =	sadd.s32 @!p0 $0x88, s6;
	s7 =	simm.s32 @p2 $0x1082  }
0x22: {  	[simem:s7], [sflag:s8] =	dma.local @!p0 [hbm:s6], $0xF7A  }
0x23: {  	s9 =	sor.u32 $0xD0000000, s2;
	s6 =	simm.s32 $0x108;
	_ =	swait.ge @!p0 [sflag:s8], $0x0  }
0x24: {  	s3 =	sadd.s32 $0x88, s3;
	s6 =	simm.s32 @!p1 $0x1082;
	[sflag:s4] =	ssyncset.s32 $0xFFFFF086  }
0x25: {  	[simem:s6], [sflag:s4] =	dma.local [hbm:s3], $0xF7A  }
0x26: {  	[smem:$0x3F9D] =	sst s1;
	(tag) =	ssettag s2;
	_ =	strace s9  }
0x27: {  	s1 =	sld [smem:$0x3FAD]  }
0x28: {  	s2 =	sld [smem:$0x3FAE]  }
0x29: {  	s4 =	sld [smem:$0x3FB0]  }
0x2a: {  	p0 =	seq.s32 s5, $0x0;
	s5 =	sld [smem:$0x3FB1]  }
0x2b: {  	s6 =	sld [smem:$0x3FB2]  }
0x2c: {  	s7 =	sld [smem:$0x3FB3]  }
0x2d: {  	s3 =	simm.s32 $0x108;
	s8 =	sld [smem:$0x3FB4]  }
0x2e: {  	s3 =	simm.s32 @!p0 $0x1082;
	s9 =	sld [smem:$0x3FB5]  }
0x2f: {  	lr =	sadd.s32 s0, s3;
	s0 =	sld [smem:$0x3FAC]  }
0x30: {  	s3 =	sld [smem:$0x3FAF]  }
0x31: {  	[smem:$0x3FB8] =	sst s10  }
0x32: {  	s10 =	sld [smem:$0x3FB6];
	_ =	sdelay $0x3  }
0x33: {  	p0 =	seq.s32 s10, $0x1;
	s10 =	sld [smem:$0x3FB8];
	_ =	sdelay $0x3  }
0x34: {  	[smem:$0x3FB8] =	sst s10  }
0x35: {  	s10 =	sld [smem:$0x3FB7];
	_ =	sdelay $0x3  }
0x36: {  	p1 =	seq.s32 s10, $0x1;
	s10 =	sld [smem:$0x3FB8];
	_ =	sdelay $0x3  }
0x37: {  	[smem:$0x3FB8] =	sst s10  }
0x38: {  	s10 =	sld [smem:$0x3FB9]  }
0x39: {  	_ = 	snop;
	(pc) =	sbr.ind lr, $3  }
0x3a: {  	_ = 	snop  }
0x3b: {  	_ = 	snop  }
0x3c: {  	p2 =	seq.s32 s10, $0x1;
	s10 =	sld [smem:$0x3FB8]  }
0x3d: {  	_ =	shalt  }
0x3e: {  	_ =	shalt  }
0x3f: {  	_ =	shalt  }
0x40: {  	_ =	shalt  }
0x41: {  	_ =	shalt  }
0x42: {  	_ =	shalt  }
0x43: {  	_ =	shalt  }
0x44: {  	_ =	shalt  }
0x45: {  	_ =	shalt  }
0x46: {  	_ =	shalt  }
0x47: {  	_ =	shalt  }
0x48: {  	_ =	shalt  }
0x49: {  	_ =	shalt  }
0x4a: {  	_ =	shalt  }
0x4b: {  	_ =	shalt  }
0x4c: {  	_ =	shalt  }
0x4d: {  	_ =	shalt  }
0x4e: {  	_ =	shalt  }
0x4f: {  	_ =	shalt  }
0x50: {  	_ =	shalt  }
0x51: {  	_ =	shalt  }
0x52: {  	_ =	shalt  }
0x53: {  	_ =	shalt  }
0x54: {  	_ =	shalt  }
0x55: {  	_ =	shalt  }
0x56: {  	_ =	shalt  }
0x57: {  	_ =	shalt  }
0x58: {  	_ =	shalt  }
0x59: {  	_ =	shalt  }
0x5a: {  	_ =	shalt  }
0x5b: {  	_ =	shalt  }
0x5c: {  	_ =	shalt  }
0x5d: {  	_ =	shalt  }
0x5e: {  	_ =	shalt  }
0x5f: {  	_ =	shalt  }
0x60: {  	_ =	shalt  }
0x61: {  	_ =	shalt  }
0x62: {  	_ =	shalt  }
0x63: {  	_ =	shalt  }
0x64: {  	_ =	shalt  }
0x65: {  	_ =	shalt  }
0x66: {  	_ =	shalt  }
0x67: {  	_ =	shalt  }
0x68: {  	_ =	shalt  }
0x69: {  	_ =	shalt  }
0x6a: {  	_ =	shalt  }
0x6b: {  	_ =	shalt  }
0x6c: {  	_ =	shalt  }
0x6d: {  	_ =	shalt  }
0x6e: {  	_ =	shalt  }
0x6f: {  	_ =	shalt  }
0x70: {  	_ =	shalt  }
0x71: {  	_ =	shalt  }
0x72: {  	_ =	shalt  }
0x73: {  	_ =	shalt  }
0x74: {  	_ =	shalt  }
0x75: {  	_ =	shalt  }
0x76: {  	_ =	shalt  }
0x77: {  	_ =	shalt  }
0x78: {  	_ =	shalt  }
0x79: {  	_ =	shalt  }
0x7a: {  	_ =	shalt  }
0x7b: {  	_ =	shalt  }
0x7c: {  	_ =	shalt  }
0x7d: {  	_ =	shalt  }
0x7e: {  	_ =	shalt  }
0x7f: {  	_ =	shalt  }
0x80: {  	_ =	shalt  }
0x81: {  	_ =	shalt  }
0x82: {  	_ =	shalt  }
0x83: {  	_ =	shalt  }
0x84: {  	_ =	shalt  }
0x85: {  	_ =	shalt  }
0x86: {  	_ =	shalt  }
0x87: {  	_ =	shalt  }
.Lfunc_end0:
.L_simem_size_0:
called_computation_lowered:
.L_overlay_start_0:
0x88: {  	s2 =	sld [smem:$0x3FD9]  }
0x89: {  	s3 =	sld [smem:$0x3FFE];
	_ =	sdelay $0x1  }
0x8a: {  	s1 =	srdreg.scid  }
0x8b: {  	s0 =	sand.u32 $0x1, s1  }
0x8c: {  	s16 =	sshll.u32 s0, $0xA;
	s2 =	sadd.s32 s3, s2  }
0x8d: {  	s2 =	sadd.s32 s2, s16  }
0x8e: {  	[smem:$0x3FC4] =	sst s2  }
0x8f: {  	_ = 	snop  }
0x90: {  	(tm) =	ssettm $0x1  }
0x91: {  	s17 =	sld [smem:$0x3FFB];
	_ =	sdelay $0x3  }
0x92: {  	_ =	strace s17  }
0x93: {  	s2 =	sld [smem:$0x3FFC];
	_ =	sdelay $0x3  }
0x94: {  	_ =	strace s2  }
0x95: {  	s2 =	sld [smem:$0x3FFD];
	_ =	sdelay $0x3  }
0x96: {  	_ =	strace s2  }
0x97: {  	_ =	strace $0x8FFFFFFF  }
0x98: {  	s18 =	sld [smem:$0x3FDB];
	_ =	sdelay $0x1  }
0x99: {  	s19 =	simm.s32 $_scs_section_size  }
0x9a: {  	s4 =	simm.s32 $_size__tile_overlayer_lowered;
	s5 =	simm.s32 $_tile_overlayer_lowered  }
0x9b: {  	s22 =	simm.s32 $0x1BFF;
	s21 =	sshll.u32 s5, $0x1;
	s2 =	sadd.s32 s19, s18  }
0x9c: {  	s6 =	simm.s32 $0x0;
	s20 =	sshll.u32 s4, $0x1;
	s4 =	sadd.s32 s21, s2  }
0x9d: {  	[timem:s6], [sflag:s22] =	dma.local [hbm:s4], s20  }
0x9e: {  	_ =	swait.ge [sflag:s22], s20  }
0x9f: {  	s3 =	ssub.s32 $0x0, s20;
	[sflag:s22] =	ssyncset.done $0x0  }
0xa0: {  	[sflag:s22] =	ssyncadd.s32 s3;
	_ =	sdelay $0x1  }
0xa1: {  	s23 =	simm.s32 $0x1B8B  }
0xa2: {  	_ =	swait.ge [sflag:s23], $0x1  }
0xa3: {  	[sflag:s23] =	ssyncset.done $0x0  }
0xa4: {  	s25 =	simm.s32 $0x1B8E;
	s24 =	sld [smem:$0x3FFE];
	[sflag:s23] =	ssyncadd.s32 $0xFFFFFFFF  }
0xa5: {  	s26 =	simm.s32 $execute0_lowered;
	[smem:$0x3FD2] =	sst s25  }
0xa6: {  	s4 =	sshll.u32 s26, $0x1;
	_ =	strace $0x80000046;
	[dreg:$0x1] =	wrdreg $0xFFFFFFFF  }
0xa7: {  	s28 =	simm.s32 $_size_execute0_lowered;
	s2 =	sadd.s32 s2, s4;
	[dreg:$0x0] =	wrdreg $0x0  }
0xa8: {  	s4 =	sshll.u32 s28, $0x1;
	[dreg:$0x2] =	wrdreg s2  }
0xa9: {  	[dreg:$0x3] =	wrdreg s4  }
0xaa: {  	[dreg:$0x4] =	wrdreg $0xC0  }
0xab: {  	_ =	task [dreg:s6], $0x5FFFF  }
0xac: {  	[dreg:$0x1] =	wrdreg $0xFFFFFFFF  }
0xad: {  	[dreg:$0x0] =	wrdreg $0x60  }
0xae: {  	[dreg:$0x2] =	wrdreg s24  }
0xaf: {  	[dreg:$0x3] =	wrdreg $0x9  }
0xb0: {  	_ =	task.clear_ibuf [dreg:s6], $0x4FFFF;
	_ =	strace $0x90000046  }
0xb1: {  	s29 =	simm.s32 $0x9;
	_ =	strace $0x80000048  }
0xb2: {  	_ =	swait.ge [sflag:s29], $0x1  }
0xb3: {  	[sflag:s29] =	ssyncadd.s32 $0xFFFFFFFF  }
0xb4: {  	_ =	strace $0x90000048  }
0xb5: {  	_ =	sfence  }
0xb6: {  	s30 =	sld [smem:$0x0];
	_ =	sdelay $0x2  }
0xb7: {  	s31 =	sshll.u32 s1, $0xD;
	s1 =	sshrl.u32 s1, $0x2  }
0xb8: {  	s3 =	sand.u32 $0x4000, s31;
	s1 =	sadd.s32 s1, s30  }
0xb9: {  	s0 =	sor.u32 s3, s0;
	s1 =	sshll.u32 s1, $0x11  }
0xba: {  	s0 =	sor.u32 s1, s0  }
0xbb: {  	s0 =	sadd.s32 $0x8F2B, s0  }
0xbc: {  	[sflag:s0] =	ssyncadd.remote.s32 $0x1  }
0xbd: {  	_ =	sfence.sel $0xFFFF  }
0xbe: {  	[dreg:$0x0] =	wrdreg $0xFFFFFFFF;
	(pc) =	sbr.abs _section_cstart, $3  }
0xbf: {  	[dreg:$0x1] =	wrdreg $0xFFFFFFFF  }
0xc0: {  	_ =	task.clear_ibuf [dreg:s6], $0x2FFFF;
	_ =	strace $0x9FFFFFFF  }
0xc1: {  	(tm) =	ssettm $0x7FFFFFFF  }
tec
execute0_lowered:
.L_overlay_start_1:
0x0: {  	(tag) =	ssettag $0x1  }
0x1: {  	s1 =	srdreg.scid;
	s0 =	stileid.u32  }
0x2: {  	s4 =	rddreg [dreg:$0x0];
	s2 =	simm.s32 $0x0;
	s7 =	simm.s32 $0x6  }
0x3: {  	s8 =	simm.s32 $0x80;
	s9 =	simm.s32 $0x7D00;
	s10 =	simm.s32 $0x9D00  }
0x4: {  	s11 =	simm.s32 $0x100;
	s12 =	simm.s32 $0xBD00;
	s13 =	simm.s32 $0x180  }
0x5: {  	s14 =	simm.s32 $0xDD00;
	s15 =	simm.s32 $0x200;
	s16 =	simm.s32 $0xFD00  }
0x6: {  	s17 =	simm.s32 $0x1;
	s18 =	simm.s32 $0x2;
	s19 =	simm.s32 $0x3  }
0x7: {  	s20 =	simm.s32 $0x4;
	s21 =	simm.s32 $0x5;
	s22 =	simm.s32 $0x11D00  }
0x8: {  	s23 =	simm.s32 $0x0;
	s1 =	sand.u32 $0x1, s1;
	s3 =	sshll.u32 s0, $0x1  }
.Ltmp0:
0x9: {  	[smem:$0x7FF] =	sst s2;
	s3 =	sor.u32 s1, s3;
	(pc) =	sbr.rel .LBB2_1-.Ltmp0, $4  }
0xa: {  	_ =	strace $0x80000047;
	s1 =	ssub.s32 $0x2, s1;
	s5 =	smul.u32 $0xFA0, s3  }
0xb: {  	s6 =	sshll.u32 s3, $0x8;
	s3 =	sadd.s32 $0x1EB0E00, s4;
	s31 =	sshrl.u32 s1, $0x1  }
0xc: {  	s6 =	sadd.s32 s6, s4;
	s1 =	ssub.s32 s1, s31;
	s5 =	sadd.s32 s5, s4  }
0xd: {  	s4 =	sadd.s32 $0xA00, s5;
	s5 =	sadd.s32 $0x1FE00, s6;
	s6 =	smax.u32 s1, $0x1  }
.LBB2_74:
0xe: {  	s23 =	sadd.s32 $0x1, s23  }
0xf: {  	p0 =	sne.s32 s23, s6  }
.Ltmp1:
0x10: {  	_ = 	snop;
	(pc) =	sbr.rel @!p0 .LBB2_75-.Ltmp1, $4  }
0x11: {  	[hbm4b:s5+s2] =	stream.linear.scatter [tilespmem:s22], [sflag:$0x6], $0x800, $0x38;
	[tilespmem:$0x12500] =	vst v63  }
0x12: {  	_ =	swait.ge [sflag:s7], $0x800  }
0x13: {  	[sflag:s7] =	ssyncset.done $0x0  }
0x14: {  	[sflag:s7] =	ssyncadd.s32 $0xFFFFF800  }
.LBB2_1:
0x15: {  	[tilespmem:s2], [sflag:$0x6] =	stream.linear.gather [hbm4b:s4+s2], $0x7D00, $0x38;
	[tilespmem:$0x12500] =	vst v63  }
0x16: {  	_ =	swait.ge [sflag:s7], $0x7D00  }
0x17: {  	[sflag:s7] =	ssyncset.done $0x0  }
0x18: {  	[sflag:s7] =	ssyncadd.s32 $0xFFFF8300  }
0x19: {  	[tilespmem:s9], [sflag:$0x1] =	stream.indirect.gather [hbm4b:s3+s8], $0x40, s2, s8, $0xb8;
	[tilespmem:$0x12500] =	vst v63  }
0x1a: {  	_ = 	snop  }
0x1b: {  	[tilespmem:s10], [sflag:$0x2] =	stream.indirect.gather [hbm4b:s3+s8], $0x40, s8, s8, $0xb8;
	[tilespmem:$0x12500] =	vst v63  }
0x1c: {  	_ = 	snop  }
0x1d: {  	[tilespmem:s12], [sflag:$0x3] =	stream.indirect.gather [hbm4b:s3+s8], $0x40, s11, s8, $0xb8;
	[tilespmem:$0x12500] =	vst v63  }
0x1e: {  	_ = 	snop  }
0x1f: {  	[tilespmem:s14], [sflag:$0x4] =	stream.indirect.gather [hbm4b:s3+s8], $0x40, s13, s8, $0xb8;
	[tilespmem:$0x12500] =	vst v63  }
0x20: {  	v1 =	vimm.f32 $0.0e+00;
	s24 =	simm.s32 $0x0  }
0x21: {  	v0 =	vimm.f32 $0.0e+00;
	v3 =	vimm.f32 $0.0e+00;
	v2 =	vimm.f32 $0.0e+00;
	[tilespmem:s16], [sflag:$0x5] =	stream.indirect.gather [hbm4b:s3+s8], $0x40, s15, s8, $0xb8;
	[tilespmem:$0x12500] =	vst v63  }
.LBB2_2:
0x22: {  	s25 =	smul.u32 $0x280, s24;
	_ =	sdelay $0x1  }
0x23: {  	s1 =	sand.u32 $0xFF80, s25  }
0x24: {  	s1 =	sshrl.u32 s1, $0x3  }
0x25: {  	s1 =	smul.u32 $0x20C5, s1;
	_ =	sdelay $0x1  }
0x26: {  	s28 =	sshrl.u32 s1, $0x14  }
0x27: {  	s1 =	smul.u32 $0x3E8, s28;
	_ =	sdelay $0x1  }
0x28: {  	s29 =	ssub.s32 s1, s25  }
0x29: {  	p0 =	slt.s32 s29, $0xFFFFFC98;
	s1 =	smov.u32 s29  }
0x2a: {  	s1 =	simm.s32 @!p0 $0xFFFFFC98  }
0x2b: {  	s1 =	sshra.s32 s1, $0x1  }
0x2c: {  	s26 =	sadd.s32 $0x1F4, s1  }
0x2d: {  	p0 =	slt.s32 s26, $0x1  }
.Ltmp2:
0x2e: {  	_ = 	snop;
	(pc) =	sbr.rel @p0 .LBB2_9-.Ltmp2, $4  }
0x2f: {  	_ = 	snop  }
0x30: {  	_ =	swait.ge [sflag:s17], $0x2000  }
0x31: {  	[sflag:s17] =	ssyncset.done $0x0  }
0x32: {  	s30 =	simm.s32 $0x7D40;
	[sflag:s17] =	ssyncadd.s32 $0xFFFFE000  }
0x33: {  	p1 =	sne.s32 s26, $0x1  }
.Ltmp3:
0x34: {  	_ = 	snop;
	(pc) =	sbr.rel @!p1 .LBB2_4-.Ltmp3, $3  }
0x35: {  	_ =	sdelay $0x1  }
0x36: {  	v4 =	vld [tilespmem:s30+$0xFFFFFFF0]  }
0x37: {  	v5 =	vld [tilespmem:s30+$0x30];
	s1 =	sadd.s32 $0xFFFFFFFF, s26;
	p0 =	por $0x0, $0x0  }
0x38: {  	v8 =	vld [tilespmem:s30+$0x0]  }
0x39: {  	v7 =	vld [tilespmem:s30+$0xFFFFFFD0]  }
0x3a: {  	v11 =	vld [tilespmem:s30+$0x10];
	p1 =	sne.s32 s1, $0x1  }
.Ltmp4:
0x3b: {  	v6 =	vld [tilespmem:s30+$0xFFFFFFE0];
	(pc) =	sbr.rel @!p1 .LBB2_6-.Ltmp4, $4  }
0x3c: {  	v9 =	vld [tilespmem:s30+$0x20]  }
0x3d: {  	v10 =	vld [tilespmem:s30+$0xFFFFFFC0];
	s30 =	simm.s32 $0x7DC0;
	v5 =	vadd.f32 v5, v4  }
0x3e: {  	v4 =	vld [tilespmem:s30+$0xFFFFFFF0]  }
0x3f: {  	s31 =	sadd.s32 $0xFFFFFFFF, s1;
	p0 =	por $0x1, $0x1;
	v12 =	vmovc v2;
	v13 =	vadd.f32 v11, v7;
	v7 =	vmovc v3;
	v11 =	vmov v1;
	v0 =	vadd.f32 v5, v0;
	v5 =	vld [tilespmem:s30+$0x30]  }
.LBB2_7:
0x40: {  	p1 =	sne.s32 s31, $0x1;
	v14 =	vld [tilespmem:s30+$0x0]  }
0x41: {  	v15 =	vld [tilespmem:s30+$0xFFFFFFD0];
	v7 =	vadd.f32 v13, v7;
	v9 =	vadd.f32 v9, v6  }
0x42: {  	v13 =	vld [tilespmem:s30+$0x10];
	v16 =	vadd.f32 v8, v10  }
.Ltmp5:
0x43: {  	v6 =	vld [tilespmem:s30+$0xFFFFFFE0];
	v11 =	vadd.f32 v9, v11;
	(pc) =	sbr.rel @p1 .LBB2_7-.Ltmp5, $4  }
0x44: {  	v9 =	vld [tilespmem:s30+$0x20];
	v5 =	vadd.f32 v5, v4;
	v12 =	vadd.f32 v16, v12  }
0x45: {  	v10 =	vld [tilespmem:s30+$0xFFFFFFC0];
	s30 =	sadd.s32 $0x80, s30;
	v8 =	vmov v14  }
0x46: {  	v4 =	vld [tilespmem:s30+$0xFFFFFFF0];
	v0 =	vadd.f32 v5, v0  }
0x47: {  	s31 =	sadd.s32 $0xFFFFFFFF, s31;
	v5 =	vld [tilespmem:s30+$0x30];
	v13 =	vadd.f32 v13, v15  }
.LBB2_8:
0x48: {  	v14 =	vld [tilespmem:s30+$0x0]  }
0x49: {  	v15 =	vld [tilespmem:s30+$0xFFFFFFD0]  }
0x4a: {  	v17 =	vld [tilespmem:s30+$0xFFFFFFE0]  }
0x4b: {  	v18 =	vld [tilespmem:s30+$0x20]  }
0x4c: {  	v19 =	vld [tilespmem:s30+$0xFFFFFFC0]  }
0x4d: {  	v16 =	vld [tilespmem:s30+$0x10]  }
0x4e: {  	v6 =	vadd.f32 @p0 v9, v6;
	v8 =	vadd.f32 @p0 v8, v10  }
0x4f: {  	v7 =	vadd.f32 @p0 v13, v7;
	v4 =	vadd.f32 v5, v4  }
0x50: {  	v5 =	vadd.f32 @p0 v6, v11;
	v6 =	vadd.f32 @p0 v8, v12  }
0x51: {  	v62 =	vadd.f32 v18, v17;
	v63 =	vadd.f32 v14, v19  }
0x52: {  	v0 =	vadd.f32 v4, v0;
	v4 =	vadd.f32 v16, v15;
	v1 =	vpsel p0, v5, v1  }
0x53: {  	v3 =	vpsel p0, v7, v3;
	v2 =	vpsel p0, v6, v2;
	v1 =	vadd.f32 v62, v1  }
0x54: {  	v2 =	vadd.f32 v63, v2;
	v3 =	vadd.f32 v4, v3  }
.LBB2_9:
0x55: {  	p0 =	sgt.s32 s29, $0xFFFFFC98  }
0x56: {  	p1 =	sgt.s32 s26, $0x3F;
	v4 =	vmul.f32 @!p0 $1.000000050e-03, v2  }
.Ltmp6:
0x57: {  	s1 =	sshll.u32 @!p0 s28, $0x6;
	v5 =	vmul.f32 @!p0 $1.000000050e-03, v3;
	(pc) =	sbr.rel @p1 .LBB2_16-.Ltmp6, $4  }
0x58: {  	s28 =	simm.f32 @!p0 $0.0e+00;
	[tilespmem:s1+$0x11D00] =	vst @!p0 v4;
	v4 =	vmul.f32 @!p0 $1.000000050e-03, v1  }
0x59: {  	s28 =	simm.f32 @p0 $1.000000000e+00;
	[tilespmem:s1+$0x11D10] =	vst @!p0 v5;
	v5 =	vmul.f32 @!p0 $1.000000050e-03, v0  }
0x5a: {  	v2 =	vmul.f32 s28, v2;
	v3 =	vmul.f32 s28, v3;
	[tilespmem:s1+$0x11D20] =	vst @!p0 v4  }
0x5b: {  	v1 =	vmul.f32 s28, v1;
	v0 =	vmul.f32 s28, v0;
	[tilespmem:s1+$0x11D30] =	vst @!p0 v5  }
0x5c: {  	s28 =	ssub.s32 $0x40, s26  }
0x5d: {  	p1 =	sne.s32 s28, $0x1  }
.Ltmp7:
0x5e: {  	s1 =	sshll.u32 s26, $0x9;
	(pc) =	sbr.rel @!p1 .LBB2_11-.Ltmp7, $4  }
0x5f: {  	s1 =	sshra.s32 s1, $0x2  }
0x60: {  	s26 =	sadd.s32 $0x7D40, s1  }
0x61: {  	v4 =	vld [tilespmem:s26+$0xFFFFFFF0]  }
0x62: {  	p0 =	por $0x0, $0x0;
	s1 =	sadd.s32 $0xFFFFFFFF, s28;
	v5 =	vld [tilespmem:s26+$0x30]  }
0x63: {  	v8 =	vld [tilespmem:s26+$0x0]  }
0x64: {  	v7 =	vld [tilespmem:s26+$0xFFFFFFD0]  }
0x65: {  	v11 =	vld [tilespmem:s26+$0x10];
	p1 =	sne.s32 s1, $0x1  }
.Ltmp8:
0x66: {  	v6 =	vld [tilespmem:s26+$0xFFFFFFE0];
	(pc) =	sbr.rel @!p1 .LBB2_13-.Ltmp8, $4  }
0x67: {  	v9 =	vld [tilespmem:s26+$0x20]  }
0x68: {  	v10 =	vld [tilespmem:s26+$0xFFFFFFC0];
	s26 =	sadd.s32 $0x80, s26;
	v5 =	vadd.f32 v5, v4  }
0x69: {  	v4 =	vld [tilespmem:s26+$0xFFFFFFF0]  }
0x6a: {  	s28 =	sadd.s32 $0xFFFFFFFF, s1;
	p0 =	por $0x1, $0x1;
	v12 =	vmovc v2;
	v13 =	vadd.f32 v11, v7;
	v7 =	vmovc v3;
	v11 =	vmov v1;
	v0 =	vadd.f32 v5, v0;
	v5 =	vld [tilespmem:s26+$0x30]  }
.LBB2_14:
0x6b: {  	p1 =	sne.s32 s28, $0x1;
	v14 =	vld [tilespmem:s26+$0x0]  }
0x6c: {  	v15 =	vld [tilespmem:s26+$0xFFFFFFD0];
	v7 =	vadd.f32 v13, v7;
	v9 =	vadd.f32 v9, v6  }
0x6d: {  	v13 =	vld [tilespmem:s26+$0x10];
	v16 =	vadd.f32 v8, v10  }
.Ltmp9:
0x6e: {  	v6 =	vld [tilespmem:s26+$0xFFFFFFE0];
	v11 =	vadd.f32 v9, v11;
	(pc) =	sbr.rel @p1 .LBB2_14-.Ltmp9, $4  }
0x6f: {  	v9 =	vld [tilespmem:s26+$0x20];
	v5 =	vadd.f32 v5, v4;
	v12 =	vadd.f32 v16, v12  }
0x70: {  	v10 =	vld [tilespmem:s26+$0xFFFFFFC0];
	s26 =	sadd.s32 $0x80, s26;
	v8 =	vmov v14  }
0x71: {  	v4 =	vld [tilespmem:s26+$0xFFFFFFF0];
	v0 =	vadd.f32 v5, v0  }
0x72: {  	s28 =	sadd.s32 $0xFFFFFFFF, s28;
	v5 =	vld [tilespmem:s26+$0x30];
	v13 =	vadd.f32 v13, v15  }
.LBB2_15:
0x73: {  	v14 =	vld [tilespmem:s26+$0x0]  }
0x74: {  	v15 =	vld [tilespmem:s26+$0xFFFFFFD0]  }
0x75: {  	v17 =	vld [tilespmem:s26+$0xFFFFFFE0]  }
0x76: {  	v18 =	vld [tilespmem:s26+$0x20]  }
0x77: {  	v19 =	vld [tilespmem:s26+$0xFFFFFFC0]  }
0x78: {  	v16 =	vld [tilespmem:s26+$0x10]  }
0x79: {  	v6 =	vadd.f32 @p0 v9, v6;
	v8 =	vadd.f32 @p0 v8, v10  }
0x7a: {  	v7 =	vadd.f32 @p0 v13, v7;
	v4 =	vadd.f32 v5, v4  }
0x7b: {  	v5 =	vadd.f32 @p0 v6, v11;
	v6 =	vadd.f32 @p0 v8, v12  }
0x7c: {  	v62 =	vadd.f32 v18, v17;
	v63 =	vadd.f32 v14, v19  }
0x7d: {  	v0 =	vadd.f32 v4, v0;
	v4 =	vadd.f32 v16, v15;
	v1 =	vpsel p0, v5, v1  }
0x7e: {  	v3 =	vpsel p0, v7, v3;
	v2 =	vpsel p0, v6, v2;
	v1 =	vadd.f32 v62, v1  }
0x7f: {  	v2 =	vadd.f32 v63, v2;
	v3 =	vadd.f32 v4, v3  }
.LBB2_16:
0x80: {  	p0 =	seq.s32 s24, $0x31  }
0x81: {  	s26 =	sadd.s32 $0x80, s25;
	s1 =	smul.u32 @!p0 $0xA00, s24  }
0x82: {  	s28 =	smulhi.u32 $0x10624DD3, s26;
	_ =	sdelay $0x1  }
0x83: {  	s30 =	simm.s32 @!p0 $0x7D00;
	s26 =	sshra.s32 @!p0 s1, $0x2;
	s29 =	sshrl.u32 s28, $0x6  }
0x84: {  	s28 =	simm.s32 @!p0 $0x80;
	s1 =	sadd.s32 @!p0 $0x280, s26;
	s31 =	smul.u32 $0x3E8, s29  }
0x85: {  	[tilespmem:s30], [sflag:$0x1] =	stream.indirect.gather @!p0 [hbm4b:s3+s28], $0x40, s1, s28, $0xb8;
	[tilespmem:$0x12500] =	vst v63  }
0x86: {  	s1 =	ssub.s32 s31, s25  }
0x87: {  	s30 =	sadd.s32 $0x368, s1  }
0x88: {  	p1 =	slt.s32 s30, $0x80;
	s1 =	smov.u32 s30  }
0x89: {  	s1 =	simm.s32 @!p1 $0x80  }
0x8a: {  	s28 =	sshra.s32 s1, $0x1  }
0x8b: {  	p1 =	slt.s32 s28, $0x1  }
.Ltmp10:
0x8c: {  	_ = 	snop;
	(pc) =	sbr.rel @p1 .LBB2_23-.Ltmp10, $4  }
0x8d: {  	_ = 	snop  }
0x8e: {  	_ =	swait.ge [sflag:s18], $0x2000  }
0x8f: {  	[sflag:s18] =	ssyncset.done $0x0  }
0x90: {  	s31 =	simm.s32 $0x9D40;
	[sflag:s18] =	ssyncadd.s32 $0xFFFFE000  }
0x91: {  	p2 =	sne.s32 s28, $0x1  }
.Ltmp11:
0x92: {  	_ = 	snop;
	(pc) =	sbr.rel @!p2 .LBB2_18-.Ltmp11, $3  }
0x93: {  	_ =	sdelay $0x1  }
0x94: {  	v4 =	vld [tilespmem:s31+$0xFFFFFFF0]  }
0x95: {  	v5 =	vld [tilespmem:s31+$0x30];
	s1 =	sadd.s32 $0xFFFFFFFF, s28;
	p1 =	por $0x0, $0x0  }
0x96: {  	v8 =	vld [tilespmem:s31+$0x0]  }
0x97: {  	v7 =	vld [tilespmem:s31+$0xFFFFFFD0]  }
0x98: {  	v11 =	vld [tilespmem:s31+$0x10];
	p2 =	sne.s32 s1, $0x1  }
.Ltmp12:
0x99: {  	v6 =	vld [tilespmem:s31+$0xFFFFFFE0];
	(pc) =	sbr.rel @!p2 .LBB2_20-.Ltmp12, $4  }
0x9a: {  	v9 =	vld [tilespmem:s31+$0x20]  }
0x9b: {  	v10 =	vld [tilespmem:s31+$0xFFFFFFC0];
	s31 =	simm.s32 $0x9DC0;
	v5 =	vadd.f32 v5, v4  }
0x9c: {  	v4 =	vld [tilespmem:s31+$0xFFFFFFF0]  }
0x9d: {  	s1 =	sadd.s32 $0xFFFFFFFF, s1;
	p1 =	por $0x1, $0x1;
	v12 =	vmovc v2;
	v13 =	vadd.f32 v11, v7;
	v7 =	vmovc v3;
	v11 =	vmov v1;
	v0 =	vadd.f32 v5, v0;
	v5 =	vld [tilespmem:s31+$0x30]  }
.LBB2_21:
0x9e: {  	p2 =	sne.s32 s1, $0x1;
	v14 =	vld [tilespmem:s31+$0x0]  }
0x9f: {  	v15 =	vld [tilespmem:s31+$0xFFFFFFD0];
	v7 =	vadd.f32 v13, v7;
	v9 =	vadd.f32 v9, v6  }
0xa0: {  	v13 =	vld [tilespmem:s31+$0x10];
	v16 =	vadd.f32 v8, v10  }
.Ltmp13:
0xa1: {  	v6 =	vld [tilespmem:s31+$0xFFFFFFE0];
	v11 =	vadd.f32 v9, v11;
	(pc) =	sbr.rel @p2 .LBB2_21-.Ltmp13, $4  }
0xa2: {  	v9 =	vld [tilespmem:s31+$0x20];
	v5 =	vadd.f32 v5, v4;
	v12 =	vadd.f32 v16, v12  }
0xa3: {  	v10 =	vld [tilespmem:s31+$0xFFFFFFC0];
	s31 =	sadd.s32 $0x80, s31;
	v8 =	vmov v14  }
0xa4: {  	v4 =	vld [tilespmem:s31+$0xFFFFFFF0];
	v0 =	vadd.f32 v5, v0  }
0xa5: {  	s1 =	sadd.s32 $0xFFFFFFFF, s1;
	v5 =	vld [tilespmem:s31+$0x30];
	v13 =	vadd.f32 v13, v15  }
.LBB2_22:
0xa6: {  	v14 =	vld [tilespmem:s31+$0x0]  }
0xa7: {  	v15 =	vld [tilespmem:s31+$0xFFFFFFD0]  }
0xa8: {  	v17 =	vld [tilespmem:s31+$0xFFFFFFE0]  }
0xa9: {  	v18 =	vld [tilespmem:s31+$0x20]  }
0xaa: {  	v19 =	vld [tilespmem:s31+$0xFFFFFFC0]  }
0xab: {  	v16 =	vld [tilespmem:s31+$0x10]  }
0xac: {  	v6 =	vadd.f32 @p1 v9, v6;
	v8 =	vadd.f32 @p1 v8, v10  }
0xad: {  	v7 =	vadd.f32 @p1 v13, v7;
	v4 =	vadd.f32 v5, v4  }
0xae: {  	v5 =	vadd.f32 @p1 v6, v11;
	v6 =	vadd.f32 @p1 v8, v12  }
0xaf: {  	v62 =	vadd.f32 v18, v17;
	v63 =	vadd.f32 v14, v19  }
0xb0: {  	v0 =	vadd.f32 v4, v0;
	v4 =	vadd.f32 v16, v15;
	v1 =	vpsel p1, v5, v1  }
0xb1: {  	v3 =	vpsel p1, v7, v3;
	v2 =	vpsel p1, v6, v2;
	v1 =	vadd.f32 v62, v1  }
0xb2: {  	v2 =	vadd.f32 v63, v2;
	v3 =	vadd.f32 v4, v3  }
.LBB2_23:
0xb3: {  	p1 =	sgt.s32 s30, $0x80  }
0xb4: {  	p2 =	sgt.s32 s28, $0x3F;
	v4 =	vmul.f32 @!p1 $1.000000050e-03, v2  }
.Ltmp14:
0xb5: {  	s1 =	sshll.u32 @!p1 s29, $0x6;
	v5 =	vmul.f32 @!p1 $1.000000050e-03, v3;
	(pc) =	sbr.rel @p2 .LBB2_30-.Ltmp14, $4  }
0xb6: {  	s29 =	simm.f32 @!p1 $0.0e+00;
	[tilespmem:s1+$0x11D00] =	vst @!p1 v4;
	v4 =	vmul.f32 @!p1 $1.000000050e-03, v1  }
0xb7: {  	s29 =	simm.f32 @p1 $1.000000000e+00;
	[tilespmem:s1+$0x11D10] =	vst @!p1 v5;
	v5 =	vmul.f32 @!p1 $1.000000050e-03, v0  }
0xb8: {  	v2 =	vmul.f32 s29, v2;
	v3 =	vmul.f32 s29, v3;
	[tilespmem:s1+$0x11D20] =	vst @!p1 v4  }
0xb9: {  	v1 =	vmul.f32 s29, v1;
	v0 =	vmul.f32 s29, v0;
	[tilespmem:s1+$0x11D30] =	vst @!p1 v5  }
0xba: {  	s29 =	ssub.s32 $0x40, s28  }
0xbb: {  	p2 =	sne.s32 s29, $0x1  }
.Ltmp15:
0xbc: {  	s1 =	sshll.u32 s28, $0x9;
	(pc) =	sbr.rel @!p2 .LBB2_25-.Ltmp15, $4  }
0xbd: {  	s1 =	sshra.s32 s1, $0x2  }
0xbe: {  	s28 =	sadd.s32 $0x9D40, s1  }
0xbf: {  	v4 =	vld [tilespmem:s28+$0xFFFFFFF0]  }
0xc0: {  	p1 =	por $0x0, $0x0;
	s1 =	sadd.s32 $0xFFFFFFFF, s29;
	v5 =	vld [tilespmem:s28+$0x30]  }
0xc1: {  	v8 =	vld [tilespmem:s28+$0x0]  }
0xc2: {  	v7 =	vld [tilespmem:s28+$0xFFFFFFD0]  }
0xc3: {  	v11 =	vld [tilespmem:s28+$0x10];
	p2 =	sne.s32 s1, $0x1  }
.Ltmp16:
0xc4: {  	v6 =	vld [tilespmem:s28+$0xFFFFFFE0];
	(pc) =	sbr.rel @!p2 .LBB2_27-.Ltmp16, $4  }
0xc5: {  	v9 =	vld [tilespmem:s28+$0x20]  }
0xc6: {  	v10 =	vld [tilespmem:s28+$0xFFFFFFC0];
	s28 =	sadd.s32 $0x80, s28;
	v5 =	vadd.f32 v5, v4  }
0xc7: {  	v4 =	vld [tilespmem:s28+$0xFFFFFFF0]  }
0xc8: {  	s1 =	sadd.s32 $0xFFFFFFFF, s1;
	p1 =	por $0x1, $0x1;
	v12 =	vmovc v2;
	v13 =	vadd.f32 v11, v7;
	v7 =	vmovc v3;
	v11 =	vmov v1;
	v0 =	vadd.f32 v5, v0;
	v5 =	vld [tilespmem:s28+$0x30]  }
.LBB2_28:
0xc9: {  	p2 =	sne.s32 s1, $0x1;
	v14 =	vld [tilespmem:s28+$0x0]  }
0xca: {  	v15 =	vld [tilespmem:s28+$0xFFFFFFD0];
	v7 =	vadd.f32 v13, v7;
	v9 =	vadd.f32 v9, v6  }
0xcb: {  	v13 =	vld [tilespmem:s28+$0x10];
	v16 =	vadd.f32 v8, v10  }
.Ltmp17:
0xcc: {  	v6 =	vld [tilespmem:s28+$0xFFFFFFE0];
	v11 =	vadd.f32 v9, v11;
	(pc) =	sbr.rel @p2 .LBB2_28-.Ltmp17, $4  }
0xcd: {  	v9 =	vld [tilespmem:s28+$0x20];
	v5 =	vadd.f32 v5, v4;
	v12 =	vadd.f32 v16, v12  }
0xce: {  	v10 =	vld [tilespmem:s28+$0xFFFFFFC0];
	s28 =	sadd.s32 $0x80, s28;
	v8 =	vmov v14  }
0xcf: {  	v4 =	vld [tilespmem:s28+$0xFFFFFFF0];
	v0 =	vadd.f32 v5, v0  }
0xd0: {  	s1 =	sadd.s32 $0xFFFFFFFF, s1;
	v5 =	vld [tilespmem:s28+$0x30];
	v13 =	vadd.f32 v13, v15  }
.LBB2_29:
0xd1: {  	v14 =	vld [tilespmem:s28+$0x0]  }
0xd2: {  	v15 =	vld [tilespmem:s28+$0xFFFFFFD0]  }
0xd3: {  	v17 =	vld [tilespmem:s28+$0xFFFFFFE0]  }
0xd4: {  	v18 =	vld [tilespmem:s28+$0x20]  }
0xd5: {  	v19 =	vld [tilespmem:s28+$0xFFFFFFC0]  }
0xd6: {  	v16 =	vld [tilespmem:s28+$0x10]  }
0xd7: {  	v6 =	vadd.f32 @p1 v9, v6;
	v8 =	vadd.f32 @p1 v8, v10  }
0xd8: {  	v7 =	vadd.f32 @p1 v13, v7;
	v4 =	vadd.f32 v5, v4  }
0xd9: {  	v5 =	vadd.f32 @p1 v6, v11;
	v6 =	vadd.f32 @p1 v8, v12  }
0xda: {  	v62 =	vadd.f32 v18, v17;
	v63 =	vadd.f32 v14, v19  }
0xdb: {  	v0 =	vadd.f32 v4, v0;
	v4 =	vadd.f32 v16, v15;
	v1 =	vpsel p1, v5, v1  }
0xdc: {  	v3 =	vpsel p1, v7, v3;
	v2 =	vpsel p1, v6, v2;
	v1 =	vadd.f32 v62, v1  }
0xdd: {  	v2 =	vadd.f32 v63, v2;
	v3 =	vadd.f32 v4, v3  }
.LBB2_30:
0xde: {  	s1 =	sadd.s32 $0x100, s25  }
0xdf: {  	s1 =	smulhi.u32 $0x10624DD3, s1;
	_ =	sdelay $0x1  }
0xe0: {  	s28 =	sadd.s32 @!p0 $0x300, s26;
	s29 =	sshrl.u32 s1, $0x6  }
0xe1: {  	s30 =	simm.s32 @!p0 $0x9D00;
	s1 =	simm.s32 @!p0 $0x80;
	s31 =	smul.u32 $0x3E8, s29  }
0xe2: {  	[tilespmem:s30], [sflag:$0x2] =	stream.indirect.gather @!p0 [hbm4b:s3+s1], $0x40, s28, s1, $0xb8;
	[tilespmem:$0x12500] =	vst v63  }
0xe3: {  	s1 =	ssub.s32 s31, s25  }
0xe4: {  	s30 =	sadd.s32 $0x2E8, s1  }
0xe5: {  	p1 =	slt.s32 s30, $0x80;
	s1 =	smov.u32 s30  }
0xe6: {  	s1 =	simm.s32 @!p1 $0x80  }
0xe7: {  	s28 =	sshra.s32 s1, $0x1  }
0xe8: {  	p1 =	slt.s32 s28, $0x1  }
.Ltmp18:
0xe9: {  	_ = 	snop;
	(pc) =	sbr.rel @p1 .LBB2_37-.Ltmp18, $4  }
0xea: {  	_ = 	snop  }
0xeb: {  	_ =	swait.ge [sflag:s19], $0x2000  }
0xec: {  	[sflag:s19] =	ssyncset.done $0x0  }
0xed: {  	s31 =	simm.s32 $0xBD40;
	[sflag:s19] =	ssyncadd.s32 $0xFFFFE000  }
0xee: {  	p2 =	sne.s32 s28, $0x1  }
.Ltmp19:
0xef: {  	_ = 	snop;
	(pc) =	sbr.rel @!p2 .LBB2_32-.Ltmp19, $3  }
0xf0: {  	_ =	sdelay $0x1  }
0xf1: {  	v4 =	vld [tilespmem:s31+$0xFFFFFFF0]  }
0xf2: {  	v5 =	vld [tilespmem:s31+$0x30];
	s1 =	sadd.s32 $0xFFFFFFFF, s28;
	p1 =	por $0x0, $0x0  }
0xf3: {  	v8 =	vld [tilespmem:s31+$0x0]  }
0xf4: {  	v7 =	vld [tilespmem:s31+$0xFFFFFFD0]  }
0xf5: {  	v11 =	vld [tilespmem:s31+$0x10];
	p2 =	sne.s32 s1, $0x1  }
.Ltmp20:
0xf6: {  	v6 =	vld [tilespmem:s31+$0xFFFFFFE0];
	(pc) =	sbr.rel @!p2 .LBB2_34-.Ltmp20, $4  }
0xf7: {  	v9 =	vld [tilespmem:s31+$0x20]  }
0xf8: {  	v10 =	vld [tilespmem:s31+$0xFFFFFFC0];
	s31 =	simm.s32 $0xBDC0;
	v5 =	vadd.f32 v5, v4  }
0xf9: {  	v4 =	vld [tilespmem:s31+$0xFFFFFFF0]  }
0xfa: {  	s1 =	sadd.s32 $0xFFFFFFFF, s1;
	p1 =	por $0x1, $0x1;
	v12 =	vmovc v2;
	v13 =	vadd.f32 v11, v7;
	v7 =	vmovc v3;
	v11 =	vmov v1;
	v0 =	vadd.f32 v5, v0;
	v5 =	vld [tilespmem:s31+$0x30]  }
.LBB2_35:
0xfb: {  	p2 =	sne.s32 s1, $0x1;
	v14 =	vld [tilespmem:s31+$0x0]  }
0xfc: {  	v15 =	vld [tilespmem:s31+$0xFFFFFFD0];
	v7 =	vadd.f32 v13, v7;
	v9 =	vadd.f32 v9, v6  }
0xfd: {  	v13 =	vld [tilespmem:s31+$0x10];
	v16 =	vadd.f32 v8, v10  }
.Ltmp21:
0xfe: {  	v6 =	vld [tilespmem:s31+$0xFFFFFFE0];
	v11 =	vadd.f32 v9, v11;
	(pc) =	sbr.rel @p2 .LBB2_35-.Ltmp21, $4  }
0xff: {  	v9 =	vld [tilespmem:s31+$0x20];
	v5 =	vadd.f32 v5, v4;
	v12 =	vadd.f32 v16, v12  }
0x100: {  	v10 =	vld [tilespmem:s31+$0xFFFFFFC0];
	s31 =	sadd.s32 $0x80, s31;
	v8 =	vmov v14  }
0x101: {  	v4 =	vld [tilespmem:s31+$0xFFFFFFF0];
	v0 =	vadd.f32 v5, v0  }
0x102: {  	s1 =	sadd.s32 $0xFFFFFFFF, s1;
	v5 =	vld [tilespmem:s31+$0x30];
	v13 =	vadd.f32 v13, v15  }
.LBB2_36:
0x103: {  	v14 =	vld [tilespmem:s31+$0x0]  }
0x104: {  	v15 =	vld [tilespmem:s31+$0xFFFFFFD0]  }
0x105: {  	v17 =	vld [tilespmem:s31+$0xFFFFFFE0]  }
0x106: {  	v18 =	vld [tilespmem:s31+$0x20]  }
0x107: {  	v19 =	vld [tilespmem:s31+$0xFFFFFFC0]  }
0x108: {  	v16 =	vld [tilespmem:s31+$0x10]  }
0x109: {  	v6 =	vadd.f32 @p1 v9, v6;
	v8 =	vadd.f32 @p1 v8, v10  }
0x10a: {  	v7 =	vadd.f32 @p1 v13, v7;
	v4 =	vadd.f32 v5, v4  }
0x10b: {  	v5 =	vadd.f32 @p1 v6, v11;
	v6 =	vadd.f32 @p1 v8, v12  }
0x10c: {  	v62 =	vadd.f32 v18, v17;
	v63 =	vadd.f32 v14, v19  }
0x10d: {  	v0 =	vadd.f32 v4, v0;
	v4 =	vadd.f32 v16, v15;
	v1 =	vpsel p1, v5, v1  }
0x10e: {  	v3 =	vpsel p1, v7, v3;
	v2 =	vpsel p1, v6, v2;
	v1 =	vadd.f32 v62, v1  }
0x10f: {  	v2 =	vadd.f32 v63, v2;
	v3 =	vadd.f32 v4, v3  }
.LBB2_37:
0x110: {  	p1 =	sgt.s32 s30, $0x80  }
0x111: {  	p2 =	sgt.s32 s28, $0x3F;
	v4 =	vmul.f32 @!p1 $1.000000050e-03, v2  }
.Ltmp22:
0x112: {  	s1 =	sshll.u32 @!p1 s29, $0x6;
	v5 =	vmul.f32 @!p1 $1.000000050e-03, v3;
	(pc) =	sbr.rel @p2 .LBB2_44-.Ltmp22, $4  }
0x113: {  	s29 =	simm.f32 @!p1 $0.0e+00;
	[tilespmem:s1+$0x11D00] =	vst @!p1 v4;
	v4 =	vmul.f32 @!p1 $1.000000050e-03, v1  }
0x114: {  	s29 =	simm.f32 @p1 $1.000000000e+00;
	[tilespmem:s1+$0x11D10] =	vst @!p1 v5;
	v5 =	vmul.f32 @!p1 $1.000000050e-03, v0  }
0x115: {  	v2 =	vmul.f32 s29, v2;
	v3 =	vmul.f32 s29, v3;
	[tilespmem:s1+$0x11D20] =	vst @!p1 v4  }
0x116: {  	v1 =	vmul.f32 s29, v1;
	v0 =	vmul.f32 s29, v0;
	[tilespmem:s1+$0x11D30] =	vst @!p1 v5  }
0x117: {  	s29 =	ssub.s32 $0x40, s28  }
0x118: {  	p2 =	sne.s32 s29, $0x1  }
.Ltmp23:
0x119: {  	s1 =	sshll.u32 s28, $0x9;
	(pc) =	sbr.rel @!p2 .LBB2_39-.Ltmp23, $4  }
0x11a: {  	s1 =	sshra.s32 s1, $0x2  }
0x11b: {  	s28 =	sadd.s32 $0xBD40, s1  }
0x11c: {  	v4 =	vld [tilespmem:s28+$0xFFFFFFF0]  }
0x11d: {  	p1 =	por $0x0, $0x0;
	s1 =	sadd.s32 $0xFFFFFFFF, s29;
	v5 =	vld [tilespmem:s28+$0x30]  }
0x11e: {  	v8 =	vld [tilespmem:s28+$0x0]  }
0x11f: {  	v7 =	vld [tilespmem:s28+$0xFFFFFFD0]  }
0x120: {  	v11 =	vld [tilespmem:s28+$0x10];
	p2 =	sne.s32 s1, $0x1  }
.Ltmp24:
0x121: {  	v6 =	vld [tilespmem:s28+$0xFFFFFFE0];
	(pc) =	sbr.rel @!p2 .LBB2_41-.Ltmp24, $4  }
0x122: {  	v9 =	vld [tilespmem:s28+$0x20]  }
0x123: {  	v10 =	vld [tilespmem:s28+$0xFFFFFFC0];
	s28 =	sadd.s32 $0x80, s28;
	v5 =	vadd.f32 v5, v4  }
0x124: {  	v4 =	vld [tilespmem:s28+$0xFFFFFFF0]  }
0x125: {  	s1 =	sadd.s32 $0xFFFFFFFF, s1;
	p1 =	por $0x1, $0x1;
	v12 =	vmovc v2;
	v13 =	vadd.f32 v11, v7;
	v7 =	vmovc v3;
	v11 =	vmov v1;
	v0 =	vadd.f32 v5, v0;
	v5 =	vld [tilespmem:s28+$0x30]  }
.LBB2_42:
0x126: {  	p2 =	sne.s32 s1, $0x1;
	v14 =	vld [tilespmem:s28+$0x0]  }
0x127: {  	v15 =	vld [tilespmem:s28+$0xFFFFFFD0];
	v7 =	vadd.f32 v13, v7;
	v9 =	vadd.f32 v9, v6  }
0x128: {  	v13 =	vld [tilespmem:s28+$0x10];
	v16 =	vadd.f32 v8, v10  }
.Ltmp25:
0x129: {  	v6 =	vld [tilespmem:s28+$0xFFFFFFE0];
	v11 =	vadd.f32 v9, v11;
	(pc) =	sbr.rel @p2 .LBB2_42-.Ltmp25, $4  }
0x12a: {  	v9 =	vld [tilespmem:s28+$0x20];
	v5 =	vadd.f32 v5, v4;
	v12 =	vadd.f32 v16, v12  }
0x12b: {  	v10 =	vld [tilespmem:s28+$0xFFFFFFC0];
	s28 =	sadd.s32 $0x80, s28;
	v8 =	vmov v14  }
0x12c: {  	v4 =	vld [tilespmem:s28+$0xFFFFFFF0];
	v0 =	vadd.f32 v5, v0  }
0x12d: {  	s1 =	sadd.s32 $0xFFFFFFFF, s1;
	v5 =	vld [tilespmem:s28+$0x30];
	v13 =	vadd.f32 v13, v15  }
.LBB2_43:
0x12e: {  	v14 =	vld [tilespmem:s28+$0x0]  }
0x12f: {  	v15 =	vld [tilespmem:s28+$0xFFFFFFD0]  }
0x130: {  	v17 =	vld [tilespmem:s28+$0xFFFFFFE0]  }
0x131: {  	v18 =	vld [tilespmem:s28+$0x20]  }
0x132: {  	v19 =	vld [tilespmem:s28+$0xFFFFFFC0]  }
0x133: {  	v16 =	vld [tilespmem:s28+$0x10]  }
0x134: {  	v6 =	vadd.f32 @p1 v9, v6;
	v8 =	vadd.f32 @p1 v8, v10  }
0x135: {  	v7 =	vadd.f32 @p1 v13, v7;
	v4 =	vadd.f32 v5, v4  }
0x136: {  	v5 =	vadd.f32 @p1 v6, v11;
	v6 =	vadd.f32 @p1 v8, v12  }
0x137: {  	v62 =	vadd.f32 v18, v17;
	v63 =	vadd.f32 v14, v19  }
0x138: {  	v0 =	vadd.f32 v4, v0;
	v4 =	vadd.f32 v16, v15;
	v1 =	vpsel p1, v5, v1  }
0x139: {  	v3 =	vpsel p1, v7, v3;
	v2 =	vpsel p1, v6, v2;
	v1 =	vadd.f32 v62, v1  }
0x13a: {  	v2 =	vadd.f32 v63, v2;
	v3 =	vadd.f32 v4, v3  }
.LBB2_44:
0x13b: {  	s1 =	sadd.s32 $0x180, s25  }
0x13c: {  	s1 =	smulhi.u32 $0x10624DD3, s1;
	_ =	sdelay $0x1  }
0x13d: {  	s28 =	sadd.s32 @!p0 $0x380, s26;
	s29 =	sshrl.u32 s1, $0x6  }
0x13e: {  	s30 =	simm.s32 @!p0 $0xBD00;
	s1 =	simm.s32 @!p0 $0x80;
	s31 =	smul.u32 $0x3E8, s29  }
0x13f: {  	[tilespmem:s30], [sflag:$0x3] =	stream.indirect.gather @!p0 [hbm4b:s3+s1], $0x40, s28, s1, $0xb8;
	[tilespmem:$0x12500] =	vst v63  }
0x140: {  	s30 =	ssub.s32 s31, s25  }
0x141: {  	p1 =	slt.s32 s30, $0xFFFFFE18;
	s1 =	smov.u32 s30  }
0x142: {  	s1 =	simm.s32 @!p1 $0xFFFFFE18  }
0x143: {  	s1 =	sshra.s32 s1, $0x1  }
0x144: {  	s28 =	sadd.s32 $0x134, s1  }
0x145: {  	p1 =	slt.s32 s28, $0x1  }
.Ltmp26:
0x146: {  	_ = 	snop;
	(pc) =	sbr.rel @p1 .LBB2_51-.Ltmp26, $4  }
0x147: {  	_ = 	snop  }
0x148: {  	_ =	swait.ge [sflag:s20], $0x2000  }
0x149: {  	[sflag:s20] =	ssyncset.done $0x0  }
0x14a: {  	s31 =	simm.s32 $0xDD40;
	[sflag:s20] =	ssyncadd.s32 $0xFFFFE000  }
0x14b: {  	p2 =	sne.s32 s28, $0x1  }
.Ltmp27:
0x14c: {  	_ = 	snop;
	(pc) =	sbr.rel @!p2 .LBB2_46-.Ltmp27, $3  }
0x14d: {  	_ =	sdelay $0x1  }
0x14e: {  	v4 =	vld [tilespmem:s31+$0xFFFFFFF0]  }
0x14f: {  	v5 =	vld [tilespmem:s31+$0x30];
	s1 =	sadd.s32 $0xFFFFFFFF, s28;
	p1 =	por $0x0, $0x0  }
0x150: {  	v8 =	vld [tilespmem:s31+$0x0]  }
0x151: {  	v7 =	vld [tilespmem:s31+$0xFFFFFFD0]  }
0x152: {  	v11 =	vld [tilespmem:s31+$0x10];
	p2 =	sne.s32 s1, $0x1  }
.Ltmp28:
0x153: {  	v6 =	vld [tilespmem:s31+$0xFFFFFFE0];
	(pc) =	sbr.rel @!p2 .LBB2_48-.Ltmp28, $4  }
0x154: {  	v9 =	vld [tilespmem:s31+$0x20]  }
0x155: {  	v10 =	vld [tilespmem:s31+$0xFFFFFFC0];
	s31 =	simm.s32 $0xDDC0;
	v5 =	vadd.f32 v5, v4  }
0x156: {  	v4 =	vld [tilespmem:s31+$0xFFFFFFF0]  }
0x157: {  	s1 =	sadd.s32 $0xFFFFFFFF, s1;
	p1 =	por $0x1, $0x1;
	v12 =	vmovc v2;
	v13 =	vadd.f32 v11, v7;
	v7 =	vmovc v3;
	v11 =	vmov v1;
	v0 =	vadd.f32 v5, v0;
	v5 =	vld [tilespmem:s31+$0x30]  }
.LBB2_49:
0x158: {  	p2 =	sne.s32 s1, $0x1;
	v14 =	vld [tilespmem:s31+$0x0]  }
0x159: {  	v15 =	vld [tilespmem:s31+$0xFFFFFFD0];
	v7 =	vadd.f32 v13, v7;
	v9 =	vadd.f32 v9, v6  }
0x15a: {  	v13 =	vld [tilespmem:s31+$0x10];
	v16 =	vadd.f32 v8, v10  }
.Ltmp29:
0x15b: {  	v6 =	vld [tilespmem:s31+$0xFFFFFFE0];
	v11 =	vadd.f32 v9, v11;
	(pc) =	sbr.rel @p2 .LBB2_49-.Ltmp29, $4  }
0x15c: {  	v9 =	vld [tilespmem:s31+$0x20];
	v5 =	vadd.f32 v5, v4;
	v12 =	vadd.f32 v16, v12  }
0x15d: {  	v10 =	vld [tilespmem:s31+$0xFFFFFFC0];
	s31 =	sadd.s32 $0x80, s31;
	v8 =	vmov v14  }
0x15e: {  	v4 =	vld [tilespmem:s31+$0xFFFFFFF0];
	v0 =	vadd.f32 v5, v0  }
0x15f: {  	s1 =	sadd.s32 $0xFFFFFFFF, s1;
	v5 =	vld [tilespmem:s31+$0x30];
	v13 =	vadd.f32 v13, v15  }
.LBB2_50:
0x160: {  	v14 =	vld [tilespmem:s31+$0x0]  }
0x161: {  	v15 =	vld [tilespmem:s31+$0xFFFFFFD0]  }
0x162: {  	v17 =	vld [tilespmem:s31+$0xFFFFFFE0]  }
0x163: {  	v18 =	vld [tilespmem:s31+$0x20]  }
0x164: {  	v19 =	vld [tilespmem:s31+$0xFFFFFFC0]  }
0x165: {  	v16 =	vld [tilespmem:s31+$0x10]  }
0x166: {  	v6 =	vadd.f32 @p1 v9, v6;
	v8 =	vadd.f32 @p1 v8, v10  }
0x167: {  	v7 =	vadd.f32 @p1 v13, v7;
	v4 =	vadd.f32 v5, v4  }
0x168: {  	v5 =	vadd.f32 @p1 v6, v11;
	v6 =	vadd.f32 @p1 v8, v12  }
0x169: {  	v62 =	vadd.f32 v18, v17;
	v63 =	vadd.f32 v14, v19  }
0x16a: {  	v0 =	vadd.f32 v4, v0;
	v4 =	vadd.f32 v16, v15;
	v1 =	vpsel p1, v5, v1  }
0x16b: {  	v3 =	vpsel p1, v7, v3;
	v2 =	vpsel p1, v6, v2;
	v1 =	vadd.f32 v62, v1  }
0x16c: {  	v2 =	vadd.f32 v63, v2;
	v3 =	vadd.f32 v4, v3  }
.LBB2_51:
0x16d: {  	p1 =	sgt.s32 s30, $0xFFFFFE18  }
0x16e: {  	p2 =	sgt.s32 s28, $0x3F;
	v4 =	vmul.f32 @!p1 $1.000000050e-03, v2  }
.Ltmp30:
0x16f: {  	s1 =	sshll.u32 @!p1 s29, $0x6;
	v5 =	vmul.f32 @!p1 $1.000000050e-03, v3;
	(pc) =	sbr.rel @p2 .LBB2_58-.Ltmp30, $4  }
0x170: {  	s29 =	simm.f32 @!p1 $0.0e+00;
	[tilespmem:s1+$0x11D00] =	vst @!p1 v4;
	v4 =	vmul.f32 @!p1 $1.000000050e-03, v1  }
0x171: {  	s29 =	simm.f32 @p1 $1.000000000e+00;
	[tilespmem:s1+$0x11D10] =	vst @!p1 v5;
	v5 =	vmul.f32 @!p1 $1.000000050e-03, v0  }
0x172: {  	v2 =	vmul.f32 s29, v2;
	v3 =	vmul.f32 s29, v3;
	[tilespmem:s1+$0x11D20] =	vst @!p1 v4  }
0x173: {  	v1 =	vmul.f32 s29, v1;
	v0 =	vmul.f32 s29, v0;
	[tilespmem:s1+$0x11D30] =	vst @!p1 v5  }
0x174: {  	s29 =	ssub.s32 $0x40, s28  }
0x175: {  	p2 =	sne.s32 s29, $0x1  }
.Ltmp31:
0x176: {  	s1 =	sshll.u32 s28, $0x9;
	(pc) =	sbr.rel @!p2 .LBB2_53-.Ltmp31, $4  }
0x177: {  	s1 =	sshra.s32 s1, $0x2  }
0x178: {  	s28 =	sadd.s32 $0xDD40, s1  }
0x179: {  	v4 =	vld [tilespmem:s28+$0xFFFFFFF0]  }
0x17a: {  	p1 =	por $0x0, $0x0;
	s1 =	sadd.s32 $0xFFFFFFFF, s29;
	v5 =	vld [tilespmem:s28+$0x30]  }
0x17b: {  	v8 =	vld [tilespmem:s28+$0x0]  }
0x17c: {  	v7 =	vld [tilespmem:s28+$0xFFFFFFD0]  }
0x17d: {  	v11 =	vld [tilespmem:s28+$0x10];
	p2 =	sne.s32 s1, $0x1  }
.Ltmp32:
0x17e: {  	v6 =	vld [tilespmem:s28+$0xFFFFFFE0];
	(pc) =	sbr.rel @!p2 .LBB2_55-.Ltmp32, $4  }
0x17f: {  	v9 =	vld [tilespmem:s28+$0x20]  }
0x180: {  	v10 =	vld [tilespmem:s28+$0xFFFFFFC0];
	s28 =	sadd.s32 $0x80, s28;
	v5 =	vadd.f32 v5, v4  }
0x181: {  	v4 =	vld [tilespmem:s28+$0xFFFFFFF0]  }
0x182: {  	s1 =	sadd.s32 $0xFFFFFFFF, s1;
	p1 =	por $0x1, $0x1;
	v12 =	vmovc v2;
	v13 =	vadd.f32 v11, v7;
	v7 =	vmovc v3;
	v11 =	vmov v1;
	v0 =	vadd.f32 v5, v0;
	v5 =	vld [tilespmem:s28+$0x30]  }
.LBB2_56:
0x183: {  	p2 =	sne.s32 s1, $0x1;
	v14 =	vld [tilespmem:s28+$0x0]  }
0x184: {  	v15 =	vld [tilespmem:s28+$0xFFFFFFD0];
	v7 =	vadd.f32 v13, v7;
	v9 =	vadd.f32 v9, v6  }
0x185: {  	v13 =	vld [tilespmem:s28+$0x10];
	v16 =	vadd.f32 v8, v10  }
.Ltmp33:
0x186: {  	v6 =	vld [tilespmem:s28+$0xFFFFFFE0];
	v11 =	vadd.f32 v9, v11;
	(pc) =	sbr.rel @p2 .LBB2_56-.Ltmp33, $4  }
0x187: {  	v9 =	vld [tilespmem:s28+$0x20];
	v5 =	vadd.f32 v5, v4;
	v12 =	vadd.f32 v16, v12  }
0x188: {  	v10 =	vld [tilespmem:s28+$0xFFFFFFC0];
	s28 =	sadd.s32 $0x80, s28;
	v8 =	vmov v14  }
0x189: {  	v4 =	vld [tilespmem:s28+$0xFFFFFFF0];
	v0 =	vadd.f32 v5, v0  }
0x18a: {  	s1 =	sadd.s32 $0xFFFFFFFF, s1;
	v5 =	vld [tilespmem:s28+$0x30];
	v13 =	vadd.f32 v13, v15  }
.LBB2_57:
0x18b: {  	v14 =	vld [tilespmem:s28+$0x0]  }
0x18c: {  	v15 =	vld [tilespmem:s28+$0xFFFFFFD0]  }
0x18d: {  	v17 =	vld [tilespmem:s28+$0xFFFFFFE0]  }
0x18e: {  	v18 =	vld [tilespmem:s28+$0x20]  }
0x18f: {  	v19 =	vld [tilespmem:s28+$0xFFFFFFC0]  }
0x190: {  	v16 =	vld [tilespmem:s28+$0x10]  }
0x191: {  	v6 =	vadd.f32 @p1 v9, v6;
	v8 =	vadd.f32 @p1 v8, v10  }
0x192: {  	v7 =	vadd.f32 @p1 v13, v7;
	v4 =	vadd.f32 v5, v4  }
0x193: {  	v5 =	vadd.f32 @p1 v6, v11;
	v6 =	vadd.f32 @p1 v8, v12  }
0x194: {  	v62 =	vadd.f32 v18, v17;
	v63 =	vadd.f32 v14, v19  }
0x195: {  	v0 =	vadd.f32 v4, v0;
	v4 =	vadd.f32 v16, v15;
	v1 =	vpsel p1, v5, v1  }
0x196: {  	v3 =	vpsel p1, v7, v3;
	v2 =	vpsel p1, v6, v2;
	v1 =	vadd.f32 v62, v1  }
0x197: {  	v2 =	vadd.f32 v63, v2;
	v3 =	vadd.f32 v4, v3  }
.LBB2_58:
0x198: {  	s1 =	sadd.s32 $0x200, s25  }
0x199: {  	s1 =	smulhi.u32 $0x10624DD3, s1;
	_ =	sdelay $0x1  }
0x19a: {  	s28 =	sadd.s32 @!p0 $0x400, s26;
	s26 =	sshrl.u32 s1, $0x6  }
0x19b: {  	s29 =	simm.s32 @!p0 $0xDD00;
	s1 =	simm.s32 @!p0 $0x80;
	s30 =	smul.u32 $0x3E8, s26  }
0x19c: {  	[tilespmem:s29], [sflag:$0x4] =	stream.indirect.gather @!p0 [hbm4b:s3+s1], $0x40, s28, s1, $0xb8;
	[tilespmem:$0x12500] =	vst v63  }
0x19d: {  	s28 =	ssub.s32 s30, s25  }
0x19e: {  	p1 =	slt.s32 s28, $0xFFFFFE98;
	s1 =	smov.u32 s28  }
0x19f: {  	s1 =	simm.s32 @!p1 $0xFFFFFE98  }
0x1a0: {  	s1 =	sshra.s32 s1, $0x1  }
0x1a1: {  	s25 =	sadd.s32 $0xF4, s1  }
0x1a2: {  	p1 =	slt.s32 s25, $0x1  }
.Ltmp34:
0x1a3: {  	_ = 	snop;
	(pc) =	sbr.rel @p1 .LBB2_65-.Ltmp34, $4  }
0x1a4: {  	_ = 	snop  }
0x1a5: {  	_ =	swait.ge [sflag:s21], $0x2000  }
0x1a6: {  	[sflag:s21] =	ssyncset.done $0x0  }
0x1a7: {  	s29 =	simm.s32 $0xFD40;
	[sflag:s21] =	ssyncadd.s32 $0xFFFFE000  }
0x1a8: {  	p2 =	sne.s32 s25, $0x1  }
.Ltmp35:
0x1a9: {  	_ = 	snop;
	(pc) =	sbr.rel @!p2 .LBB2_60-.Ltmp35, $3  }
0x1aa: {  	_ =	sdelay $0x1  }
0x1ab: {  	v4 =	vld [tilespmem:s29+$0xFFFFFFF0]  }
0x1ac: {  	v5 =	vld [tilespmem:s29+$0x30];
	s1 =	sadd.s32 $0xFFFFFFFF, s25;
	p1 =	por $0x0, $0x0  }
0x1ad: {  	v8 =	vld [tilespmem:s29+$0x0]  }
0x1ae: {  	v7 =	vld [tilespmem:s29+$0xFFFFFFD0]  }
0x1af: {  	v11 =	vld [tilespmem:s29+$0x10];
	p2 =	sne.s32 s1, $0x1  }
.Ltmp36:
0x1b0: {  	v6 =	vld [tilespmem:s29+$0xFFFFFFE0];
	(pc) =	sbr.rel @!p2 .LBB2_62-.Ltmp36, $4  }
0x1b1: {  	v9 =	vld [tilespmem:s29+$0x20]  }
0x1b2: {  	v10 =	vld [tilespmem:s29+$0xFFFFFFC0];
	s29 =	simm.s32 $0xFDC0;
	v5 =	vadd.f32 v5, v4  }
0x1b3: {  	v4 =	vld [tilespmem:s29+$0xFFFFFFF0]  }
0x1b4: {  	s1 =	sadd.s32 $0xFFFFFFFF, s1;
	p1 =	por $0x1, $0x1;
	v12 =	vmovc v2;
	v13 =	vadd.f32 v11, v7;
	v7 =	vmovc v3;
	v11 =	vmov v1;
	v0 =	vadd.f32 v5, v0;
	v5 =	vld [tilespmem:s29+$0x30]  }
.LBB2_63:
0x1b5: {  	p2 =	sne.s32 s1, $0x1;
	v14 =	vld [tilespmem:s29+$0x0]  }
0x1b6: {  	v15 =	vld [tilespmem:s29+$0xFFFFFFD0];
	v7 =	vadd.f32 v13, v7;
	v9 =	vadd.f32 v9, v6  }
0x1b7: {  	v13 =	vld [tilespmem:s29+$0x10];
	v16 =	vadd.f32 v8, v10  }
.Ltmp37:
0x1b8: {  	v6 =	vld [tilespmem:s29+$0xFFFFFFE0];
	v11 =	vadd.f32 v9, v11;
	(pc) =	sbr.rel @p2 .LBB2_63-.Ltmp37, $4  }
0x1b9: {  	v9 =	vld [tilespmem:s29+$0x20];
	v5 =	vadd.f32 v5, v4;
	v12 =	vadd.f32 v16, v12  }
0x1ba: {  	v10 =	vld [tilespmem:s29+$0xFFFFFFC0];
	s29 =	sadd.s32 $0x80, s29;
	v8 =	vmov v14  }
0x1bb: {  	v4 =	vld [tilespmem:s29+$0xFFFFFFF0];
	v0 =	vadd.f32 v5, v0  }
0x1bc: {  	s1 =	sadd.s32 $0xFFFFFFFF, s1;
	v5 =	vld [tilespmem:s29+$0x30];
	v13 =	vadd.f32 v13, v15  }
.LBB2_64:
0x1bd: {  	v14 =	vld [tilespmem:s29+$0x0]  }
0x1be: {  	v15 =	vld [tilespmem:s29+$0xFFFFFFD0]  }
0x1bf: {  	v17 =	vld [tilespmem:s29+$0xFFFFFFE0]  }
0x1c0: {  	v18 =	vld [tilespmem:s29+$0x20]  }
0x1c1: {  	v19 =	vld [tilespmem:s29+$0xFFFFFFC0]  }
0x1c2: {  	v16 =	vld [tilespmem:s29+$0x10]  }
0x1c3: {  	v6 =	vadd.f32 @p1 v9, v6;
	v8 =	vadd.f32 @p1 v8, v10  }
0x1c4: {  	v7 =	vadd.f32 @p1 v13, v7;
	v4 =	vadd.f32 v5, v4  }
0x1c5: {  	v5 =	vadd.f32 @p1 v6, v11;
	v6 =	vadd.f32 @p1 v8, v12  }
0x1c6: {  	v62 =	vadd.f32 v18, v17;
	v63 =	vadd.f32 v14, v19  }
0x1c7: {  	v0 =	vadd.f32 v4, v0;
	v4 =	vadd.f32 v16, v15;
	v1 =	vpsel p1, v5, v1  }
0x1c8: {  	v3 =	vpsel p1, v7, v3;
	v2 =	vpsel p1, v6, v2;
	v1 =	vadd.f32 v62, v1  }
0x1c9: {  	v2 =	vadd.f32 v63, v2;
	v3 =	vadd.f32 v4, v3  }
.LBB2_65:
0x1ca: {  	p1 =	sgt.s32 s28, $0xFFFFFE98  }
0x1cb: {  	p2 =	sgt.s32 s25, $0x3F;
	v4 =	vmul.f32 @!p1 $1.000000050e-03, v2  }
.Ltmp38:
0x1cc: {  	s1 =	sshll.u32 @!p1 s26, $0x6;
	v5 =	vmul.f32 @!p1 $1.000000050e-03, v3;
	(pc) =	sbr.rel @p2 .LBB2_72-.Ltmp38, $4  }
0x1cd: {  	s26 =	simm.f32 @!p1 $0.0e+00;
	[tilespmem:s1+$0x11D00] =	vst @!p1 v4;
	v4 =	vmul.f32 @!p1 $1.000000050e-03, v1  }
0x1ce: {  	s26 =	simm.f32 @p1 $1.000000000e+00;
	[tilespmem:s1+$0x11D10] =	vst @!p1 v5;
	v5 =	vmul.f32 @!p1 $1.000000050e-03, v0  }
0x1cf: {  	v2 =	vmul.f32 s26, v2;
	v3 =	vmul.f32 s26, v3;
	[tilespmem:s1+$0x11D20] =	vst @!p1 v4  }
0x1d0: {  	v1 =	vmul.f32 s26, v1;
	v0 =	vmul.f32 s26, v0;
	[tilespmem:s1+$0x11D30] =	vst @!p1 v5  }
0x1d1: {  	s26 =	ssub.s32 $0x40, s25  }
0x1d2: {  	p2 =	sne.s32 s26, $0x1  }
.Ltmp39:
0x1d3: {  	s1 =	sshll.u32 s25, $0x9;
	(pc) =	sbr.rel @!p2 .LBB2_67-.Ltmp39, $4  }
0x1d4: {  	s1 =	sshra.s32 s1, $0x2  }
0x1d5: {  	s25 =	sadd.s32 $0xFD40, s1  }
0x1d6: {  	v4 =	vld [tilespmem:s25+$0xFFFFFFF0]  }
0x1d7: {  	p1 =	por $0x0, $0x0;
	s1 =	sadd.s32 $0xFFFFFFFF, s26;
	v5 =	vld [tilespmem:s25+$0x30]  }
0x1d8: {  	v8 =	vld [tilespmem:s25+$0x0]  }
0x1d9: {  	v7 =	vld [tilespmem:s25+$0xFFFFFFD0]  }
0x1da: {  	v11 =	vld [tilespmem:s25+$0x10];
	p2 =	sne.s32 s1, $0x1  }
.Ltmp40:
0x1db: {  	v6 =	vld [tilespmem:s25+$0xFFFFFFE0];
	(pc) =	sbr.rel @!p2 .LBB2_69-.Ltmp40, $4  }
0x1dc: {  	v9 =	vld [tilespmem:s25+$0x20]  }
0x1dd: {  	v10 =	vld [tilespmem:s25+$0xFFFFFFC0];
	s25 =	sadd.s32 $0x80, s25;
	v5 =	vadd.f32 v5, v4  }
0x1de: {  	v4 =	vld [tilespmem:s25+$0xFFFFFFF0]  }
0x1df: {  	s1 =	sadd.s32 $0xFFFFFFFF, s1;
	p1 =	por $0x1, $0x1;
	v12 =	vmovc v2;
	v13 =	vadd.f32 v11, v7;
	v7 =	vmovc v3;
	v11 =	vmov v1;
	v0 =	vadd.f32 v5, v0;
	v5 =	vld [tilespmem:s25+$0x30]  }
.LBB2_70:
0x1e0: {  	p2 =	sne.s32 s1, $0x1;
	v14 =	vld [tilespmem:s25+$0x0]  }
0x1e1: {  	v15 =	vld [tilespmem:s25+$0xFFFFFFD0];
	v7 =	vadd.f32 v13, v7;
	v9 =	vadd.f32 v9, v6  }
0x1e2: {  	v13 =	vld [tilespmem:s25+$0x10];
	v16 =	vadd.f32 v8, v10  }
.Ltmp41:
0x1e3: {  	v6 =	vld [tilespmem:s25+$0xFFFFFFE0];
	v11 =	vadd.f32 v9, v11;
	(pc) =	sbr.rel @p2 .LBB2_70-.Ltmp41, $4  }
0x1e4: {  	v9 =	vld [tilespmem:s25+$0x20];
	v5 =	vadd.f32 v5, v4;
	v12 =	vadd.f32 v16, v12  }
0x1e5: {  	v10 =	vld [tilespmem:s25+$0xFFFFFFC0];
	s25 =	sadd.s32 $0x80, s25;
	v8 =	vmov v14  }
0x1e6: {  	v4 =	vld [tilespmem:s25+$0xFFFFFFF0];
	v0 =	vadd.f32 v5, v0  }
0x1e7: {  	s1 =	sadd.s32 $0xFFFFFFFF, s1;
	v5 =	vld [tilespmem:s25+$0x30];
	v13 =	vadd.f32 v13, v15  }
.LBB2_71:
0x1e8: {  	v14 =	vld [tilespmem:s25+$0x0]  }
0x1e9: {  	v15 =	vld [tilespmem:s25+$0xFFFFFFD0]  }
0x1ea: {  	v17 =	vld [tilespmem:s25+$0xFFFFFFE0]  }
0x1eb: {  	v18 =	vld [tilespmem:s25+$0x20]  }
0x1ec: {  	v19 =	vld [tilespmem:s25+$0xFFFFFFC0]  }
0x1ed: {  	v16 =	vld [tilespmem:s25+$0x10]  }
0x1ee: {  	v6 =	vadd.f32 @p1 v9, v6;
	v8 =	vadd.f32 @p1 v8, v10  }
0x1ef: {  	v7 =	vadd.f32 @p1 v13, v7;
	v4 =	vadd.f32 v5, v4  }
0x1f0: {  	v5 =	vadd.f32 @p1 v6, v11;
	v6 =	vadd.f32 @p1 v8, v12  }
0x1f1: {  	v62 =	vadd.f32 v18, v17;
	v63 =	vadd.f32 v14, v19  }
0x1f2: {  	v0 =	vadd.f32 v4, v0;
	v4 =	vadd.f32 v16, v15;
	v1 =	vpsel p1, v5, v1  }
0x1f3: {  	v3 =	vpsel p1, v7, v3;
	v2 =	vpsel p1, v6, v2;
	v1 =	vadd.f32 v62, v1  }
0x1f4: {  	v2 =	vadd.f32 v63, v2;
	v3 =	vadd.f32 v4, v3  }
.LBB2_72:
.Ltmp42:
0x1f5: {  	(pc) =	sbr.rel @p0 .LBB2_74-.Ltmp42, $1  }
0x1f6: {  	_ =	sdelay $0x3  }
0x1f7: {  	s1 =	smul.u32 $0xA00, s24  }
.Ltmp43:
0x1f8: {  	_ = 	snop;
	(pc) =	sbr.rel .LBB2_2-.Ltmp43, $4  }
0x1f9: {  	_ = 	snop  }
0x1fa: {  	s1 =	sshra.s32 s1, $0x2  }
0x1fb: {  	s24 =	sadd.s32 $0x1, s24;
	s1 =	sadd.s32 $0x480, s1  }
0x1fc: {  	[tilespmem:s16], [sflag:$0x5] =	stream.indirect.gather [hbm4b:s3+s8], $0x40, s1, s8, $0xb8;
	[tilespmem:$0x12500] =	vst v63  }
.LBB2_4:
.Ltmp44:
0x1fd: {  	(pc) =	sbr.rel .LBB2_8-.Ltmp44, $2  }
0x1fe: {  	_ =	sdelay $0x2  }
0x1ff: {  	v7 =	vmov v3;
	v11 =	vmov v1;
	v12 =	vmov v2  }
.LBB2_18:
.Ltmp45:
0x200: {  	(pc) =	sbr.rel .LBB2_22-.Ltmp45, $2  }
0x201: {  	_ =	sdelay $0x2  }
0x202: {  	v7 =	vmov v3;
	v11 =	vmov v1;
	v12 =	vmov v2  }
.LBB2_32:
.Ltmp46:
0x203: {  	(pc) =	sbr.rel .LBB2_36-.Ltmp46, $2  }
0x204: {  	_ =	sdelay $0x2  }
0x205: {  	v7 =	vmov v3;
	v11 =	vmov v1;
	v12 =	vmov v2  }
.LBB2_46:
.Ltmp47:
0x206: {  	(pc) =	sbr.rel .LBB2_50-.Ltmp47, $2  }
0x207: {  	_ =	sdelay $0x2  }
0x208: {  	v7 =	vmov v3;
	v11 =	vmov v1;
	v12 =	vmov v2  }
.LBB2_60:
.Ltmp48:
0x209: {  	(pc) =	sbr.rel .LBB2_64-.Ltmp48, $2  }
0x20a: {  	_ =	sdelay $0x2  }
0x20b: {  	v7 =	vmov v3;
	v11 =	vmov v1;
	v12 =	vmov v2  }
.LBB2_6:
.Ltmp49:
0x20c: {  	(pc) =	sbr.rel .LBB2_8-.Ltmp49, $2  }
0x20d: {  	_ =	sdelay $0x2  }
0x20e: {  	v7 =	vmov v3;
	v11 =	vmov v1;
	v12 =	vmov v2  }
.LBB2_20:
.Ltmp50:
0x20f: {  	(pc) =	sbr.rel .LBB2_22-.Ltmp50, $2  }
0x210: {  	_ =	sdelay $0x2  }
0x211: {  	v7 =	vmov v3;
	v11 =	vmov v1;
	v12 =	vmov v2  }
.LBB2_34:
.Ltmp51:
0x212: {  	(pc) =	sbr.rel .LBB2_36-.Ltmp51, $2  }
0x213: {  	_ =	sdelay $0x2  }
0x214: {  	v7 =	vmov v3;
	v11 =	vmov v1;
	v12 =	vmov v2  }
.LBB2_48:
.Ltmp52:
0x215: {  	(pc) =	sbr.rel .LBB2_50-.Ltmp52, $2  }
0x216: {  	_ =	sdelay $0x2  }
0x217: {  	v7 =	vmov v3;
	v11 =	vmov v1;
	v12 =	vmov v2  }
.LBB2_62:
.Ltmp53:
0x218: {  	(pc) =	sbr.rel .LBB2_64-.Ltmp53, $2  }
0x219: {  	_ =	sdelay $0x2  }
0x21a: {  	v7 =	vmov v3;
	v11 =	vmov v1;
	v12 =	vmov v2  }
.LBB2_11:
.Ltmp54:
0x21b: {  	(pc) =	sbr.rel .LBB2_15-.Ltmp54, $2  }
0x21c: {  	_ =	sdelay $0x2  }
0x21d: {  	v7 =	vmov v3;
	v11 =	vmov v1;
	v12 =	vmov v2  }
.LBB2_25:
.Ltmp55:
0x21e: {  	(pc) =	sbr.rel .LBB2_29-.Ltmp55, $2  }
0x21f: {  	_ =	sdelay $0x2  }
0x220: {  	v7 =	vmov v3;
	v11 =	vmov v1;
	v12 =	vmov v2  }
.LBB2_39:
.Ltmp56:
0x221: {  	(pc) =	sbr.rel .LBB2_43-.Ltmp56, $2  }
0x222: {  	_ =	sdelay $0x2  }
0x223: {  	v7 =	vmov v3;
	v11 =	vmov v1;
	v12 =	vmov v2  }
.LBB2_53:
.Ltmp57:
0x224: {  	(pc) =	sbr.rel .LBB2_57-.Ltmp57, $2  }
0x225: {  	_ =	sdelay $0x2  }
0x226: {  	v7 =	vmov v3;
	v11 =	vmov v1;
	v12 =	vmov v2  }
.LBB2_67:
.Ltmp58:
0x227: {  	(pc) =	sbr.rel .LBB2_71-.Ltmp58, $2  }
0x228: {  	_ =	sdelay $0x2  }
0x229: {  	v7 =	vmov v3;
	v11 =	vmov v1;
	v12 =	vmov v2  }
.LBB2_13:
.Ltmp59:
0x22a: {  	(pc) =	sbr.rel .LBB2_15-.Ltmp59, $2  }
0x22b: {  	_ =	sdelay $0x2  }
0x22c: {  	v7 =	vmov v3;
	v11 =	vmov v1;
	v12 =	vmov v2  }
.LBB2_27:
.Ltmp60:
0x22d: {  	(pc) =	sbr.rel .LBB2_29-.Ltmp60, $2  }
0x22e: {  	_ =	sdelay $0x2  }
0x22f: {  	v7 =	vmov v3;
	v11 =	vmov v1;
	v12 =	vmov v2  }
.LBB2_41:
.Ltmp61:
0x230: {  	(pc) =	sbr.rel .LBB2_43-.Ltmp61, $2  }
0x231: {  	_ =	sdelay $0x2  }
0x232: {  	v7 =	vmov v3;
	v11 =	vmov v1;
	v12 =	vmov v2  }
.LBB2_55:
.Ltmp62:
0x233: {  	(pc) =	sbr.rel .LBB2_57-.Ltmp62, $2  }
0x234: {  	_ =	sdelay $0x2  }
0x235: {  	v7 =	vmov v3;
	v11 =	vmov v1;
	v12 =	vmov v2  }
.LBB2_69:
.Ltmp63:
0x236: {  	(pc) =	sbr.rel .LBB2_71-.Ltmp63, $2  }
0x237: {  	_ =	sdelay $0x2  }
0x238: {  	v7 =	vmov v3;
	v11 =	vmov v1;
	v12 =	vmov v2  }
.LBB2_75:
0x239: {  	_ =	sfence.sel $0x180000  }
0x23a: {  	[bflag:$0x0] =	sbarrier.arrive $0xFFFF  }
0x23b: {  	_ =	strace $0x90000047  }
0x23c: {  	[bflag:$0x2] =	sbarrier.arrive $0xFFFF  }
0x23d: {  	p0 =	sne.s32 s0, $0x0;
	s0 =	rddreg [dreg:$0x1]  }
0x23e: {  	s0 =	sadd.s32 @!p0 $0x100000, s0  }
0x23f: {  	[sflag:s0] =	ssyncadd.tile.s32 @!p0 $0x1;
	_ =	shalt  }
.Lfunc_end2:
_tile_overlayer_lowered:
.L_overlay_start_2:
0x240: {  	(tag) =	ssettag $0x2  }
0x241: {  	s0 =	rddreg [dreg:$0x0];
	s2 =	stileid.u32  }
0x242: {  	s1 =	rddreg [dreg:$0x1];
	p0 =	sne.s32 s2, $0x0  }
0x243: {  	s3 =	rddreg [dreg:$0x2];
	[bflag:$0x3] =	sbarrier.arrive $0xFFFF;
	s2 =	simm.s32 @!p0 $0x1C06  }
0x244: {  	[timem:s3], [sflag:s2] =	dma.local @!p0 [hbm:s0], s1  }
0x245: {  	s0 =	simm.s32 @!p0 $0x6  }
0x246: {  	_ =	swait.ge @!p0 [sflag:s0], s1  }
0x247: {  	s1 =	ssub.s32 @!p0 $0x0, s1;
	[sflag:s0] =	ssyncset.done @!p0 $0x0  }
0x248: {  	[sflag:s0] =	ssyncadd.s32 @!p0 s1  }
0x249: {  	[bflag:$0x3] =	sbarrier.arrive $0xFFFF  }
0x24a: {  	_ =	shalt  }

</sc_bundles>
